<compile_context>
chip_gen: v7x
topology: tpu7x:2x2x1
jax: 0.10.2.dev20260603
libtpu: 0.0.44.dev20260713+nightly
codegen_flags: <defaults>
</compile_context>

<pallas_src>
import functools

import jax
import jax.numpy as jnp
from jax import lax
from jax.experimental import pallas as pl
from jax.experimental.pallas import tpu as pltpu
from jax.experimental.pallas import tpu_sc as plsc

B, H, S, D = 8, 12, 4096, 64
MAXK = 2048
BH = B * H
NC, NS, L = 2, 16, 16
NW = NC * NS
ROWS_PER_W = BH // NW
GCH = 128
NG = MAXK // GCH



def _scores_body(k_ref, v_ref, w1_ref, b1_ref, w2_ref, b2_ref,
                 rec_ref, out_ref, kv_ref):
    kk = k_ref[0]
    vv = v_ref[0]
    x = jnp.concatenate([kk, vv], axis=1)
    kv_ref[...] = x
    h = jnp.dot(x, w1_ref[...], preferred_element_type=jnp.float32)
    h = jnp.maximum(h + b1_ref[...], 0.0)
    s = lax.dot_general(w2_ref[...], h, (((0,), (1,)), ((), ())),
                        preferred_element_type=jnp.float32)
    out_ref[0] = s + b2_ref[...] + rec_ref[...]


def _compute_scores(k2, v2, W1, b1, W2, b2, rec):
    return pl.pallas_call(
        _scores_body,
        grid=(BH,),
        in_specs=[
            pl.BlockSpec((1, S, D), lambda i: (i, 0, 0)),
            pl.BlockSpec((1, S, D), lambda i: (i, 0, 0)),
            pl.BlockSpec((2 * D, 256), lambda i: (0, 0)),
            pl.BlockSpec((1, 256), lambda i: (0, 0)),
            pl.BlockSpec((256, 1), lambda i: (0, 0)),
            pl.BlockSpec((1, 1), lambda i: (0, 0)),
            pl.BlockSpec((1, S), lambda i: (0, 0)),
        ],
        out_specs=[pl.BlockSpec((1, 1, S), lambda i: (i, 0, 0)),
                   pl.BlockSpec((S, 2 * D), lambda i: (i, 0))],
        out_shape=[jax.ShapeDtypeStruct((BH, 1, S), jnp.float32),
                   jax.ShapeDtypeStruct((BH * S, 2 * D), jnp.float32)],
    )(k2, v2, W1, b1.reshape(1, 256), W2, b2.reshape(1, 1), rec)



def _mask_body(s_ref, m_ref):
    x = s_ref[...]
    I32MIN = jnp.int32(-2**31)
    bits = lax.bitcast_convert_type(x, jnp.int32)
    key = bits ^ (lax.shift_right_arithmetic(bits, 31) & jnp.int32(0x7FFFFFFF))

    def step(i, prefix_u):
        bitmask = lax.shift_left(jnp.int32(1), jnp.int32(31) - i)
        cand_u = prefix_u | bitmask
        s_cand = cand_u ^ I32MIN
        cnt = jnp.sum((key >= s_cand).astype(jnp.int32), axis=1, keepdims=True)
        return jnp.where(cnt >= MAXK, cand_u, prefix_u)

    prefix_u = lax.fori_loop(0, 32, step, jnp.zeros((8, 1), jnp.int32))
    sT = prefix_u ^ I32MIN

    gt = key > sT
    eqm = key == sT
    cnt_gt = jnp.sum(gt.astype(jnp.int32), axis=1, keepdims=True)
    m = MAXK - cnt_gt
    c = eqm.astype(jnp.int32)
    dshift = 1
    while dshift < S:
        shifted = jnp.concatenate(
            [jnp.zeros((8, dshift), jnp.int32), c[:, : S - dshift]], axis=1)
        c = c + shifted
        dshift *= 2
    sel = gt | (eqm & (c <= m))
    m_ref[...] = sel.astype(jnp.int32)


def _compute_mask(scores2d):
    return pl.pallas_call(
        _mask_body,
        grid=(BH // 8,),
        in_specs=[pl.BlockSpec((8, S), lambda i: (i, 0))],
        out_specs=pl.BlockSpec((8, S), lambda i: (i, 0)),
        out_shape=jax.ShapeDtypeStruct((BH, S), jnp.int32),
    )(scores2d)



NBUF = 4


def _sc_body(mask_hbm, kv_hbm, sel_hbm, mask_v, idx_v, bufs, isems, osems):
    wid = lax.axis_index("s") * NC + lax.axis_index("c")
    for j in range(ROWS_PER_W):
        r = wid * ROWS_PER_W + j
        pltpu.sync_copy(mask_hbm.at[pl.ds(r * S, S)], mask_v)
        base = (r * S).astype(jnp.int32)

        def chunk_body(c, cnt):
            mv = mask_v[pl.ds(c * L, L)]
            msk = mv > 0
            cum = plsc.cumsum(mv)
            lane = lax.iota(jnp.int32, L)
            vals = base + c * L + lane
            pos = jnp.where(msk, cnt + cum - 1, MAXK + lane)
            plsc.store_scatter(idx_v, [pos], vals)
            return cnt + jnp.max(cum)

        lax.fori_loop(0, S // L, chunk_body, jnp.int32(0))

        def start_in(g):
            idxs = idx_v.at[pl.ds(g * GCH, GCH)]
            return pltpu.async_copy(kv_hbm.at[idxs], bufs[g % NBUF],
                                    isems[g % NBUF])

        def start_out(g):
            obase = r * MAXK + g * GCH
            return pltpu.async_copy(bufs[g % NBUF],
                                    sel_hbm.at[pl.ds(obase, GCH)],
                                    osems[g % NBUF])

        in_cp, out_cp = {}, {}
        for g in range(NBUF - 1):
            in_cp[g] = start_in(g)
        for g in range(NG):
            nxt = g + NBUF - 1
            if nxt < NG:
                if g >= 1:
                    out_cp[g - 1].wait()
                in_cp[nxt] = start_in(nxt)
            in_cp[g].wait()
            out_cp[g] = start_out(g)
        for g in range(NG - NBUF, NG):
            out_cp[g].wait()


@functools.cache
def _sc_gather():
    return pl.kernel(
        _sc_body,
        out_type=jax.ShapeDtypeStruct((BH * MAXK, 2 * D), jnp.float32),
        mesh=plsc.VectorSubcoreMesh(core_axis_name="c", subcore_axis_name="s",
                                    num_cores=NC, num_subcores=NS),
        compiler_params=pltpu.CompilerParams(needs_layout_passes=False,
                                             use_tc_tiling_on_sc=True),
        scratch_types=[
            pltpu.VMEM((S,), jnp.int32),
            pltpu.VMEM((MAXK + L,), jnp.int32),
            [pltpu.VMEM((GCH, 2 * D), jnp.float32) for _ in range(NBUF)],
            [pltpu.SemaphoreType.DMA for _ in range(NBUF)],
            [pltpu.SemaphoreType.DMA for _ in range(NBUF)],
        ],
    )



SPL = 4096


def _split_body(s_ref, ko_ref, vo_ref):
    x = s_ref[...]
    ko_ref[...] = x[:, :D]
    vo_ref[...] = x[:, D:]


def _split(sel):
    return pl.pallas_call(
        _split_body,
        grid=(BH * MAXK // SPL,),
        in_specs=[pl.BlockSpec((SPL, 2 * D), lambda i: (i, 0))],
        out_specs=[pl.BlockSpec((SPL, D), lambda i: (i, 0)),
                   pl.BlockSpec((SPL, D), lambda i: (i, 0))],
        out_shape=[jax.ShapeDtypeStruct((BH * MAXK, D), jnp.float32),
                   jax.ShapeDtypeStruct((BH * MAXK, D), jnp.float32)],
    )(sel)



def kernel(k, v, query, W1, b1, W2, b2):
    del query
    k2 = k.reshape(BH, S, D)
    v2 = v.reshape(BH, S, D)
    rec = jnp.linspace(0.0, 1.0, S, dtype=jnp.float32).reshape(1, S)
    scores, kv_cat = _compute_scores(k2, v2, W1, b1, W2, b2, rec)
    mask = _compute_mask(scores.reshape(BH, S))
    sel = _sc_gather()(mask.reshape(BH * S), kv_cat)
    ko, vo = _split(sel)
    return (ko.reshape(B, H, MAXK, D), vo.reshape(B, H, MAXK, D))

# --- scband reference (transcript-rebuilt; emitter-appended) ---
"""Pipeline reference for scband-selective-kvcache-84963043049699 (READ-ONLY COPY).

The authoritative reference and input builder live on the scoring server;
editing this copy changes nothing except your own understanding.
"""

import jax, jax.numpy as jnp
import numpy as np

MAX_SIZE = 2048

def setup_inputs(seed: int = 0) -> dict:
    key = jax.random.key(seed)
    ks = jax.random.split(key, 6)
    B, H, S, D = 8, 12, 4096, 64
    k = jax.random.normal(ks[0], (B, H, S, D), dtype=jnp.float32)
    v = jax.random.normal(ks[1], (B, H, S, D), dtype=jnp.float32)
    query = jax.random.normal(ks[2], (B, H, 1, D), dtype=jnp.float32)
    # importance_net params: Linear(2*D -> 256), ReLU, Linear(256 -> 1)
    W1 = jax.random.normal(ks[3], (2 * D, 256), dtype=jnp.float32) * (1.0 / np.sqrt(2 * D))
    b1 = jnp.zeros((256,), dtype=jnp.float32)
    W2 = jax.random.normal(ks[4], (256, 1), dtype=jnp.float32) * (1.0 / np.sqrt(256))
    b2 = jnp.zeros((1,), dtype=jnp.float32)
    return {"k": k, "v": v, "query": query, "W1": W1, "b1": b1, "W2": W2, "b2": b2}

def reference(k, v, query, W1, b1, W2, b2):
    B, H, S, D = k.shape
    if S <= MAX_SIZE:
        return (k, v)
    kv_concat = jnp.concatenate([k, v], axis=-1)              # [B,H,S,2D]
    h = jax.nn.relu(kv_concat @ W1 + b1)                      # [B,H,S,256]
    scores = (h @ W2 + b2)[..., 0]                            # [B,H,S]
    recency_bias = jnp.linspace(0.0, 1.0, S, dtype=jnp.float32)
    scores = scores + recency_bias.reshape(1, 1, S)
    _, top_indices = jax.lax.top_k(scores, MAX_SIZE)          # [B,H,max_size]
    top_indices = jnp.sort(top_indices, axis=-1)
    idx = jnp.broadcast_to(top_indices[..., None], (B, H, MAX_SIZE, D))
    k_selected = jnp.take_along_axis(k, idx, axis=2)
    v_selected = jnp.take_along_axis(v, idx, axis=2)
    return (k_selected, v_selected)

if __name__ == "__main__":
    import jax
    _d = setup_inputs()
    print(jax.jit(kernel)(*tuple(_d.values())))

</pallas_src>

<mosaic_0001>
#map = affine_map<(d0, d1) -> (0)>
#map1 = affine_map<(d0, d1) -> (0, 0)>
module attributes {stable_mosaic.version = 14 : i64} {
  func.func @_sc_body(%arg0: i32, %arg1: i32, %arg2: memref<393216xi32, #tpu.memory_space<hbm>>, %arg3: memref<393216x128xf32, #tpu.memory_space<hbm>>, %arg4: memref<196608x128xf32, #tpu.memory_space<hbm>>, %arg5: memref<4096xi32, #tpu.memory_space<vmem>>, %arg6: memref<2064xi32, #tpu.memory_space<vmem>>, %arg7: memref<128x128xf32, #tpu.memory_space<vmem>>, %arg8: memref<128x128xf32, #tpu.memory_space<vmem>>, %arg9: memref<128x128xf32, #tpu.memory_space<vmem>>, %arg10: memref<128x128xf32, #tpu.memory_space<vmem>>, %arg11: memref<!tpu.dma_semaphore, #tpu.memory_space<semaphore_mem>>, %arg12: memref<!tpu.dma_semaphore, #tpu.memory_space<semaphore_mem>>, %arg13: memref<!tpu.dma_semaphore, #tpu.memory_space<semaphore_mem>>, %arg14: memref<!tpu.dma_semaphore, #tpu.memory_space<semaphore_mem>>, %arg15: memref<!tpu.dma_semaphore, #tpu.memory_space<semaphore_mem>>, %arg16: memref<!tpu.dma_semaphore, #tpu.memory_space<semaphore_mem>>, %arg17: memref<!tpu.dma_semaphore, #tpu.memory_space<semaphore_mem>>, %arg18: memref<!tpu.dma_semaphore, #tpu.memory_space<semaphore_mem>>) attributes {dimension_semantics = [#tpu.dimension_semantics<core_parallel>, #tpu.dimension_semantics<subcore_parallel>], iteration_bounds = array<i64: 2, 16>, scalar_prefetch = 0 : i64, scratch_operands = 14 : i64, tpu.core_type = #tpu.core_type<sc_vector_subcore>, window_params = [{transform_indices = #map}, {transform_indices = #map1}, {transform_indices = #map1}]} {
    %mul3A = arith.constant 2 : i32
    %mul3A_0 = arith.muli %arg1, %mul3A : i32
    %add3A = arith.addi %mul3A_0, %arg0 : i32
    %mul3A_1 = arith.constant 3 : i32
    %mul3A_2 = arith.muli %add3A, %mul3A_1 : i32
    %add3A_3 = arith.constant 0 : i32
    %add3A_4 = arith.addi %mul3A_2, %add3A_3 : i32
    %mul3A_5 = arith.constant 4096 : i32
    %mul3A_6 = arith.muli %add3A_4, %mul3A_5 : i32
    "tpu.region"() ({
      %run_scoped3A = tpu.sem_alloc : memref<!tpu.dma_semaphore, #tpu.memory_space<semaphore_mem>>
      %dma_start3A_1099 = tpu.memref_slice %arg2[%mul3A_6] : memref<393216xi32, #tpu.memory_space<hbm>> -> memref<4096xi32, #tpu.memory_space<hbm>>
      %dma_start3A_1100 = tpu.memref_slice %arg2[%mul3A_6] : memref<393216xi32, #tpu.memory_space<hbm>> -> memref<4096xi32, #tpu.memory_space<hbm>>
      tpu.enqueue_dma source(%dma_start3A_1100 : memref<4096xi32, #tpu.memory_space<hbm>>) target(%arg5 : memref<4096xi32, #tpu.memory_space<vmem>>) target_semaphore(%run_scoped3A : memref<!tpu.dma_semaphore, #tpu.memory_space<semaphore_mem>>)
      %dma_wait3A_1101 = tpu.memref_slice %arg2[%mul3A_6] : memref<393216xi32, #tpu.memory_space<hbm>> -> memref<4096xi32, #tpu.memory_space<hbm>>
      %dma_wait3A_1102 = tpu.memref_slice %arg2[%mul3A_6] : memref<393216xi32, #tpu.memory_space<hbm>> -> memref<4096xi32, #tpu.memory_space<hbm>>
      tpu.wait_dma2 semaphore(%run_scoped3A : memref<!tpu.dma_semaphore, #tpu.memory_space<semaphore_mem>>) src(%dma_wait3A_1102 : memref<4096xi32, #tpu.memory_space<hbm>>) dst(%arg5 : memref<4096xi32, #tpu.memory_space<vmem>>)
      tpu.yield
    }) : () -> ()
    %mul3A_7 = arith.constant 4096 : i32
    %mul3A_8 = arith.muli %add3A_4, %mul3A_7 : i32
    %scan3A = arith.constant 0 : i32
    %scan3A_9 = arith.constant 0 : i32
    %scan3A_10 = arith.constant 256 : i32
    %scan3A_11 = arith.addi %scan3A_9, %scan3A_10 : i32
    %scan3A_12 = arith.constant 1 : i32
    %scan3A_13 = scf.for %scan3A_1099 = %scan3A_9 to %scan3A_11 step %scan3A_12 iter_args(%scan3A_1100 = %scan3A) -> (i32)  : i32 {
      %mul3A_1101 = arith.constant 16 : i32
      %mul3A_1102 = arith.muli %scan3A_1099, %mul3A_1101 : i32
      %get3A = arith.index_cast %mul3A_1102 : i32 to index
      %get3A_1103 = tpu.vector_load %arg5[%get3A] {strides = array<i32>} : memref<4096xi32, #tpu.memory_space<vmem>>, vector<16xi32>,
      %gt3A = arith.constant 0 : i32
      %gt3A_1104 = vector.broadcast %gt3A : i32 to vector<16xi32>
      %gt3A_1105 = arith.cmpi sgt, %get3A_1103, %gt3A_1104 : vector<16xi32>
      %broadcast_in_dim3A = arith.constant true
      %broadcast_in_dim3A_1106 = vector.broadcast %broadcast_in_dim3A : i1 to vector<16xi1>
      %masked_cumsum3A = tpu.scan <sum>, %get3A_1103 masked %broadcast_in_dim3A_1106 : vector<16xi32>, vector<16xi1> -> vector<16xi32>
      %iota3A = tpu.iota {dimensions = array<i32: 0>} : vector<16xi32>
      %mul3A_1107 = arith.constant 16 : i32
      %mul3A_1108 = arith.muli %scan3A_1099, %mul3A_1107 : i32
      %add3A_1109 = arith.addi %mul3A_8, %mul3A_1108 : i32
      %add3A_1110 = vector.broadcast %add3A_1109 : i32 to vector<16xi32>
      %add3A_1111 = arith.addi %add3A_1110, %iota3A : vector<16xi32>
      %add3A_1112 = vector.broadcast %scan3A_1100 : i32 to vector<16xi32>
      %add3A_1113 = arith.addi %add3A_1112, %masked_cumsum3A : vector<16xi32>
      %sub3A = arith.constant 1 : i32
      %sub3A_1114 = vector.broadcast %sub3A : i32 to vector<16xi32>
      %sub3A_1115 = arith.subi %add3A_1113, %sub3A_1114 : vector<16xi32>
      %add3A_1116 = arith.constant 2048 : i32
      %add3A_1117 = vector.broadcast %add3A_1116 : i32 to vector<16xi32>
      %add3A_1118 = arith.addi %add3A_1117, %iota3A : vector<16xi32>
      %select_n3A = arith.select %gt3A_1105, %sub3A_1115, %add3A_1118 : vector<16xi1>, vector<16xi32>
      tpu.vector_store_idx %arg6[%select_n3A], %add3A_1111 : memref<2064xi32, #tpu.memory_space<vmem>>[vector<16xi32>], vector<16xi32>,
      %reduce_max3A = arith.constant true
      %reduce_max3A_1119 = vector.broadcast %reduce_max3A : i1 to vector<16xi1>
      %reduce_max3A_1120 = arith.constant -2147483648 : i32
      %reduce_max3A_1121 = vector.broadcast %reduce_max3A_1120 : i32 to vector<16xi32>
      %reduce_max3A_1122 = arith.xori %masked_cumsum3A, %reduce_max3A_1121 : vector<16xi32>
      %reduce_max3A_1123 = tpu.scan <max>, %reduce_max3A_1122 masked %reduce_max3A_1119 : vector<16xi32>, vector<16xi1> -> vector<16xi32>
      %reduce_max3A_1124 = arith.xori %reduce_max3A_1123, %reduce_max3A_1121 : vector<16xi32>
      %reduce_max3A_1125 = vector.extract %reduce_max3A_1124[15] : i32 from vector<16xi32>
      %add3A_1126 = arith.addi %scan3A_1100, %reduce_max3A_1125 : i32
      scf.yield %add3A_1126 : i32
    }
    %scan3A_14 = arith.constant 256 : i32
    %dma_start3A = arith.constant 0 : i32
    %dma_start3A_15 = tpu.memref_slice %arg6[%dma_start3A] : memref<2064xi32, #tpu.memory_space<vmem>> -> memref<128xi32, #tpu.memory_space<vmem>>
    %dma_start3A_16 = arith.constant 0 : i32
    %dma_start3A_17 = arith.constant 0 : i32
    %dma_start3A_18 = tpu.memref_slice %arg3[%dma_start3A_16, %dma_start3A_17] : memref<393216x128xf32, #tpu.memory_space<hbm>> -> memref<393216x128xf32, #tpu.memory_space<hbm>>
    tpu.enqueue_indirect_dma source(%dma_start3A_18 : memref<393216x128xf32, #tpu.memory_space<hbm>>) target(%arg7 : memref<128x128xf32, #tpu.memory_space<vmem>>) offsets(%dma_start3A_15 : memref<128xi32, #tpu.memory_space<vmem>>) semaphore(%arg11 : memref<!tpu.dma_semaphore, #tpu.memory_space<semaphore_mem>>)
    %dma_start3A_19 = arith.constant 128 : i32
    %dma_start3A_20 = tpu.memref_slice %arg6[%dma_start3A_19] : memref<2064xi32, #tpu.memory_space<vmem>> -> memref<128xi32, #tpu.memory_space<vmem>>
    %dma_start3A_21 = arith.constant 0 : i32
    %dma_start3A_22 = arith.constant 0 : i32
    %dma_start3A_23 = tpu.memref_slice %arg3[%dma_start3A_21, %dma_start3A_22] : memref<393216x128xf32, #tpu.memory_space<hbm>> -> memref<393216x128xf32, #tpu.memory_space<hbm>>
    tpu.enqueue_indirect_dma source(%dma_start3A_23 : memref<393216x128xf32, #tpu.memory_space<hbm>>) target(%arg8 : memref<128x128xf32, #tpu.memory_space<vmem>>) offsets(%dma_start3A_20 : memref<128xi32, #tpu.memory_space<vmem>>) semaphore(%arg12 : memref<!tpu.dma_semaphore, #tpu.memory_space<semaphore_mem>>)
    %dma_start3A_24 = arith.constant 256 : i32
    %dma_start3A_25 = tpu.memref_slice %arg6[%dma_start3A_24] : memref<2064xi32, #tpu.memory_space<vmem>> -> memref<128xi32, #tpu.memory_space<vmem>>
    %dma_start3A_26 = arith.constant 0 : i32
    %dma_start3A_27 = arith.constant 0 : i32
    %dma_start3A_28 = tpu.memref_slice %arg3[%dma_start3A_26, %dma_start3A_27] : memref<393216x128xf32, #tpu.memory_space<hbm>> -> memref<393216x128xf32, #tpu.memory_space<hbm>>
    tpu.enqueue_indirect_dma source(%dma_start3A_28 : memref<393216x128xf32, #tpu.memory_space<hbm>>) target(%arg9 : memref<128x128xf32, #tpu.memory_space<vmem>>) offsets(%dma_start3A_25 : memref<128xi32, #tpu.memory_space<vmem>>) semaphore(%arg13 : memref<!tpu.dma_semaphore, #tpu.memory_space<semaphore_mem>>)
    %dma_start3A_29 = arith.constant 384 : i32
    %dma_start3A_30 = tpu.memref_slice %arg6[%dma_start3A_29] : memref<2064xi32, #tpu.memory_space<vmem>> -> memref<128xi32, #tpu.memory_space<vmem>>
    %dma_start3A_31 = arith.constant 0 : i32
    %dma_start3A_32 = arith.constant 0 : i32
    %dma_start3A_33 = tpu.memref_slice %arg3[%dma_start3A_31, %dma_start3A_32] : memref<393216x128xf32, #tpu.memory_space<hbm>> -> memref<393216x128xf32, #tpu.memory_space<hbm>>
    tpu.enqueue_indirect_dma source(%dma_start3A_33 : memref<393216x128xf32, #tpu.memory_space<hbm>>) target(%arg10 : memref<128x128xf32, #tpu.memory_space<vmem>>) offsets(%dma_start3A_30 : memref<128xi32, #tpu.memory_space<vmem>>) semaphore(%arg14 : memref<!tpu.dma_semaphore, #tpu.memory_space<semaphore_mem>>)
    %dma_wait3A = arith.constant 0 : i32
    %dma_wait3A_34 = tpu.memref_slice %arg6[%dma_wait3A] : memref<2064xi32, #tpu.memory_space<vmem>> -> memref<128xi32, #tpu.memory_space<vmem>>
    %dma_wait3A_35 = arith.constant 0 : i32
    %dma_wait3A_36 = arith.constant 0 : i32
    %dma_wait3A_37 = tpu.memref_slice %arg3[%dma_wait3A_35, %dma_wait3A_36] : memref<393216x128xf32, #tpu.memory_space<hbm>> -> memref<393216x128xf32, #tpu.memory_space<hbm>>
    tpu.wait_indirect_dma semaphore(%arg11 : memref<!tpu.dma_semaphore, #tpu.memory_space<semaphore_mem>>) src(%dma_wait3A_37 : memref<393216x128xf32, #tpu.memory_space<hbm>>) dst(%arg7 : memref<128x128xf32, #tpu.memory_space<vmem>>)
    %mul3A_38 = arith.constant 2048 : i32
    %mul3A_39 = arith.muli %add3A_4, %mul3A_38 : i32
    %add3A_40 = arith.constant 0 : i32
    %add3A_41 = arith.addi %mul3A_39, %add3A_40 : i32
    %dma_start3A_42 = arith.constant 0 : i32
    %dma_start3A_43 = tpu.memref_slice %arg4[%add3A_41, %dma_start3A_42] : memref<196608x128xf32, #tpu.memory_space<hbm>> -> memref<128x128xf32, #tpu.memory_space<hbm>>
    %dma_start3A_44 = arith.constant 0 : i32
    %dma_start3A_45 = tpu.memref_slice %arg4[%add3A_41, %dma_start3A_44] : memref<196608x128xf32, #tpu.memory_space<hbm>> -> memref<128x128xf32, #tpu.memory_space<hbm>>
    tpu.enqueue_dma source(%arg7 : memref<128x128xf32, #tpu.memory_space<vmem>>) target(%dma_start3A_45 : memref<128x128xf32, #tpu.memory_space<hbm>>) target_semaphore(%arg15 : memref<!tpu.dma_semaphore, #tpu.memory_space<semaphore_mem>>)
    %dma_wait3A_46 = arith.constant 0 : i32
    %dma_wait3A_47 = tpu.memref_slice %arg4[%add3A_41, %dma_wait3A_46] : memref<196608x128xf32, #tpu.memory_space<hbm>> -> memref<128x128xf32, #tpu.memory_space<hbm>>
    %dma_wait3A_48 = arith.constant 0 : i32
    %dma_wait3A_49 = tpu.memref_slice %arg4[%add3A_41, %dma_wait3A_48] : memref<196608x128xf32, #tpu.memory_space<hbm>> -> memref<128x128xf32, #tpu.memory_space<hbm>>
    tpu.wait_dma2 semaphore(%arg15 : memref<!tpu.dma_semaphore, #tpu.memory_space<semaphore_mem>>) src(%arg7 : memref<128x128xf32, #tpu.memory_space<vmem>>) dst(%dma_wait3A_49 : memref<128x128xf32, #tpu.memory_space<hbm>>)
    %dma_start3A_50 = arith.constant 512 : i32
    %dma_start3A_51 = tpu.memref_slice %arg6[%dma_start3A_50] : memref<2064xi32, #tpu.memory_space<vmem>> -> memref<128xi32, #tpu.memory_space<vmem>>
    %dma_start3A_52 = arith.constant 0 : i32
    %dma_start3A_53 = arith.constant 0 : i32
    %dma_start3A_54 = tpu.memref_slice %arg3[%dma_start3A_52, %dma_start3A_53] : memref<393216x128xf32, #tpu.memory_space<hbm>> -> memref<393216x128xf32, #tpu.memory_space<hbm>>
    tpu.enqueue_indirect_dma source(%dma_start3A_54 : memref<393216x128xf32, #tpu.memory_space<hbm>>) target(%arg7 : memref<128x128xf32, #tpu.memory_space<vmem>>) offsets(%dma_start3A_51 : memref<128xi32, #tpu.memory_space<vmem>>) semaphore(%arg11 : memref<!tpu.dma_semaphore, #tpu.memory_space<semaphore_mem>>)
    %dma_wait3A_55 = arith.constant 128 : i32
    %dma_wait3A_56 = tpu.memref_slice %arg6[%dma_wait3A_55] : memref<2064xi32, #tpu.memory_space<vmem>> -> memref<128xi32, #tpu.memory_space<vmem>>
    %dma_wait3A_57 = arith.constant 0 : i32
    %dma_wait3A_58 = arith.constant 0 : i32
    %dma_wait3A_59 = tpu.memref_slice %arg3[%dma_wait3A_57, %dma_wait3A_58] : memref<393216x128xf32, #tpu.memory_space<hbm>> -> memref<393216x128xf32, #tpu.memory_space<hbm>>
    tpu.wait_indirect_dma semaphore(%arg12 : memref<!tpu.dma_semaphore, #tpu.memory_space<semaphore_mem>>) src(%dma_wait3A_59 : memref<393216x128xf32, #tpu.memory_space<hbm>>) dst(%arg8 : memref<128x128xf32, #tpu.memory_space<vmem>>)
    %mul3A_60 = arith.constant 2048 : i32
    %mul3A_61 = arith.muli %add3A_4, %mul3A_60 : i32
    %add3A_62 = arith.constant 128 : i32
    %add3A_63 = arith.addi %mul3A_61, %add3A_62 : i32
    %dma_start3A_64 = arith.constant 0 : i32
    %dma_start3A_65 = tpu.memref_slice %arg4[%add3A_63, %dma_start3A_64] : memref<196608x128xf32, #tpu.memory_space<hbm>> -> memref<128x128xf32, #tpu.memory_space<hbm>>
    %dma_start3A_66 = arith.constant 0 : i32
    %dma_start3A_67 = tpu.memref_slice %arg4[%add3A_63, %dma_start3A_66] : memref<196608x128xf32, #tpu.memory_space<hbm>> -> memref<128x128xf32, #tpu.memory_space<hbm>>
    tpu.enqueue_dma source(%arg8 : memref<128x128xf32, #tpu.memory_space<vmem>>) target(%dma_start3A_67 : memref<128x128xf32, #tpu.memory_space<hbm>>) target_semaphore(%arg16 : memref<!tpu.dma_semaphore, #tpu.memory_space<semaphore_mem>>)
    %dma_wait3A_68 = arith.constant 0 : i32
    %dma_wait3A_69 = tpu.memref_slice %arg4[%add3A_63, %dma_wait3A_68] : memref<196608x128xf32, #tpu.memory_space<hbm>> -> memref<128x128xf32, #tpu.memory_space<hbm>>
    %dma_wait3A_70 = arith.constant 0 : i32
    %dma_wait3A_71 = tpu.memref_slice %arg4[%add3A_63, %dma_wait3A_70] : memref<196608x128xf32, #tpu.memory_space<hbm>> -> memref<128x128xf32, #tpu.memory_space<hbm>>
    tpu.wait_dma2 semaphore(%arg16 : memref<!tpu.dma_semaphore, #tpu.memory_space<semaphore_mem>>) src(%arg8 : memref<128x128xf32, #tpu.memory_space<vmem>>) dst(%dma_wait3A_71 : memref<128x128xf32, #tpu.memory_space<hbm>>)
    %dma_start3A_72 = arith.constant 640 : i32
    %dma_start3A_73 = tpu.memref_slice %arg6[%dma_start3A_72] : memref<2064xi32, #tpu.memory_space<vmem>> -> memref<128xi32, #tpu.memory_space<vmem>>
    %dma_start3A_74 = arith.constant 0 : i32
    %dma_start3A_75 = arith.constant 0 : i32
    %dma_start3A_76 = tpu.memref_slice %arg3[%dma_start3A_74, %dma_start3A_75] : memref<393216x128xf32, #tpu.memory_space<hbm>> -> memref<393216x128xf32, #tpu.memory_space<hbm>>
    tpu.enqueue_indirect_dma source(%dma_start3A_76 : memref<393216x128xf32, #tpu.memory_space<hbm>>) target(%arg8 : memref<128x128xf32, #tpu.memory_space<vmem>>) offsets(%dma_start3A_73 : memref<128xi32, #tpu.memory_space<vmem>>) semaphore(%arg12 : memref<!tpu.dma_semaphore, #tpu.memory_space<semaphore_mem>>)
    %dma_wait3A_77 = arith.constant 256 : i32
    %dma_wait3A_78 = tpu.memref_slice %arg6[%dma_wait3A_77] : memref<2064xi32, #tpu.memory_space<vmem>> -> memref<128xi32, #tpu.memory_space<vmem>>
    %dma_wait3A_79 = arith.constant 0 : i32
    %dma_wait3A_80 = arith.constant 0 : i32
    %dma_wait3A_81 = tpu.memref_slice %arg3[%dma_wait3A_79, %dma_wait3A_80] : memref<393216x128xf32, #tpu.memory_space<hbm>> -> memref<393216x128xf32, #tpu.memory_space<hbm>>
    tpu.wait_indirect_dma semaphore(%arg13 : memref<!tpu.dma_semaphore, #tpu.memory_space<semaphore_mem>>) src(%dma_wait3A_81 : memref<393216x128xf32, #tpu.memory_space<hbm>>) dst(%arg9 : memref<128x128xf32, #tpu.memory_space<vmem>>)
    %mul3A_82 = arith.constant 2048 : i32
    %mul3A_83 = arith.muli %add3A_4, %mul3A_82 : i32
    %add3A_84 = arith.constant 256 : i32
    %add3A_85 = arith.addi %mul3A_83, %add3A_84 : i32
    %dma_start3A_86 = arith.constant 0 : i32
    %dma_start3A_87 = tpu.memref_slice %arg4[%add3A_85, %dma_start3A_86] : memref<196608x128xf32, #tpu.memory_space<hbm>> -> memref<128x128xf32, #tpu.memory_space<hbm>>
    %dma_start3A_88 = arith.constant 0 : i32
    %dma_start3A_89 = tpu.memref_slice %arg4[%add3A_85, %dma_start3A_88] : memref<196608x128xf32, #tpu.memory_space<hbm>> -> memref<128x128xf32, #tpu.memory_space<hbm>>
    tpu.enqueue_dma source(%arg9 : memref<128x128xf32, #tpu.memory_space<vmem>>) target(%dma_start3A_89 : memref<128x128xf32, #tpu.memory_space<hbm>>) target_semaphore(%arg17 : memref<!tpu.dma_semaphore, #tpu.memory_space<semaphore_mem>>)
    %dma_wait3A_90 = arith.constant 0 : i32
    %dma_wait3A_91 = tpu.memref_slice %arg4[%add3A_85, %dma_wait3A_90] : memref<196608x128xf32, #tpu.memory_space<hbm>> -> memref<128x128xf32, #tpu.memory_space<hbm>>
    %dma_wait3A_92 = arith.constant 0 : i32
    %dma_wait3A_93 = tpu.memref_slice %arg4[%add3A_85, %dma_wait3A_92] : memref<196608x128xf32, #tpu.memory_space<hbm>> -> memref<128x128xf32, #tpu.memory_space<hbm>>
    tpu.wait_dma2 semaphore(%arg17 : memref<!tpu.dma_semaphore, #tpu.memory_space<semaphore_mem>>) src(%arg9 : memref<128x128xf32, #tpu.memory_space<vmem>>) dst(%dma_wait3A_93 : memref<128x128xf32, #tpu.memory_space<hbm>>)
    %dma_start3A_94 = arith.constant 768 : i32
    %dma_start3A_95 = tpu.memref_slice %arg6[%dma_start3A_94] : memref<2064xi32, #tpu.memory_space<vmem>> -> memref<128xi32, #tpu.memory_space<vmem>>
    %dma_start3A_96 = arith.constant 0 : i32
    %dma_start3A_97 = arith.constant 0 : i32
    %dma_start3A_98 = tpu.memref_slice %arg3[%dma_start3A_96, %dma_start3A_97] : memref<393216x128xf32, #tpu.memory_space<hbm>> -> memref<393216x128xf32, #tpu.memory_space<hbm>>
    tpu.enqueue_indirect_dma source(%dma_start3A_98 : memref<393216x128xf32, #tpu.memory_space<hbm>>) target(%arg9 : memref<128x128xf32, #tpu.memory_space<vmem>>) offsets(%dma_start3A_95 : memref<128xi32, #tpu.memory_space<vmem>>) semaphore(%arg13 : memref<!tpu.dma_semaphore, #tpu.memory_space<semaphore_mem>>)
    %dma_wait3A_99 = arith.constant 384 : i32
    %dma_wait3A_100 = tpu.memref_slice %arg6[%dma_wait3A_99] : memref<2064xi32, #tpu.memory_space<vmem>> -> memref<128xi32, #tpu.memory_space<vmem>>
    %dma_wait3A_101 = arith.constant 0 : i32
    %dma_wait3A_102 = arith.constant 0 : i32
    %dma_wait3A_103 = tpu.memref_slice %arg3[%dma_wait3A_101, %dma_wait3A_102] : memref<393216x128xf32, #tpu.memory_space<hbm>> -> memref<393216x128xf32, #tpu.memory_space<hbm>>
    tpu.wait_indirect_dma semaphore(%arg14 : memref<!tpu.dma_semaphore, #tpu.memory_space<semaphore_mem>>) src(%dma_wait3A_103 : memref<393216x128xf32, #tpu.memory_space<hbm>>) dst(%arg10 : memref<128x128xf32, #tpu.memory_space<vmem>>)
    %mul3A_104 = arith.constant 2048 : i32
    %mul3A_105 = arith.muli %add3A_4, %mul3A_104 : i32
    %add3A_106 = arith.constant 384 : i32
    %add3A_107 = arith.addi %mul3A_105, %add3A_106 : i32
    %dma_start3A_108 = arith.constant 0 : i32
    %dma_start3A_109 = tpu.memref_slice %arg4[%add3A_107, %dma_start3A_108] : memref<196608x128xf32, #tpu.memory_space<hbm>> -> memref<128x128xf32, #tpu.memory_space<hbm>>
    %dma_start3A_110 = arith.constant 0 : i32
    %dma_start3A_111 = tpu.memref_slice %arg4[%add3A_107, %dma_start3A_110] : memref<196608x128xf32, #tpu.memory_space<hbm>> -> memref<128x128xf32, #tpu.memory_space<hbm>>
    tpu.enqueue_dma source(%arg10 : memref<128x128xf32, #tpu.memory_space<vmem>>) target(%dma_start3A_111 : memref<128x128xf32, #tpu.memory_space<hbm>>) target_semaphore(%arg18 : memref<!tpu.dma_semaphore, #tpu.memory_space<semaphore_mem>>)
    %dma_wait3A_112 = arith.constant 0 : i32
    %dma_wait3A_113 = tpu.memref_slice %arg4[%add3A_107, %dma_wait3A_112] : memref<196608x128xf32, #tpu.memory_space<hbm>> -> memref<128x128xf32, #tpu.memory_space<hbm>>
    %dma_wait3A_114 = arith.constant 0 : i32
    %dma_wait3A_115 = tpu.memref_slice %arg4[%add3A_107, %dma_wait3A_114] : memref<196608x128xf32, #tpu.memory_space<hbm>> -> memref<128x128xf32, #tpu.memory_space<hbm>>
    tpu.wait_dma2 semaphore(%arg18 : memref<!tpu.dma_semaphore, #tpu.memory_space<semaphore_mem>>) src(%arg10 : memref<128x128xf32, #tpu.memory_space<vmem>>) dst(%dma_wait3A_115 : memref<128x128xf32, #tpu.memory_space<hbm>>)
    %dma_start3A_116 = arith.constant 896 : i32
    %dma_start3A_117 = tpu.memref_slice %arg6[%dma_start3A_116] : memref<2064xi32, #tpu.memory_space<vmem>> -> memref<128xi32, #tpu.memory_space<vmem>>
    %dma_start3A_118 = arith.constant 0 : i32
    %dma_start3A_119 = arith.constant 0 : i32
    %dma_start3A_120 = tpu.memref_slice %arg3[%dma_start3A_118, %dma_start3A_119] : memref<393216x128xf32, #tpu.memory_space<hbm>> -> memref<393216x128xf32, #tpu.memory_space<hbm>>
    tpu.enqueue_indirect_dma source(%dma_start3A_120 : memref<393216x128xf32, #tpu.memory_space<hbm>>) target(%arg10 : memref<128x128xf32, #tpu.memory_space<vmem>>) offsets(%dma_start3A_117 : memref<128xi32, #tpu.memory_space<vmem>>) semaphore(%arg14 : memref<!tpu.dma_semaphore, #tpu.memory_space<semaphore_mem>>)
    %dma_wait3A_121 = arith.constant 512 : i32
    %dma_wait3A_122 = tpu.memref_slice %arg6[%dma_wait3A_121] : memref<2064xi32, #tpu.memory_space<vmem>> -> memref<128xi32, #tpu.memory_space<vmem>>
    %dma_wait3A_123 = arith.constant 0 : i32
    %dma_wait3A_124 = arith.constant 0 : i32
    %dma_wait3A_125 = tpu.memref_slice %arg3[%dma_wait3A_123, %dma_wait3A_124] : memref<393216x128xf32, #tpu.memory_space<hbm>> -> memref<393216x128xf32, #tpu.memory_space<hbm>>
    tpu.wait_indirect_dma semaphore(%arg11 : memref<!tpu.dma_semaphore, #tpu.memory_space<semaphore_mem>>) src(%dma_wait3A_125 : memref<393216x128xf32, #tpu.memory_space<hbm>>) dst(%arg7 : memref<128x128xf32, #tpu.memory_space<vmem>>)
    %mul3A_126 = arith.constant 2048 : i32
    %mul3A_127 = arith.muli %add3A_4, %mul3A_126 : i32
    %add3A_128 = arith.constant 512 : i32
    %add3A_129 = arith.addi %mul3A_127, %add3A_128 : i32
    %dma_start3A_130 = arith.constant 0 : i32
    %dma_start3A_131 = tpu.memref_slice %arg4[%add3A_129, %dma_start3A_130] : memref<196608x128xf32, #tpu.memory_space<hbm>> -> memref<128x128xf32, #tpu.memory_space<hbm>>
    %dma_start3A_132 = arith.constant 0 : i32
    %dma_start3A_133 = tpu.memref_slice %arg4[%add3A_129, %dma_start3A_132] : memref<196608x128xf32, #tpu.memory_space<hbm>> -> memref<128x128xf32, #tpu.memory_space<hbm>>
    tpu.enqueue_dma source(%arg7 : memref<128x128xf32, #tpu.memory_space<vmem>>) target(%dma_start3A_133 : memref<128x128xf32, #tpu.memory_space<hbm>>) target_semaphore(%arg15 : memref<!tpu.dma_semaphore, #tpu.memory_space<semaphore_mem>>)
    %dma_wait3A_134 = arith.constant 0 : i32
    %dma_wait3A_135 = tpu.memref_slice %arg4[%add3A_129, %dma_wait3A_134] : memref<196608x128xf32, #tpu.memory_space<hbm>> -> memref<128x128xf32, #tpu.memory_space<hbm>>
    %dma_wait3A_136 = arith.constant 0 : i32
    %dma_wait3A_137 = tpu.memref_slice %arg4[%add3A_129, %dma_wait3A_136] : memref<196608x128xf32, #tpu.memory_space<hbm>> -> memref<128x128xf32, #tpu.memory_space<hbm>>
    tpu.wait_dma2 semaphore(%arg15 : memref<!tpu.dma_semaphore, #tpu.memory_space<semaphore_mem>>) src(%arg7 : memref<128x128xf32, #tpu.memory_space<vmem>>) dst(%dma_wait3A_137 : memref<128x128xf32, #tpu.memory_space<hbm>>)
    %dma_start3A_138 = arith.constant 1024 : i32
    %dma_start3A_139 = tpu.memref_slice %arg6[%dma_start3A_138] : memref<2064xi32, #tpu.memory_space<vmem>> -> memref<128xi32, #tpu.memory_space<vmem>>
    %dma_start3A_140 = arith.constant 0 : i32
    %dma_start3A_141 = arith.constant 0 : i32
    %dma_start3A_142 = tpu.memref_slice %arg3[%dma_start3A_140, %dma_start3A_141] : memref<393216x128xf32, #tpu.memory_space<hbm>> -> memref<393216x128xf32, #tpu.memory_space<hbm>>
    tpu.enqueue_indirect_dma source(%dma_start3A_142 : memref<393216x128xf32, #tpu.memory_space<hbm>>) target(%arg7 : memref<128x128xf32, #tpu.memory_space<vmem>>) offsets(%dma_start3A_139 : memref<128xi32, #tpu.memory_space<vmem>>) semaphore(%arg11 : memref<!tpu.dma_semaphore, #tpu.memory_space<semaphore_mem>>)
    %dma_wait3A_143 = arith.constant 640 : i32
    %dma_wait3A_144 = tpu.memref_slice %arg6[%dma_wait3A_143] : memref<2064xi32, #tpu.memory_space<vmem>> -> memref<128xi32, #tpu.memory_space<vmem>>
    %dma_wait3A_145 = arith.constant 0 : i32
    %dma_wait3A_146 = arith.constant 0 : i32
    %dma_wait3A_147 = tpu.memref_slice %arg3[%dma_wait3A_145, %dma_wait3A_146] : memref<393216x128xf32, #tpu.memory_space<hbm>> -> memref<393216x128xf32, #tpu.memory_space<hbm>>
    tpu.wait_indirect_dma semaphore(%arg12 : memref<!tpu.dma_semaphore, #tpu.memory_space<semaphore_mem>>) src(%dma_wait3A_147 : memref<393216x128xf32, #tpu.memory_space<hbm>>) dst(%arg8 : memref<128x128xf32, #tpu.memory_space<vmem>>)
    %mul3A_148 = arith.constant 2048 : i32
    %mul3A_149 = arith.muli %add3A_4, %mul3A_148 : i32
    %add3A_150 = arith.constant 640 : i32
    %add3A_151 = arith.addi %mul3A_149, %add3A_150 : i32
    %dma_start3A_152 = arith.constant 0 : i32
    %dma_start3A_153 = tpu.memref_slice %arg4[%add3A_151, %dma_start3A_152] : memref<196608x128xf32, #tpu.memory_space<hbm>> -> memref<128x128xf32, #tpu.memory_space<hbm>>
    %dma_start3A_154 = arith.constant 0 : i32
    %dma_start3A_155 = tpu.memref_slice %arg4[%add3A_151, %dma_start3A_154] : memref<196608x128xf32, #tpu.memory_space<hbm>> -> memref<128x128xf32, #tpu.memory_space<hbm>>
    tpu.enqueue_dma source(%arg8 : memref<128x128xf32, #tpu.memory_space<vmem>>) target(%dma_start3A_155 : memref<128x128xf32, #tpu.memory_space<hbm>>) target_semaphore(%arg16 : memref<!tpu.dma_semaphore, #tpu.memory_space<semaphore_mem>>)
    %dma_wait3A_156 = arith.constant 0 : i32
    %dma_wait3A_157 = tpu.memref_slice %arg4[%add3A_151, %dma_wait3A_156] : memref<196608x128xf32, #tpu.memory_space<hbm>> -> memref<128x128xf32, #tpu.memory_space<hbm>>
    %dma_wait3A_158 = arith.constant 0 : i32
    %dma_wait3A_159 = tpu.memref_slice %arg4[%add3A_151, %dma_wait3A_158] : memref<196608x128xf32, #tpu.memory_space<hbm>> -> memref<128x128xf32, #tpu.memory_space<hbm>>
    tpu.wait_dma2 semaphore(%arg16 : memref<!tpu.dma_semaphore, #tpu.memory_space<semaphore_mem>>) src(%arg8 : memref<128x128xf32, #tpu.memory_space<vmem>>) dst(%dma_wait3A_159 : memref<128x128xf32, #tpu.memory_space<hbm>>)
    %dma_start3A_160 = arith.constant 1152 : i32
    %dma_start3A_161 = tpu.memref_slice %arg6[%dma_start3A_160] : memref<2064xi32, #tpu.memory_space<vmem>> -> memref<128xi32, #tpu.memory_space<vmem>>
    %dma_start3A_162 = arith.constant 0 : i32
    %dma_start3A_163 = arith.constant 0 : i32
    %dma_start3A_164 = tpu.memref_slice %arg3[%dma_start3A_162, %dma_start3A_163] : memref<393216x128xf32, #tpu.memory_space<hbm>> -> memref<393216x128xf32, #tpu.memory_space<hbm>>
    tpu.enqueue_indirect_dma source(%dma_start3A_164 : memref<393216x128xf32, #tpu.memory_space<hbm>>) target(%arg8 : memref<128x128xf32, #tpu.memory_space<vmem>>) offsets(%dma_start3A_161 : memref<128xi32, #tpu.memory_space<vmem>>) semaphore(%arg12 : memref<!tpu.dma_semaphore, #tpu.memory_space<semaphore_mem>>)
    %dma_wait3A_165 = arith.constant 768 : i32
    %dma_wait3A_166 = tpu.memref_slice %arg6[%dma_wait3A_165] : memref<2064xi32, #tpu.memory_space<vmem>> -> memref<128xi32, #tpu.memory_space<vmem>>
    %dma_wait3A_167 = arith.constant 0 : i32
    %dma_wait3A_168 = arith.constant 0 : i32
    %dma_wait3A_169 = tpu.memref_slice %arg3[%dma_wait3A_167, %dma_wait3A_168] : memref<393216x128xf32, #tpu.memory_space<hbm>> -> memref<393216x128xf32, #tpu.memory_space<hbm>>
    tpu.wait_indirect_dma semaphore(%arg13 : memref<!tpu.dma_semaphore, #tpu.memory_space<semaphore_mem>>) src(%dma_wait3A_169 : memref<393216x128xf32, #tpu.memory_space<hbm>>) dst(%arg9 : memref<128x128xf32, #tpu.memory_space<vmem>>)
    %mul3A_170 = arith.constant 2048 : i32
    %mul3A_171 = arith.muli %add3A_4, %mul3A_170 : i32
    %add3A_172 = arith.constant 768 : i32
    %add3A_173 = arith.addi %mul3A_171, %add3A_172 : i32
    %dma_start3A_174 = arith.constant 0 : i32
    %dma_start3A_175 = tpu.memref_slice %arg4[%add3A_173, %dma_start3A_174] : memref<196608x128xf32, #tpu.memory_space<hbm>> -> memref<128x128xf32, #tpu.memory_space<hbm>>
    %dma_start3A_176 = arith.constant 0 : i32
    %dma_start3A_177 = tpu.memref_slice %arg4[%add3A_173, %dma_start3A_176] : memref<196608x128xf32, #tpu.memory_space<hbm>> -> memref<128x128xf32, #tpu.memory_space<hbm>>
    tpu.enqueue_dma source(%arg9 : memref<128x128xf32, #tpu.memory_space<vmem>>) target(%dma_start3A_177 : memref<128x128xf32, #tpu.memory_space<hbm>>) target_semaphore(%arg17 : memref<!tpu.dma_semaphore, #tpu.memory_space<semaphore_mem>>)
    %dma_wait3A_178 = arith.constant 0 : i32
    %dma_wait3A_179 = tpu.memref_slice %arg4[%add3A_173, %dma_wait3A_178] : memref<196608x128xf32, #tpu.memory_space<hbm>> -> memref<128x128xf32, #tpu.memory_space<hbm>>
    %dma_wait3A_180 = arith.constant 0 : i32
    %dma_wait3A_181 = tpu.memref_slice %arg4[%add3A_173, %dma_wait3A_180] : memref<196608x128xf32, #tpu.memory_space<hbm>> -> memref<128x128xf32, #tpu.memory_space<hbm>>
    tpu.wait_dma2 semaphore(%arg17 : memref<!tpu.dma_semaphore, #tpu.memory_space<semaphore_mem>>) src(%arg9 : memref<128x128xf32, #tpu.memory_space<vmem>>) dst(%dma_wait3A_181 : memref<128x128xf32, #tpu.memory_space<hbm>>)
    %dma_start3A_182 = arith.constant 1280 : i32
    %dma_start3A_183 = tpu.memref_slice %arg6[%dma_start3A_182] : memref<2064xi32, #tpu.memory_space<vmem>> -> memref<128xi32, #tpu.memory_space<vmem>>
    %dma_start3A_184 = arith.constant 0 : i32
    %dma_start3A_185 = arith.constant 0 : i32
    %dma_start3A_186 = tpu.memref_slice %arg3[%dma_start3A_184, %dma_start3A_185] : memref<393216x128xf32, #tpu.memory_space<hbm>> -> memref<393216x128xf32, #tpu.memory_space<hbm>>
    tpu.enqueue_indirect_dma source(%dma_start3A_186 : memref<393216x128xf32, #tpu.memory_space<hbm>>) target(%arg9 : memref<128x128xf32, #tpu.memory_space<vmem>>) offsets(%dma_start3A_183 : memref<128xi32, #tpu.memory_space<vmem>>) semaphore(%arg13 : memref<!tpu.dma_semaphore, #tpu.memory_space<semaphore_mem>>)
    %dma_wait3A_187 = arith.constant 896 : i32
    %dma_wait3A_188 = tpu.memref_slice %arg6[%dma_wait3A_187] : memref<2064xi32, #tpu.memory_space<vmem>> -> memref<128xi32, #tpu.memory_space<vmem>>
    %dma_wait3A_189 = arith.constant 0 : i32
    %dma_wait3A_190 = arith.constant 0 : i32
    %dma_wait3A_191 = tpu.memref_slice %arg3[%dma_wait3A_189, %dma_wait3A_190] : memref<393216x128xf32, #tpu.memory_space<hbm>> -> memref<393216x128xf32, #tpu.memory_space<hbm>>
    tpu.wait_indirect_dma semaphore(%arg14 : memref<!tpu.dma_semaphore, #tpu.memory_space<semaphore_mem>>) src(%dma_wait3A_191 : memref<393216x128xf32, #tpu.memory_space<hbm>>) dst(%arg10 : memref<128x128xf32, #tpu.memory_space<vmem>>)
    %mul3A_192 = arith.constant 2048 : i32
    %mul3A_193 = arith.muli %add3A_4, %mul3A_192 : i32
    %add3A_194 = arith.constant 896 : i32
    %add3A_195 = arith.addi %mul3A_193, %add3A_194 : i32
    %dma_start3A_196 = arith.constant 0 : i32
    %dma_start3A_197 = tpu.memref_slice %arg4[%add3A_195, %dma_start3A_196] : memref<196608x128xf32, #tpu.memory_space<hbm>> -> memref<128x128xf32, #tpu.memory_space<hbm>>
    %dma_start3A_198 = arith.constant 0 : i32
    %dma_start3A_199 = tpu.memref_slice %arg4[%add3A_195, %dma_start3A_198] : memref<196608x128xf32, #tpu.memory_space<hbm>> -> memref<128x128xf32, #tpu.memory_space<hbm>>
    tpu.enqueue_dma source(%arg10 : memref<128x128xf32, #tpu.memory_space<vmem>>) target(%dma_start3A_199 : memref<128x128xf32, #tpu.memory_space<hbm>>) target_semaphore(%arg18 : memref<!tpu.dma_semaphore, #tpu.memory_space<semaphore_mem>>)
    %dma_wait3A_200 = arith.constant 0 : i32
    %dma_wait3A_201 = tpu.memref_slice %arg4[%add3A_195, %dma_wait3A_200] : memref<196608x128xf32, #tpu.memory_space<hbm>> -> memref<128x128xf32, #tpu.memory_space<hbm>>
    %dma_wait3A_202 = arith.constant 0 : i32
    %dma_wait3A_203 = tpu.memref_slice %arg4[%add3A_195, %dma_wait3A_202] : memref<196608x128xf32, #tpu.memory_space<hbm>> -> memref<128x128xf32, #tpu.memory_space<hbm>>
    tpu.wait_dma2 semaphore(%arg18 : memref<!tpu.dma_semaphore, #tpu.memory_space<semaphore_mem>>) src(%arg10 : memref<128x128xf32, #tpu.memory_space<vmem>>) dst(%dma_wait3A_203 : memref<128x128xf32, #tpu.memory_space<hbm>>)
    %dma_start3A_204 = arith.constant 1408 : i32
    %dma_start3A_205 = tpu.memref_slice %arg6[%dma_start3A_204] : memref<2064xi32, #tpu.memory_space<vmem>> -> memref<128xi32, #tpu.memory_space<vmem>>
    %dma_start3A_206 = arith.constant 0 : i32
    %dma_start3A_207 = arith.constant 0 : i32
    %dma_start3A_208 = tpu.memref_slice %arg3[%dma_start3A_206, %dma_start3A_207] : memref<393216x128xf32, #tpu.memory_space<hbm>> -> memref<393216x128xf32, #tpu.memory_space<hbm>>
    tpu.enqueue_indirect_dma source(%dma_start3A_208 : memref<393216x128xf32, #tpu.memory_space<hbm>>) target(%arg10 : memref<128x128xf32, #tpu.memory_space<vmem>>) offsets(%dma_start3A_205 : memref<128xi32, #tpu.memory_space<vmem>>) semaphore(%arg14 : memref<!tpu.dma_semaphore, #tpu.memory_space<semaphore_mem>>)
    %dma_wait3A_209 = arith.constant 1024 : i32
    %dma_wait3A_210 = tpu.memref_slice %arg6[%dma_wait3A_209] : memref<2064xi32, #tpu.memory_space<vmem>> -> memref<128xi32, #tpu.memory_space<vmem>>
    %dma_wait3A_211 = arith.constant 0 : i32
    %dma_wait3A_212 = arith.constant 0 : i32
    %dma_wait3A_213 = tpu.memref_slice %arg3[%dma_wait3A_211, %dma_wait3A_212] : memref<393216x128xf32, #tpu.memory_space<hbm>> -> memref<393216x128xf32, #tpu.memory_space<hbm>>
    tpu.wait_indirect_dma semaphore(%arg11 : memref<!tpu.dma_semaphore, #tpu.memory_space<semaphore_mem>>) src(%dma_wait3A_213 : memref<393216x128xf32, #tpu.memory_space<hbm>>) dst(%arg7 : memref<128x128xf32, #tpu.memory_space<vmem>>)
    %mul3A_214 = arith.constant 2048 : i32
    %mul3A_215 = arith.muli %add3A_4, %mul3A_214 : i32
    %add3A_216 = arith.constant 1024 : i32
    %add3A_217 = arith.addi %mul3A_215, %add3A_216 : i32
    %dma_start3A_218 = arith.constant 0 : i32
    %dma_start3A_219 = tpu.memref_slice %arg4[%add3A_217, %dma_start3A_218] : memref<196608x128xf32, #tpu.memory_space<hbm>> -> memref<128x128xf32, #tpu.memory_space<hbm>>
    %dma_start3A_220 = arith.constant 0 : i32
    %dma_start3A_221 = tpu.memref_slice %arg4[%add3A_217, %dma_start3A_220] : memref<196608x128xf32, #tpu.memory_space<hbm>> -> memref<128x128xf32, #tpu.memory_space<hbm>>
    tpu.enqueue_dma source(%arg7 : memref<128x128xf32, #tpu.memory_space<vmem>>) target(%dma_start3A_221 : memref<128x128xf32, #tpu.memory_space<hbm>>) target_semaphore(%arg15 : memref<!tpu.dma_semaphore, #tpu.memory_space<semaphore_mem>>)
    %dma_wait3A_222 = arith.constant 0 : i32
    %dma_wait3A_223 = tpu.memref_slice %arg4[%add3A_217, %dma_wait3A_222] : memref<196608x128xf32, #tpu.memory_space<hbm>> -> memref<128x128xf32, #tpu.memory_space<hbm>>
    %dma_wait3A_224 = arith.constant 0 : i32
    %dma_wait3A_225 = tpu.memref_slice %arg4[%add3A_217, %dma_wait3A_224] : memref<196608x128xf32, #tpu.memory_space<hbm>> -> memref<128x128xf32, #tpu.memory_space<hbm>>
    tpu.wait_dma2 semaphore(%arg15 : memref<!tpu.dma_semaphore, #tpu.memory_space<semaphore_mem>>) src(%arg7 : memref<128x128xf32, #tpu.memory_space<vmem>>) dst(%dma_wait3A_225 : memref<128x128xf32, #tpu.memory_space<hbm>>)
    %dma_start3A_226 = arith.constant 1536 : i32
    %dma_start3A_227 = tpu.memref_slice %arg6[%dma_start3A_226] : memref<2064xi32, #tpu.memory_space<vmem>> -> memref<128xi32, #tpu.memory_space<vmem>>
    %dma_start3A_228 = arith.constant 0 : i32
    %dma_start3A_229 = arith.constant 0 : i32
    %dma_start3A_230 = tpu.memref_slice %arg3[%dma_start3A_228, %dma_start3A_229] : memref<393216x128xf32, #tpu.memory_space<hbm>> -> memref<393216x128xf32, #tpu.memory_space<hbm>>
    tpu.enqueue_indirect_dma source(%dma_start3A_230 : memref<393216x128xf32, #tpu.memory_space<hbm>>) target(%arg7 : memref<128x128xf32, #tpu.memory_space<vmem>>) offsets(%dma_start3A_227 : memref<128xi32, #tpu.memory_space<vmem>>) semaphore(%arg11 : memref<!tpu.dma_semaphore, #tpu.memory_space<semaphore_mem>>)
    %dma_wait3A_231 = arith.constant 1152 : i32
    %dma_wait3A_232 = tpu.memref_slice %arg6[%dma_wait3A_231] : memref<2064xi32, #tpu.memory_space<vmem>> -> memref<128xi32, #tpu.memory_space<vmem>>
    %dma_wait3A_233 = arith.constant 0 : i32
    %dma_wait3A_234 = arith.constant 0 : i32
    %dma_wait3A_235 = tpu.memref_slice %arg3[%dma_wait3A_233, %dma_wait3A_234] : memref<393216x128xf32, #tpu.memory_space<hbm>> -> memref<393216x128xf32, #tpu.memory_space<hbm>>
    tpu.wait_indirect_dma semaphore(%arg12 : memref<!tpu.dma_semaphore, #tpu.memory_space<semaphore_mem>>) src(%dma_wait3A_235 : memref<393216x128xf32, #tpu.memory_space<hbm>>) dst(%arg8 : memref<128x128xf32, #tpu.memory_space<vmem>>)
    %mul3A_236 = arith.constant 2048 : i32
    %mul3A_237 = arith.muli %add3A_4, %mul3A_236 : i32
    %add3A_238 = arith.constant 1152 : i32
    %add3A_239 = arith.addi %mul3A_237, %add3A_238 : i32
    %dma_start3A_240 = arith.constant 0 : i32
    %dma_start3A_241 = tpu.memref_slice %arg4[%add3A_239, %dma_start3A_240] : memref<196608x128xf32, #tpu.memory_space<hbm>> -> memref<128x128xf32, #tpu.memory_space<hbm>>
    %dma_start3A_242 = arith.constant 0 : i32
    %dma_start3A_243 = tpu.memref_slice %arg4[%add3A_239, %dma_start3A_242] : memref<196608x128xf32, #tpu.memory_space<hbm>> -> memref<128x128xf32, #tpu.memory_space<hbm>>
    tpu.enqueue_dma source(%arg8 : memref<128x128xf32, #tpu.memory_space<vmem>>) target(%dma_start3A_243 : memref<128x128xf32, #tpu.memory_space<hbm>>) target_semaphore(%arg16 : memref<!tpu.dma_semaphore, #tpu.memory_space<semaphore_mem>>)
    %dma_wait3A_244 = arith.constant 0 : i32
    %dma_wait3A_245 = tpu.memref_slice %arg4[%add3A_239, %dma_wait3A_244] : memref<196608x128xf32, #tpu.memory_space<hbm>> -> memref<128x128xf32, #tpu.memory_space<hbm>>
    %dma_wait3A_246 = arith.constant 0 : i32
    %dma_wait3A_247 = tpu.memref_slice %arg4[%add3A_239, %dma_wait3A_246] : memref<196608x128xf32, #tpu.memory_space<hbm>> -> memref<128x128xf32, #tpu.memory_space<hbm>>
    tpu.wait_dma2 semaphore(%arg16 : memref<!tpu.dma_semaphore, #tpu.memory_space<semaphore_mem>>) src(%arg8 : memref<128x128xf32, #tpu.memory_space<vmem>>) dst(%dma_wait3A_247 : memref<128x128xf32, #tpu.memory_space<hbm>>)
    %dma_start3A_248 = arith.constant 1664 : i32
    %dma_start3A_249 = tpu.memref_slice %arg6[%dma_start3A_248] : memref<2064xi32, #tpu.memory_space<vmem>> -> memref<128xi32, #tpu.memory_space<vmem>>
    %dma_start3A_250 = arith.constant 0 : i32
    %dma_start3A_251 = arith.constant 0 : i32
    %dma_start3A_252 = tpu.memref_slice %arg3[%dma_start3A_250, %dma_start3A_251] : memref<393216x128xf32, #tpu.memory_space<hbm>> -> memref<393216x128xf32, #tpu.memory_space<hbm>>
    tpu.enqueue_indirect_dma source(%dma_start3A_252 : memref<393216x128xf32, #tpu.memory_space<hbm>>) target(%arg8 : memref<128x128xf32, #tpu.memory_space<vmem>>) offsets(%dma_start3A_249 : memref<128xi32, #tpu.memory_space<vmem>>) semaphore(%arg12 : memref<!tpu.dma_semaphore, #tpu.memory_space<semaphore_mem>>)
    %dma_wait3A_253 = arith.constant 1280 : i32
    %dma_wait3A_254 = tpu.memref_slice %arg6[%dma_wait3A_253] : memref<2064xi32, #tpu.memory_space<vmem>> -> memref<128xi32, #tpu.memory_space<vmem>>
    %dma_wait3A_255 = arith.constant 0 : i32
    %dma_wait3A_256 = arith.constant 0 : i32
    %dma_wait3A_257 = tpu.memref_slice %arg3[%dma_wait3A_255, %dma_wait3A_256] : memref<393216x128xf32, #tpu.memory_space<hbm>> -> memref<393216x128xf32, #tpu.memory_space<hbm>>
    tpu.wait_indirect_dma semaphore(%arg13 : memref<!tpu.dma_semaphore, #tpu.memory_space<semaphore_mem>>) src(%dma_wait3A_257 : memref<393216x128xf32, #tpu.memory_space<hbm>>) dst(%arg9 : memref<128x128xf32, #tpu.memory_space<vmem>>)
    %mul3A_258 = arith.constant 2048 : i32
    %mul3A_259 = arith.muli %add3A_4, %mul3A_258 : i32
    %add3A_260 = arith.constant 1280 : i32
    %add3A_261 = arith.addi %mul3A_259, %add3A_260 : i32
    %dma_start3A_262 = arith.constant 0 : i32
    %dma_start3A_263 = tpu.memref_slice %arg4[%add3A_261, %dma_start3A_262] : memref<196608x128xf32, #tpu.memory_space<hbm>> -> memref<128x128xf32, #tpu.memory_space<hbm>>
    %dma_start3A_264 = arith.constant 0 : i32
    %dma_start3A_265 = tpu.memref_slice %arg4[%add3A_261, %dma_start3A_264] : memref<196608x128xf32, #tpu.memory_space<hbm>> -> memref<128x128xf32, #tpu.memory_space<hbm>>
    tpu.enqueue_dma source(%arg9 : memref<128x128xf32, #tpu.memory_space<vmem>>) target(%dma_start3A_265 : memref<128x128xf32, #tpu.memory_space<hbm>>) target_semaphore(%arg17 : memref<!tpu.dma_semaphore, #tpu.memory_space<semaphore_mem>>)
    %dma_wait3A_266 = arith.constant 0 : i32
    %dma_wait3A_267 = tpu.memref_slice %arg4[%add3A_261, %dma_wait3A_266] : memref<196608x128xf32, #tpu.memory_space<hbm>> -> memref<128x128xf32, #tpu.memory_space<hbm>>
    %dma_wait3A_268 = arith.constant 0 : i32
    %dma_wait3A_269 = tpu.memref_slice %arg4[%add3A_261, %dma_wait3A_268] : memref<196608x128xf32, #tpu.memory_space<hbm>> -> memref<128x128xf32, #tpu.memory_space<hbm>>
    tpu.wait_dma2 semaphore(%arg17 : memref<!tpu.dma_semaphore, #tpu.memory_space<semaphore_mem>>) src(%arg9 : memref<128x128xf32, #tpu.memory_space<vmem>>) dst(%dma_wait3A_269 : memref<128x128xf32, #tpu.memory_space<hbm>>)
    %dma_start3A_270 = arith.constant 1792 : i32
    %dma_start3A_271 = tpu.memref_slice %arg6[%dma_start3A_270] : memref<2064xi32, #tpu.memory_space<vmem>> -> memref<128xi32, #tpu.memory_space<vmem>>
    %dma_start3A_272 = arith.constant 0 : i32
    %dma_start3A_273 = arith.constant 0 : i32
    %dma_start3A_274 = tpu.memref_slice %arg3[%dma_start3A_272, %dma_start3A_273] : memref<393216x128xf32, #tpu.memory_space<hbm>> -> memref<393216x128xf32, #tpu.memory_space<hbm>>
    tpu.enqueue_indirect_dma source(%dma_start3A_274 : memref<393216x128xf32, #tpu.memory_space<hbm>>) target(%arg9 : memref<128x128xf32, #tpu.memory_space<vmem>>) offsets(%dma_start3A_271 : memref<128xi32, #tpu.memory_space<vmem>>) semaphore(%arg13 : memref<!tpu.dma_semaphore, #tpu.memory_space<semaphore_mem>>)
    %dma_wait3A_275 = arith.constant 1408 : i32
    %dma_wait3A_276 = tpu.memref_slice %arg6[%dma_wait3A_275] : memref<2064xi32, #tpu.memory_space<vmem>> -> memref<128xi32, #tpu.memory_space<vmem>>
    %dma_wait3A_277 = arith.constant 0 : i32
    %dma_wait3A_278 = arith.constant 0 : i32
    %dma_wait3A_279 = tpu.memref_slice %arg3[%dma_wait3A_277, %dma_wait3A_278] : memref<393216x128xf32, #tpu.memory_space<hbm>> -> memref<393216x128xf32, #tpu.memory_space<hbm>>
    tpu.wait_indirect_dma semaphore(%arg14 : memref<!tpu.dma_semaphore, #tpu.memory_space<semaphore_mem>>) src(%dma_wait3A_279 : memref<393216x128xf32, #tpu.memory_space<hbm>>) dst(%arg10 : memref<128x128xf32, #tpu.memory_space<vmem>>)
    %mul3A_280 = arith.constant 2048 : i32
    %mul3A_281 = arith.muli %add3A_4, %mul3A_280 : i32
    %add3A_282 = arith.constant 1408 : i32
    %add3A_283 = arith.addi %mul3A_281, %add3A_282 : i32
    %dma_start3A_284 = arith.constant 0 : i32
    %dma_start3A_285 = tpu.memref_slice %arg4[%add3A_283, %dma_start3A_284] : memref<196608x128xf32, #tpu.memory_space<hbm>> -> memref<128x128xf32, #tpu.memory_space<hbm>>
    %dma_start3A_286 = arith.constant 0 : i32
    %dma_start3A_287 = tpu.memref_slice %arg4[%add3A_283, %dma_start3A_286] : memref<196608x128xf32, #tpu.memory_space<hbm>> -> memref<128x128xf32, #tpu.memory_space<hbm>>
    tpu.enqueue_dma source(%arg10 : memref<128x128xf32, #tpu.memory_space<vmem>>) target(%dma_start3A_287 : memref<128x128xf32, #tpu.memory_space<hbm>>) target_semaphore(%arg18 : memref<!tpu.dma_semaphore, #tpu.memory_space<semaphore_mem>>)
    %dma_wait3A_288 = arith.constant 0 : i32
    %dma_wait3A_289 = tpu.memref_slice %arg4[%add3A_283, %dma_wait3A_288] : memref<196608x128xf32, #tpu.memory_space<hbm>> -> memref<128x128xf32, #tpu.memory_space<hbm>>
    %dma_wait3A_290 = arith.constant 0 : i32
    %dma_wait3A_291 = tpu.memref_slice %arg4[%add3A_283, %dma_wait3A_290] : memref<196608x128xf32, #tpu.memory_space<hbm>> -> memref<128x128xf32, #tpu.memory_space<hbm>>
    tpu.wait_dma2 semaphore(%arg18 : memref<!tpu.dma_semaphore, #tpu.memory_space<semaphore_mem>>) src(%arg10 : memref<128x128xf32, #tpu.memory_space<vmem>>) dst(%dma_wait3A_291 : memref<128x128xf32, #tpu.memory_space<hbm>>)
    %dma_start3A_292 = arith.constant 1920 : i32
    %dma_start3A_293 = tpu.memref_slice %arg6[%dma_start3A_292] : memref<2064xi32, #tpu.memory_space<vmem>> -> memref<128xi32, #tpu.memory_space<vmem>>
    %dma_start3A_294 = arith.constant 0 : i32
    %dma_start3A_295 = arith.constant 0 : i32
    %dma_start3A_296 = tpu.memref_slice %arg3[%dma_start3A_294, %dma_start3A_295] : memref<393216x128xf32, #tpu.memory_space<hbm>> -> memref<393216x128xf32, #tpu.memory_space<hbm>>
    tpu.enqueue_indirect_dma source(%dma_start3A_296 : memref<393216x128xf32, #tpu.memory_space<hbm>>) target(%arg10 : memref<128x128xf32, #tpu.memory_space<vmem>>) offsets(%dma_start3A_293 : memref<128xi32, #tpu.memory_space<vmem>>) semaphore(%arg14 : memref<!tpu.dma_semaphore, #tpu.memory_space<semaphore_mem>>)
    %dma_wait3A_297 = arith.constant 1536 : i32
    %dma_wait3A_298 = tpu.memref_slice %arg6[%dma_wait3A_297] : memref<2064xi32, #tpu.memory_space<vmem>> -> memref<128xi32, #tpu.memory_space<vmem>>
    %dma_wait3A_299 = arith.constant 0 : i32
    %dma_wait3A_300 = arith.constant 0 : i32
    %dma_wait3A_301 = tpu.memref_slice %arg3[%dma_wait3A_299, %dma_wait3A_300] : memref<393216x128xf32, #tpu.memory_space<hbm>> -> memref<393216x128xf32, #tpu.memory_space<hbm>>
    tpu.wait_indirect_dma semaphore(%arg11 : memref<!tpu.dma_semaphore, #tpu.memory_space<semaphore_mem>>) src(%dma_wait3A_301 : memref<393216x128xf32, #tpu.memory_space<hbm>>) dst(%arg7 : memref<128x128xf32, #tpu.memory_space<vmem>>)
    %mul3A_302 = arith.constant 2048 : i32
    %mul3A_303 = arith.muli %add3A_4, %mul3A_302 : i32
    %add3A_304 = arith.constant 1536 : i32
    %add3A_305 = arith.addi %mul3A_303, %add3A_304 : i32
    %dma_start3A_306 = arith.constant 0 : i32
    %dma_start3A_307 = tpu.memref_slice %arg4[%add3A_305, %dma_start3A_306] : memref<196608x128xf32, #tpu.memory_space<hbm>> -> memref<128x128xf32, #tpu.memory_space<hbm>>
    %dma_start3A_308 = arith.constant 0 : i32
    %dma_start3A_309 = tpu.memref_slice %arg4[%add3A_305, %dma_start3A_308] : memref<196608x128xf32, #tpu.memory_space<hbm>> -> memref<128x128xf32, #tpu.memory_space<hbm>>
    tpu.enqueue_dma source(%arg7 : memref<128x128xf32, #tpu.memory_space<vmem>>) target(%dma_start3A_309 : memref<128x128xf32, #tpu.memory_space<hbm>>) target_semaphore(%arg15 : memref<!tpu.dma_semaphore, #tpu.memory_space<semaphore_mem>>)
    %dma_wait3A_310 = arith.constant 1664 : i32
    %dma_wait3A_311 = tpu.memref_slice %arg6[%dma_wait3A_310] : memref<2064xi32, #tpu.memory_space<vmem>> -> memref<128xi32, #tpu.memory_space<vmem>>
    %dma_wait3A_312 = arith.constant 0 : i32
    %dma_wait3A_313 = arith.constant 0 : i32
    %dma_wait3A_314 = tpu.memref_slice %arg3[%dma_wait3A_312, %dma_wait3A_313] : memref<393216x128xf32, #tpu.memory_space<hbm>> -> memref<393216x128xf32, #tpu.memory_space<hbm>>
    tpu.wait_indirect_dma semaphore(%arg12 : memref<!tpu.dma_semaphore, #tpu.memory_space<semaphore_mem>>) src(%dma_wait3A_314 : memref<393216x128xf32, #tpu.memory_space<hbm>>) dst(%arg8 : memref<128x128xf32, #tpu.memory_space<vmem>>)
    %mul3A_315 = arith.constant 2048 : i32
    %mul3A_316 = arith.muli %add3A_4, %mul3A_315 : i32
    %add3A_317 = arith.constant 1664 : i32
    %add3A_318 = arith.addi %mul3A_316, %add3A_317 : i32
    %dma_start3A_319 = arith.constant 0 : i32
    %dma_start3A_320 = tpu.memref_slice %arg4[%add3A_318, %dma_start3A_319] : memref<196608x128xf32, #tpu.memory_space<hbm>> -> memref<128x128xf32, #tpu.memory_space<hbm>>
    %dma_start3A_321 = arith.constant 0 : i32
    %dma_start3A_322 = tpu.memref_slice %arg4[%add3A_318, %dma_start3A_321] : memref<196608x128xf32, #tpu.memory_space<hbm>> -> memref<128x128xf32, #tpu.memory_space<hbm>>
    tpu.enqueue_dma source(%arg8 : memref<128x128xf32, #tpu.memory_space<vmem>>) target(%dma_start3A_322 : memref<128x128xf32, #tpu.memory_space<hbm>>) target_semaphore(%arg16 : memref<!tpu.dma_semaphore, #tpu.memory_space<semaphore_mem>>)
    %dma_wait3A_323 = arith.constant 1792 : i32
    %dma_wait3A_324 = tpu.memref_slice %arg6[%dma_wait3A_323] : memref<2064xi32, #tpu.memory_space<vmem>> -> memref<128xi32, #tpu.memory_space<vmem>>
    %dma_wait3A_325 = arith.constant 0 : i32
    %dma_wait3A_326 = arith.constant 0 : i32
    %dma_wait3A_327 = tpu.memref_slice %arg3[%dma_wait3A_325, %dma_wait3A_326] : memref<393216x128xf32, #tpu.memory_space<hbm>> -> memref<393216x128xf32, #tpu.memory_space<hbm>>
    tpu.wait_indirect_dma semaphore(%arg13 : memref<!tpu.dma_semaphore, #tpu.memory_space<semaphore_mem>>) src(%dma_wait3A_327 : memref<393216x128xf32, #tpu.memory_space<hbm>>) dst(%arg9 : memref<128x128xf32, #tpu.memory_space<vmem>>)
    %mul3A_328 = arith.constant 2048 : i32
    %mul3A_329 = arith.muli %add3A_4, %mul3A_328 : i32
    %add3A_330 = arith.constant 1792 : i32
    %add3A_331 = arith.addi %mul3A_329, %add3A_330 : i32
    %dma_start3A_332 = arith.constant 0 : i32
    %dma_start3A_333 = tpu.memref_slice %arg4[%add3A_331, %dma_start3A_332] : memref<196608x128xf32, #tpu.memory_space<hbm>> -> memref<128x128xf32, #tpu.memory_space<hbm>>
    %dma_start3A_334 = arith.constant 0 : i32
    %dma_start3A_335 = tpu.memref_slice %arg4[%add3A_331, %dma_start3A_334] : memref<196608x128xf32, #tpu.memory_space<hbm>> -> memref<128x128xf32, #tpu.memory_space<hbm>>
    tpu.enqueue_dma source(%arg9 : memref<128x128xf32, #tpu.memory_space<vmem>>) target(%dma_start3A_335 : memref<128x128xf32, #tpu.memory_space<hbm>>) target_semaphore(%arg17 : memref<!tpu.dma_semaphore, #tpu.memory_space<semaphore_mem>>)
    %dma_wait3A_336 = arith.constant 1920 : i32
    %dma_wait3A_337 = tpu.memref_slice %arg6[%dma_wait3A_336] : memref<2064xi32, #tpu.memory_space<vmem>> -> memref<128xi32, #tpu.memory_space<vmem>>
    %dma_wait3A_338 = arith.constant 0 : i32
    %dma_wait3A_339 = arith.constant 0 : i32
    %dma_wait3A_340 = tpu.memref_slice %arg3[%dma_wait3A_338, %dma_wait3A_339] : memref<393216x128xf32, #tpu.memory_space<hbm>> -> memref<393216x128xf32, #tpu.memory_space<hbm>>
    tpu.wait_indirect_dma semaphore(%arg14 : memref<!tpu.dma_semaphore, #tpu.memory_space<semaphore_mem>>) src(%dma_wait3A_340 : memref<393216x128xf32, #tpu.memory_space<hbm>>) dst(%arg10 : memref<128x128xf32, #tpu.memory_space<vmem>>)
    %mul3A_341 = arith.constant 2048 : i32
    %mul3A_342 = arith.muli %add3A_4, %mul3A_341 : i32
    %add3A_343 = arith.constant 1920 : i32
    %add3A_344 = arith.addi %mul3A_342, %add3A_343 : i32
    %dma_start3A_345 = arith.constant 0 : i32
    %dma_start3A_346 = tpu.memref_slice %arg4[%add3A_344, %dma_start3A_345] : memref<196608x128xf32, #tpu.memory_space<hbm>> -> memref<128x128xf32, #tpu.memory_space<hbm>>
    %dma_start3A_347 = arith.constant 0 : i32
    %dma_start3A_348 = tpu.memref_slice %arg4[%add3A_344, %dma_start3A_347] : memref<196608x128xf32, #tpu.memory_space<hbm>> -> memref<128x128xf32, #tpu.memory_space<hbm>>
    tpu.enqueue_dma source(%arg10 : memref<128x128xf32, #tpu.memory_space<vmem>>) target(%dma_start3A_348 : memref<128x128xf32, #tpu.memory_space<hbm>>) target_semaphore(%arg18 : memref<!tpu.dma_semaphore, #tpu.memory_space<semaphore_mem>>)
    %dma_wait3A_349 = arith.constant 0 : i32
    %dma_wait3A_350 = tpu.memref_slice %arg4[%add3A_305, %dma_wait3A_349] : memref<196608x128xf32, #tpu.memory_space<hbm>> -> memref<128x128xf32, #tpu.memory_space<hbm>>
    %dma_wait3A_351 = arith.constant 0 : i32
    %dma_wait3A_352 = tpu.memref_slice %arg4[%add3A_305, %dma_wait3A_351] : memref<196608x128xf32, #tpu.memory_space<hbm>> -> memref<128x128xf32, #tpu.memory_space<hbm>>
    tpu.wait_dma2 semaphore(%arg15 : memref<!tpu.dma_semaphore, #tpu.memory_space<semaphore_mem>>) src(%arg7 : memref<128x128xf32, #tpu.memory_space<vmem>>) dst(%dma_wait3A_352 : memref<128x128xf32, #tpu.memory_space<hbm>>)
    %dma_wait3A_353 = arith.constant 0 : i32
    %dma_wait3A_354 = tpu.memref_slice %arg4[%add3A_318, %dma_wait3A_353] : memref<196608x128xf32, #tpu.memory_space<hbm>> -> memref<128x128xf32, #tpu.memory_space<hbm>>
    %dma_wait3A_355 = arith.constant 0 : i32
    %dma_wait3A_356 = tpu.memref_slice %arg4[%add3A_318, %dma_wait3A_355] : memref<196608x128xf32, #tpu.memory_space<hbm>> -> memref<128x128xf32, #tpu.memory_space<hbm>>
    tpu.wait_dma2 semaphore(%arg16 : memref<!tpu.dma_semaphore, #tpu.memory_space<semaphore_mem>>) src(%arg8 : memref<128x128xf32, #tpu.memory_space<vmem>>) dst(%dma_wait3A_356 : memref<128x128xf32, #tpu.memory_space<hbm>>)
    %dma_wait3A_357 = arith.constant 0 : i32
    %dma_wait3A_358 = tpu.memref_slice %arg4[%add3A_331, %dma_wait3A_357] : memref<196608x128xf32, #tpu.memory_space<hbm>> -> memref<128x128xf32, #tpu.memory_space<hbm>>
    %dma_wait3A_359 = arith.constant 0 : i32
    %dma_wait3A_360 = tpu.memref_slice %arg4[%add3A_331, %dma_wait3A_359] : memref<196608x128xf32, #tpu.memory_space<hbm>> -> memref<128x128xf32, #tpu.memory_space<hbm>>
    tpu.wait_dma2 semaphore(%arg17 : memref<!tpu.dma_semaphore, #tpu.memory_space<semaphore_mem>>) src(%arg9 : memref<128x128xf32, #tpu.memory_space<vmem>>) dst(%dma_wait3A_360 : memref<128x128xf32, #tpu.memory_space<hbm>>)
    %dma_wait3A_361 = arith.constant 0 : i32
    %dma_wait3A_362 = tpu.memref_slice %arg4[%add3A_344, %dma_wait3A_361] : memref<196608x128xf32, #tpu.memory_space<hbm>> -> memref<128x128xf32, #tpu.memory_space<hbm>>
    %dma_wait3A_363 = arith.constant 0 : i32
    %dma_wait3A_364 = tpu.memref_slice %arg4[%add3A_344, %dma_wait3A_363] : memref<196608x128xf32, #tpu.memory_space<hbm>> -> memref<128x128xf32, #tpu.memory_space<hbm>>
    tpu.wait_dma2 semaphore(%arg18 : memref<!tpu.dma_semaphore, #tpu.memory_space<semaphore_mem>>) src(%arg10 : memref<128x128xf32, #tpu.memory_space<vmem>>) dst(%dma_wait3A_364 : memref<128x128xf32, #tpu.memory_space<hbm>>)
    %mul3A_365 = arith.constant 3 : i32
    %mul3A_366 = arith.muli %add3A, %mul3A_365 : i32
    %add3A_367 = arith.constant 1 : i32
    %add3A_368 = arith.addi %mul3A_366, %add3A_367 : i32
    %mul3A_369 = arith.constant 4096 : i32
    %mul3A_370 = arith.muli %add3A_368, %mul3A_369 : i32
    "tpu.region"() ({
      %run_scoped3A = tpu.sem_alloc : memref<!tpu.dma_semaphore, #tpu.memory_space<semaphore_mem>>
      %dma_start3A_1099 = tpu.memref_slice %arg2[%mul3A_370] : memref<393216xi32, #tpu.memory_space<hbm>> -> memref<4096xi32, #tpu.memory_space<hbm>>
      %dma_start3A_1100 = tpu.memref_slice %arg2[%mul3A_370] : memref<393216xi32, #tpu.memory_space<hbm>> -> memref<4096xi32, #tpu.memory_space<hbm>>
      tpu.enqueue_dma source(%dma_start3A_1100 : memref<4096xi32, #tpu.memory_space<hbm>>) target(%arg5 : memref<4096xi32, #tpu.memory_space<vmem>>) target_semaphore(%run_scoped3A : memref<!tpu.dma_semaphore, #tpu.memory_space<semaphore_mem>>)
      %dma_wait3A_1101 = tpu.memref_slice %arg2[%mul3A_370] : memref<393216xi32, #tpu.memory_space<hbm>> -> memref<4096xi32, #tpu.memory_space<hbm>>
      %dma_wait3A_1102 = tpu.memref_slice %arg2[%mul3A_370] : memref<393216xi32, #tpu.memory_space<hbm>> -> memref<4096xi32, #tpu.memory_space<hbm>>
      tpu.wait_dma2 semaphore(%run_scoped3A : memref<!tpu.dma_semaphore, #tpu.memory_space<semaphore_mem>>) src(%dma_wait3A_1102 : memref<4096xi32, #tpu.memory_space<hbm>>) dst(%arg5 : memref<4096xi32, #tpu.memory_space<vmem>>)
      tpu.yield
    }) : () -> ()
    %mul3A_371 = arith.constant 4096 : i32
    %mul3A_372 = arith.muli %add3A_368, %mul3A_371 : i32
    %scan3A_373 = arith.constant 0 : i32
    %scan3A_374 = arith.constant 0 : i32
    %scan3A_375 = arith.constant 256 : i32
    %scan3A_376 = arith.addi %scan3A_374, %scan3A_375 : i32
    %scan3A_377 = arith.constant 1 : i32
    %scan3A_378 = scf.for %scan3A_1099 = %scan3A_374 to %scan3A_376 step %scan3A_377 iter_args(%scan3A_1100 = %scan3A_373) -> (i32)  : i32 {
      %mul3A_1101 = arith.constant 16 : i32
      %mul3A_1102 = arith.muli %scan3A_1099, %mul3A_1101 : i32
      %get3A = arith.index_cast %mul3A_1102 : i32 to index
      %get3A_1103 = tpu.vector_load %arg5[%get3A] {strides = array<i32>} : memref<4096xi32, #tpu.memory_space<vmem>>, vector<16xi32>,
      %gt3A = arith.constant 0 : i32
      %gt3A_1104 = vector.broadcast %gt3A : i32 to vector<16xi32>
      %gt3A_1105 = arith.cmpi sgt, %get3A_1103, %gt3A_1104 : vector<16xi32>
      %broadcast_in_dim3A = arith.constant true
      %broadcast_in_dim3A_1106 = vector.broadcast %broadcast_in_dim3A : i1 to vector<16xi1>
      %masked_cumsum3A = tpu.scan <sum>, %get3A_1103 masked %broadcast_in_dim3A_1106 : vector<16xi32>, vector<16xi1> -> vector<16xi32>
      %iota3A = tpu.iota {dimensions = array<i32: 0>} : vector<16xi32>
      %mul3A_1107 = arith.constant 16 : i32
      %mul3A_1108 = arith.muli %scan3A_1099, %mul3A_1107 : i32
      %add3A_1109 = arith.addi %mul3A_372, %mul3A_1108 : i32
      %add3A_1110 = vector.broadcast %add3A_1109 : i32 to vector<16xi32>
      %add3A_1111 = arith.addi %add3A_1110, %iota3A : vector<16xi32>
      %add3A_1112 = vector.broadcast %scan3A_1100 : i32 to vector<16xi32>
      %add3A_1113 = arith.addi %add3A_1112, %masked_cumsum3A : vector<16xi32>
      %sub3A = arith.constant 1 : i32
      %sub3A_1114 = vector.broadcast %sub3A : i32 to vector<16xi32>
      %sub3A_1115 = arith.subi %add3A_1113, %sub3A_1114 : vector<16xi32>
      %add3A_1116 = arith.constant 2048 : i32
      %add3A_1117 = vector.broadcast %add3A_1116 : i32 to vector<16xi32>
      %add3A_1118 = arith.addi %add3A_1117, %iota3A : vector<16xi32>
      %select_n3A = arith.select %gt3A_1105, %sub3A_1115, %add3A_1118 : vector<16xi1>, vector<16xi32>
      tpu.vector_store_idx %arg6[%select_n3A], %add3A_1111 : memref<2064xi32, #tpu.memory_space<vmem>>[vector<16xi32>], vector<16xi32>,
      %reduce_max3A = arith.constant true
      %reduce_max3A_1119 = vector.broadcast %reduce_max3A : i1 to vector<16xi1>
      %reduce_max3A_1120 = arith.constant -2147483648 : i32
      %reduce_max3A_1121 = vector.broadcast %reduce_max3A_1120 : i32 to vector<16xi32>
      %reduce_max3A_1122 = arith.xori %masked_cumsum3A, %reduce_max3A_1121 : vector<16xi32>
      %reduce_max3A_1123 = tpu.scan <max>, %reduce_max3A_1122 masked %reduce_max3A_1119 : vector<16xi32>, vector<16xi1> -> vector<16xi32>
      %reduce_max3A_1124 = arith.xori %reduce_max3A_1123, %reduce_max3A_1121 : vector<16xi32>
      %reduce_max3A_1125 = vector.extract %reduce_max3A_1124[15] : i32 from vector<16xi32>
      %add3A_1126 = arith.addi %scan3A_1100, %reduce_max3A_1125 : i32
      scf.yield %add3A_1126 : i32
    }
    %scan3A_379 = arith.constant 256 : i32
    %dma_start3A_380 = arith.constant 0 : i32
    %dma_start3A_381 = tpu.memref_slice %arg6[%dma_start3A_380] : memref<2064xi32, #tpu.memory_space<vmem>> -> memref<128xi32, #tpu.memory_space<vmem>>
    %dma_start3A_382 = arith.constant 0 : i32
    %dma_start3A_383 = arith.constant 0 : i32
    %dma_start3A_384 = tpu.memref_slice %arg3[%dma_start3A_382, %dma_start3A_383] : memref<393216x128xf32, #tpu.memory_space<hbm>> -> memref<393216x128xf32, #tpu.memory_space<hbm>>
    tpu.enqueue_indirect_dma source(%dma_start3A_384 : memref<393216x128xf32, #tpu.memory_space<hbm>>) target(%arg7 : memref<128x128xf32, #tpu.memory_space<vmem>>) offsets(%dma_start3A_381 : memref<128xi32, #tpu.memory_space<vmem>>) semaphore(%arg11 : memref<!tpu.dma_semaphore, #tpu.memory_space<semaphore_mem>>)
    %dma_start3A_385 = arith.constant 128 : i32
    %dma_start3A_386 = tpu.memref_slice %arg6[%dma_start3A_385] : memref<2064xi32, #tpu.memory_space<vmem>> -> memref<128xi32, #tpu.memory_space<vmem>>
    %dma_start3A_387 = arith.constant 0 : i32
    %dma_start3A_388 = arith.constant 0 : i32
    %dma_start3A_389 = tpu.memref_slice %arg3[%dma_start3A_387, %dma_start3A_388] : memref<393216x128xf32, #tpu.memory_space<hbm>> -> memref<393216x128xf32, #tpu.memory_space<hbm>>
    tpu.enqueue_indirect_dma source(%dma_start3A_389 : memref<393216x128xf32, #tpu.memory_space<hbm>>) target(%arg8 : memref<128x128xf32, #tpu.memory_space<vmem>>) offsets(%dma_start3A_386 : memref<128xi32, #tpu.memory_space<vmem>>) semaphore(%arg12 : memref<!tpu.dma_semaphore, #tpu.memory_space<semaphore_mem>>)
    %dma_start3A_390 = arith.constant 256 : i32
    %dma_start3A_391 = tpu.memref_slice %arg6[%dma_start3A_390] : memref<2064xi32, #tpu.memory_space<vmem>> -> memref<128xi32, #tpu.memory_space<vmem>>
    %dma_start3A_392 = arith.constant 0 : i32
    %dma_start3A_393 = arith.constant 0 : i32
    %dma_start3A_394 = tpu.memref_slice %arg3[%dma_start3A_392, %dma_start3A_393] : memref<393216x128xf32, #tpu.memory_space<hbm>> -> memref<393216x128xf32, #tpu.memory_space<hbm>>
    tpu.enqueue_indirect_dma source(%dma_start3A_394 : memref<393216x128xf32, #tpu.memory_space<hbm>>) target(%arg9 : memref<128x128xf32, #tpu.memory_space<vmem>>) offsets(%dma_start3A_391 : memref<128xi32, #tpu.memory_space<vmem>>) semaphore(%arg13 : memref<!tpu.dma_semaphore, #tpu.memory_space<semaphore_mem>>)
    %dma_start3A_395 = arith.constant 384 : i32
    %dma_start3A_396 = tpu.memref_slice %arg6[%dma_start3A_395] : memref<2064xi32, #tpu.memory_space<vmem>> -> memref<128xi32, #tpu.memory_space<vmem>>
    %dma_start3A_397 = arith.constant 0 : i32
    %dma_start3A_398 = arith.constant 0 : i32
    %dma_start3A_399 = tpu.memref_slice %arg3[%dma_start3A_397, %dma_start3A_398] : memref<393216x128xf32, #tpu.memory_space<hbm>> -> memref<393216x128xf32, #tpu.memory_space<hbm>>
    tpu.enqueue_indirect_dma source(%dma_start3A_399 : memref<393216x128xf32, #tpu.memory_space<hbm>>) target(%arg10 : memref<128x128xf32, #tpu.memory_space<vmem>>) offsets(%dma_start3A_396 : memref<128xi32, #tpu.memory_space<vmem>>) semaphore(%arg14 : memref<!tpu.dma_semaphore, #tpu.memory_space<semaphore_mem>>)
    %dma_wait3A_400 = arith.constant 0 : i32
    %dma_wait3A_401 = tpu.memref_slice %arg6[%dma_wait3A_400] : memref<2064xi32, #tpu.memory_space<vmem>> -> memref<128xi32, #tpu.memory_space<vmem>>
    %dma_wait3A_402 = arith.constant 0 : i32
    %dma_wait3A_403 = arith.constant 0 : i32
    %dma_wait3A_404 = tpu.memref_slice %arg3[%dma_wait3A_402, %dma_wait3A_403] : memref<393216x128xf32, #tpu.memory_space<hbm>> -> memref<393216x128xf32, #tpu.memory_space<hbm>>
    tpu.wait_indirect_dma semaphore(%arg11 : memref<!tpu.dma_semaphore, #tpu.memory_space<semaphore_mem>>) src(%dma_wait3A_404 : memref<393216x128xf32, #tpu.memory_space<hbm>>) dst(%arg7 : memref<128x128xf32, #tpu.memory_space<vmem>>)
    %mul3A_405 = arith.constant 2048 : i32
    %mul3A_406 = arith.muli %add3A_368, %mul3A_405 : i32
    %add3A_407 = arith.constant 0 : i32
    %add3A_408 = arith.addi %mul3A_406, %add3A_407 : i32
    %dma_start3A_409 = arith.constant 0 : i32
    %dma_start3A_410 = tpu.memref_slice %arg4[%add3A_408, %dma_start3A_409] : memref<196608x128xf32, #tpu.memory_space<hbm>> -> memref<128x128xf32, #tpu.memory_space<hbm>>
    %dma_start3A_411 = arith.constant 0 : i32
    %dma_start3A_412 = tpu.memref_slice %arg4[%add3A_408, %dma_start3A_411] : memref<196608x128xf32, #tpu.memory_space<hbm>> -> memref<128x128xf32, #tpu.memory_space<hbm>>
    tpu.enqueue_dma source(%arg7 : memref<128x128xf32, #tpu.memory_space<vmem>>) target(%dma_start3A_412 : memref<128x128xf32, #tpu.memory_space<hbm>>) target_semaphore(%arg15 : memref<!tpu.dma_semaphore, #tpu.memory_space<semaphore_mem>>)
    %dma_wait3A_413 = arith.constant 0 : i32
    %dma_wait3A_414 = tpu.memref_slice %arg4[%add3A_408, %dma_wait3A_413] : memref<196608x128xf32, #tpu.memory_space<hbm>> -> memref<128x128xf32, #tpu.memory_space<hbm>>
    %dma_wait3A_415 = arith.constant 0 : i32
    %dma_wait3A_416 = tpu.memref_slice %arg4[%add3A_408, %dma_wait3A_415] : memref<196608x128xf32, #tpu.memory_space<hbm>> -> memref<128x128xf32, #tpu.memory_space<hbm>>
    tpu.wait_dma2 semaphore(%arg15 : memref<!tpu.dma_semaphore, #tpu.memory_space<semaphore_mem>>) src(%arg7 : memref<128x128xf32, #tpu.memory_space<vmem>>) dst(%dma_wait3A_416 : memref<128x128xf32, #tpu.memory_space<hbm>>)
    %dma_start3A_417 = arith.constant 512 : i32
    %dma_start3A_418 = tpu.memref_slice %arg6[%dma_start3A_417] : memref<2064xi32, #tpu.memory_space<vmem>> -> memref<128xi32, #tpu.memory_space<vmem>>
    %dma_start3A_419 = arith.constant 0 : i32
    %dma_start3A_420 = arith.constant 0 : i32
    %dma_start3A_421 = tpu.memref_slice %arg3[%dma_start3A_419, %dma_start3A_420] : memref<393216x128xf32, #tpu.memory_space<hbm>> -> memref<393216x128xf32, #tpu.memory_space<hbm>>
    tpu.enqueue_indirect_dma source(%dma_start3A_421 : memref<393216x128xf32, #tpu.memory_space<hbm>>) target(%arg7 : memref<128x128xf32, #tpu.memory_space<vmem>>) offsets(%dma_start3A_418 : memref<128xi32, #tpu.memory_space<vmem>>) semaphore(%arg11 : memref<!tpu.dma_semaphore, #tpu.memory_space<semaphore_mem>>)
    %dma_wait3A_422 = arith.constant 128 : i32
    %dma_wait3A_423 = tpu.memref_slice %arg6[%dma_wait3A_422] : memref<2064xi32, #tpu.memory_space<vmem>> -> memref<128xi32, #tpu.memory_space<vmem>>
    %dma_wait3A_424 = arith.constant 0 : i32
    %dma_wait3A_425 = arith.constant 0 : i32
    %dma_wait3A_426 = tpu.memref_slice %arg3[%dma_wait3A_424, %dma_wait3A_425] : memref<393216x128xf32, #tpu.memory_space<hbm>> -> memref<393216x128xf32, #tpu.memory_space<hbm>>
    tpu.wait_indirect_dma semaphore(%arg12 : memref<!tpu.dma_semaphore, #tpu.memory_space<semaphore_mem>>) src(%dma_wait3A_426 : memref<393216x128xf32, #tpu.memory_space<hbm>>) dst(%arg8 : memref<128x128xf32, #tpu.memory_space<vmem>>)
    %mul3A_427 = arith.constant 2048 : i32
    %mul3A_428 = arith.muli %add3A_368, %mul3A_427 : i32
    %add3A_429 = arith.constant 128 : i32
    %add3A_430 = arith.addi %mul3A_428, %add3A_429 : i32
    %dma_start3A_431 = arith.constant 0 : i32
    %dma_start3A_432 = tpu.memref_slice %arg4[%add3A_430, %dma_start3A_431] : memref<196608x128xf32, #tpu.memory_space<hbm>> -> memref<128x128xf32, #tpu.memory_space<hbm>>
    %dma_start3A_433 = arith.constant 0 : i32
    %dma_start3A_434 = tpu.memref_slice %arg4[%add3A_430, %dma_start3A_433] : memref<196608x128xf32, #tpu.memory_space<hbm>> -> memref<128x128xf32, #tpu.memory_space<hbm>>
    tpu.enqueue_dma source(%arg8 : memref<128x128xf32, #tpu.memory_space<vmem>>) target(%dma_start3A_434 : memref<128x128xf32, #tpu.memory_space<hbm>>) target_semaphore(%arg16 : memref<!tpu.dma_semaphore, #tpu.memory_space<semaphore_mem>>)
    %dma_wait3A_435 = arith.constant 0 : i32
    %dma_wait3A_436 = tpu.memref_slice %arg4[%add3A_430, %dma_wait3A_435] : memref<196608x128xf32, #tpu.memory_space<hbm>> -> memref<128x128xf32, #tpu.memory_space<hbm>>
    %dma_wait3A_437 = arith.constant 0 : i32
    %dma_wait3A_438 = tpu.memref_slice %arg4[%add3A_430, %dma_wait3A_437] : memref<196608x128xf32, #tpu.memory_space<hbm>> -> memref<128x128xf32, #tpu.memory_space<hbm>>
    tpu.wait_dma2 semaphore(%arg16 : memref<!tpu.dma_semaphore, #tpu.memory_space<semaphore_mem>>) src(%arg8 : memref<128x128xf32, #tpu.memory_space<vmem>>) dst(%dma_wait3A_438 : memref<128x128xf32, #tpu.memory_space<hbm>>)
    %dma_start3A_439 = arith.constant 640 : i32
    %dma_start3A_440 = tpu.memref_slice %arg6[%dma_start3A_439] : memref<2064xi32, #tpu.memory_space<vmem>> -> memref<128xi32, #tpu.memory_space<vmem>>
    %dma_start3A_441 = arith.constant 0 : i32
    %dma_start3A_442 = arith.constant 0 : i32
    %dma_start3A_443 = tpu.memref_slice %arg3[%dma_start3A_441, %dma_start3A_442] : memref<393216x128xf32, #tpu.memory_space<hbm>> -> memref<393216x128xf32, #tpu.memory_space<hbm>>
    tpu.enqueue_indirect_dma source(%dma_start3A_443 : memref<393216x128xf32, #tpu.memory_space<hbm>>) target(%arg8 : memref<128x128xf32, #tpu.memory_space<vmem>>) offsets(%dma_start3A_440 : memref<128xi32, #tpu.memory_space<vmem>>) semaphore(%arg12 : memref<!tpu.dma_semaphore, #tpu.memory_space<semaphore_mem>>)
    %dma_wait3A_444 = arith.constant 256 : i32
    %dma_wait3A_445 = tpu.memref_slice %arg6[%dma_wait3A_444] : memref<2064xi32, #tpu.memory_space<vmem>> -> memref<128xi32, #tpu.memory_space<vmem>>
    %dma_wait3A_446 = arith.constant 0 : i32
    %dma_wait3A_447 = arith.constant 0 : i32
    %dma_wait3A_448 = tpu.memref_slice %arg3[%dma_wait3A_446, %dma_wait3A_447] : memref<393216x128xf32, #tpu.memory_space<hbm>> -> memref<393216x128xf32, #tpu.memory_space<hbm>>
    tpu.wait_indirect_dma semaphore(%arg13 : memref<!tpu.dma_semaphore, #tpu.memory_space<semaphore_mem>>) src(%dma_wait3A_448 : memref<393216x128xf32, #tpu.memory_space<hbm>>) dst(%arg9 : memref<128x128xf32, #tpu.memory_space<vmem>>)
    %mul3A_449 = arith.constant 2048 : i32
    %mul3A_450 = arith.muli %add3A_368, %mul3A_449 : i32
    %add3A_451 = arith.constant 256 : i32
    %add3A_452 = arith.addi %mul3A_450, %add3A_451 : i32
    %dma_start3A_453 = arith.constant 0 : i32
    %dma_start3A_454 = tpu.memref_slice %arg4[%add3A_452, %dma_start3A_453] : memref<196608x128xf32, #tpu.memory_space<hbm>> -> memref<128x128xf32, #tpu.memory_space<hbm>>
    %dma_start3A_455 = arith.constant 0 : i32
    %dma_start3A_456 = tpu.memref_slice %arg4[%add3A_452, %dma_start3A_455] : memref<196608x128xf32, #tpu.memory_space<hbm>> -> memref<128x128xf32, #tpu.memory_space<hbm>>
    tpu.enqueue_dma source(%arg9 : memref<128x128xf32, #tpu.memory_space<vmem>>) target(%dma_start3A_456 : memref<128x128xf32, #tpu.memory_space<hbm>>) target_semaphore(%arg17 : memref<!tpu.dma_semaphore, #tpu.memory_space<semaphore_mem>>)
    %dma_wait3A_457 = arith.constant 0 : i32
    %dma_wait3A_458 = tpu.memref_slice %arg4[%add3A_452, %dma_wait3A_457] : memref<196608x128xf32, #tpu.memory_space<hbm>> -> memref<128x128xf32, #tpu.memory_space<hbm>>
    %dma_wait3A_459 = arith.constant 0 : i32
    %dma_wait3A_460 = tpu.memref_slice %arg4[%add3A_452, %dma_wait3A_459] : memref<196608x128xf32, #tpu.memory_space<hbm>> -> memref<128x128xf32, #tpu.memory_space<hbm>>
    tpu.wait_dma2 semaphore(%arg17 : memref<!tpu.dma_semaphore, #tpu.memory_space<semaphore_mem>>) src(%arg9 : memref<128x128xf32, #tpu.memory_space<vmem>>) dst(%dma_wait3A_460 : memref<128x128xf32, #tpu.memory_space<hbm>>)
    %dma_start3A_461 = arith.constant 768 : i32
    %dma_start3A_462 = tpu.memref_slice %arg6[%dma_start3A_461] : memref<2064xi32, #tpu.memory_space<vmem>> -> memref<128xi32, #tpu.memory_space<vmem>>
    %dma_start3A_463 = arith.constant 0 : i32
    %dma_start3A_464 = arith.constant 0 : i32
    %dma_start3A_465 = tpu.memref_slice %arg3[%dma_start3A_463, %dma_start3A_464] : memref<393216x128xf32, #tpu.memory_space<hbm>> -> memref<393216x128xf32, #tpu.memory_space<hbm>>
    tpu.enqueue_indirect_dma source(%dma_start3A_465 : memref<393216x128xf32, #tpu.memory_space<hbm>>) target(%arg9 : memref<128x128xf32, #tpu.memory_space<vmem>>) offsets(%dma_start3A_462 : memref<128xi32, #tpu.memory_space<vmem>>) semaphore(%arg13 : memref<!tpu.dma_semaphore, #tpu.memory_space<semaphore_mem>>)
    %dma_wait3A_466 = arith.constant 384 : i32
    %dma_wait3A_467 = tpu.memref_slice %arg6[%dma_wait3A_466] : memref<2064xi32, #tpu.memory_space<vmem>> -> memref<128xi32, #tpu.memory_space<vmem>>
    %dma_wait3A_468 = arith.constant 0 : i32
    %dma_wait3A_469 = arith.constant 0 : i32
    %dma_wait3A_470 = tpu.memref_slice %arg3[%dma_wait3A_468, %dma_wait3A_469] : memref<393216x128xf32, #tpu.memory_space<hbm>> -> memref<393216x128xf32, #tpu.memory_space<hbm>>
    tpu.wait_indirect_dma semaphore(%arg14 : memref<!tpu.dma_semaphore, #tpu.memory_space<semaphore_mem>>) src(%dma_wait3A_470 : memref<393216x128xf32, #tpu.memory_space<hbm>>) dst(%arg10 : memref<128x128xf32, #tpu.memory_space<vmem>>)
    %mul3A_471 = arith.constant 2048 : i32
    %mul3A_472 = arith.muli %add3A_368, %mul3A_471 : i32
    %add3A_473 = arith.constant 384 : i32
    %add3A_474 = arith.addi %mul3A_472, %add3A_473 : i32
    %dma_start3A_475 = arith.constant 0 : i32
    %dma_start3A_476 = tpu.memref_slice %arg4[%add3A_474, %dma_start3A_475] : memref<196608x128xf32, #tpu.memory_space<hbm>> -> memref<128x128xf32, #tpu.memory_space<hbm>>
    %dma_start3A_477 = arith.constant 0 : i32
    %dma_start3A_478 = tpu.memref_slice %arg4[%add3A_474, %dma_start3A_477] : memref<196608x128xf32, #tpu.memory_space<hbm>> -> memref<128x128xf32, #tpu.memory_space<hbm>>
    tpu.enqueue_dma source(%arg10 : memref<128x128xf32, #tpu.memory_space<vmem>>) target(%dma_start3A_478 : memref<128x128xf32, #tpu.memory_space<hbm>>) target_semaphore(%arg18 : memref<!tpu.dma_semaphore, #tpu.memory_space<semaphore_mem>>)
    %dma_wait3A_479 = arith.constant 0 : i32
    %dma_wait3A_480 = tpu.memref_slice %arg4[%add3A_474, %dma_wait3A_479] : memref<196608x128xf32, #tpu.memory_space<hbm>> -> memref<128x128xf32, #tpu.memory_space<hbm>>
    %dma_wait3A_481 = arith.constant 0 : i32
    %dma_wait3A_482 = tpu.memref_slice %arg4[%add3A_474, %dma_wait3A_481] : memref<196608x128xf32, #tpu.memory_space<hbm>> -> memref<128x128xf32, #tpu.memory_space<hbm>>
    tpu.wait_dma2 semaphore(%arg18 : memref<!tpu.dma_semaphore, #tpu.memory_space<semaphore_mem>>) src(%arg10 : memref<128x128xf32, #tpu.memory_space<vmem>>) dst(%dma_wait3A_482 : memref<128x128xf32, #tpu.memory_space<hbm>>)
    %dma_start3A_483 = arith.constant 896 : i32
    %dma_start3A_484 = tpu.memref_slice %arg6[%dma_start3A_483] : memref<2064xi32, #tpu.memory_space<vmem>> -> memref<128xi32, #tpu.memory_space<vmem>>
    %dma_start3A_485 = arith.constant 0 : i32
    %dma_start3A_486 = arith.constant 0 : i32
    %dma_start3A_487 = tpu.memref_slice %arg3[%dma_start3A_485, %dma_start3A_486] : memref<393216x128xf32, #tpu.memory_space<hbm>> -> memref<393216x128xf32, #tpu.memory_space<hbm>>
    tpu.enqueue_indirect_dma source(%dma_start3A_487 : memref<393216x128xf32, #tpu.memory_space<hbm>>) target(%arg10 : memref<128x128xf32, #tpu.memory_space<vmem>>) offsets(%dma_start3A_484 : memref<128xi32, #tpu.memory_space<vmem>>) semaphore(%arg14 : memref<!tpu.dma_semaphore, #tpu.memory_space<semaphore_mem>>)
    %dma_wait3A_488 = arith.constant 512 : i32
    %dma_wait3A_489 = tpu.memref_slice %arg6[%dma_wait3A_488] : memref<2064xi32, #tpu.memory_space<vmem>> -> memref<128xi32, #tpu.memory_space<vmem>>
    %dma_wait3A_490 = arith.constant 0 : i32
    %dma_wait3A_491 = arith.constant 0 : i32
    %dma_wait3A_492 = tpu.memref_slice %arg3[%dma_wait3A_490, %dma_wait3A_491] : memref<393216x128xf32, #tpu.memory_space<hbm>> -> memref<393216x128xf32, #tpu.memory_space<hbm>>
    tpu.wait_indirect_dma semaphore(%arg11 : memref<!tpu.dma_semaphore, #tpu.memory_space<semaphore_mem>>) src(%dma_wait3A_492 : memref<393216x128xf32, #tpu.memory_space<hbm>>) dst(%arg7 : memref<128x128xf32, #tpu.memory_space<vmem>>)
    %mul3A_493 = arith.constant 2048 : i32
    %mul3A_494 = arith.muli %add3A_368, %mul3A_493 : i32
    %add3A_495 = arith.constant 512 : i32
    %add3A_496 = arith.addi %mul3A_494, %add3A_495 : i32
    %dma_start3A_497 = arith.constant 0 : i32
    %dma_start3A_498 = tpu.memref_slice %arg4[%add3A_496, %dma_start3A_497] : memref<196608x128xf32, #tpu.memory_space<hbm>> -> memref<128x128xf32, #tpu.memory_space<hbm>>
    %dma_start3A_499 = arith.constant 0 : i32
    %dma_start3A_500 = tpu.memref_slice %arg4[%add3A_496, %dma_start3A_499] : memref<196608x128xf32, #tpu.memory_space<hbm>> -> memref<128x128xf32, #tpu.memory_space<hbm>>
    tpu.enqueue_dma source(%arg7 : memref<128x128xf32, #tpu.memory_space<vmem>>) target(%dma_start3A_500 : memref<128x128xf32, #tpu.memory_space<hbm>>) target_semaphore(%arg15 : memref<!tpu.dma_semaphore, #tpu.memory_space<semaphore_mem>>)
    %dma_wait3A_501 = arith.constant 0 : i32
    %dma_wait3A_502 = tpu.memref_slice %arg4[%add3A_496, %dma_wait3A_501] : memref<196608x128xf32, #tpu.memory_space<hbm>> -> memref<128x128xf32, #tpu.memory_space<hbm>>
    %dma_wait3A_503 = arith.constant 0 : i32
    %dma_wait3A_504 = tpu.memref_slice %arg4[%add3A_496, %dma_wait3A_503] : memref<196608x128xf32, #tpu.memory_space<hbm>> -> memref<128x128xf32, #tpu.memory_space<hbm>>
    tpu.wait_dma2 semaphore(%arg15 : memref<!tpu.dma_semaphore, #tpu.memory_space<semaphore_mem>>) src(%arg7 : memref<128x128xf32, #tpu.memory_space<vmem>>) dst(%dma_wait3A_504 : memref<128x128xf32, #tpu.memory_space<hbm>>)
    %dma_start3A_505 = arith.constant 1024 : i32
    %dma_start3A_506 = tpu.memref_slice %arg6[%dma_start3A_505] : memref<2064xi32, #tpu.memory_space<vmem>> -> memref<128xi32, #tpu.memory_space<vmem>>
    %dma_start3A_507 = arith.constant 0 : i32
    %dma_start3A_508 = arith.constant 0 : i32
    %dma_start3A_509 = tpu.memref_slice %arg3[%dma_start3A_507, %dma_start3A_508] : memref<393216x128xf32, #tpu.memory_space<hbm>> -> memref<393216x128xf32, #tpu.memory_space<hbm>>
    tpu.enqueue_indirect_dma source(%dma_start3A_509 : memref<393216x128xf32, #tpu.memory_space<hbm>>) target(%arg7 : memref<128x128xf32, #tpu.memory_space<vmem>>) offsets(%dma_start3A_506 : memref<128xi32, #tpu.memory_space<vmem>>) semaphore(%arg11 : memref<!tpu.dma_semaphore, #tpu.memory_space<semaphore_mem>>)
    %dma_wait3A_510 = arith.constant 640 : i32
    %dma_wait3A_511 = tpu.memref_slice %arg6[%dma_wait3A_510] : memref<2064xi32, #tpu.memory_space<vmem>> -> memref<128xi32, #tpu.memory_space<vmem>>
    %dma_wait3A_512 = arith.constant 0 : i32
    %dma_wait3A_513 = arith.constant 0 : i32
    %dma_wait3A_514 = tpu.memref_slice %arg3[%dma_wait3A_512, %dma_wait3A_513] : memref<393216x128xf32, #tpu.memory_space<hbm>> -> memref<393216x128xf32, #tpu.memory_space<hbm>>
    tpu.wait_indirect_dma semaphore(%arg12 : memref<!tpu.dma_semaphore, #tpu.memory_space<semaphore_mem>>) src(%dma_wait3A_514 : memref<393216x128xf32, #tpu.memory_space<hbm>>) dst(%arg8 : memref<128x128xf32, #tpu.memory_space<vmem>>)
    %mul3A_515 = arith.constant 2048 : i32
    %mul3A_516 = arith.muli %add3A_368, %mul3A_515 : i32
    %add3A_517 = arith.constant 640 : i32
    %add3A_518 = arith.addi %mul3A_516, %add3A_517 : i32
    %dma_start3A_519 = arith.constant 0 : i32
    %dma_start3A_520 = tpu.memref_slice %arg4[%add3A_518, %dma_start3A_519] : memref<196608x128xf32, #tpu.memory_space<hbm>> -> memref<128x128xf32, #tpu.memory_space<hbm>>
    %dma_start3A_521 = arith.constant 0 : i32
    %dma_start3A_522 = tpu.memref_slice %arg4[%add3A_518, %dma_start3A_521] : memref<196608x128xf32, #tpu.memory_space<hbm>> -> memref<128x128xf32, #tpu.memory_space<hbm>>
    tpu.enqueue_dma source(%arg8 : memref<128x128xf32, #tpu.memory_space<vmem>>) target(%dma_start3A_522 : memref<128x128xf32, #tpu.memory_space<hbm>>) target_semaphore(%arg16 : memref<!tpu.dma_semaphore, #tpu.memory_space<semaphore_mem>>)
    %dma_wait3A_523 = arith.constant 0 : i32
    %dma_wait3A_524 = tpu.memref_slice %arg4[%add3A_518, %dma_wait3A_523] : memref<196608x128xf32, #tpu.memory_space<hbm>> -> memref<128x128xf32, #tpu.memory_space<hbm>>
    %dma_wait3A_525 = arith.constant 0 : i32
    %dma_wait3A_526 = tpu.memref_slice %arg4[%add3A_518, %dma_wait3A_525] : memref<196608x128xf32, #tpu.memory_space<hbm>> -> memref<128x128xf32, #tpu.memory_space<hbm>>
    tpu.wait_dma2 semaphore(%arg16 : memref<!tpu.dma_semaphore, #tpu.memory_space<semaphore_mem>>) src(%arg8 : memref<128x128xf32, #tpu.memory_space<vmem>>) dst(%dma_wait3A_526 : memref<128x128xf32, #tpu.memory_space<hbm>>)
    %dma_start3A_527 = arith.constant 1152 : i32
    %dma_start3A_528 = tpu.memref_slice %arg6[%dma_start3A_527] : memref<2064xi32, #tpu.memory_space<vmem>> -> memref<128xi32, #tpu.memory_space<vmem>>
    %dma_start3A_529 = arith.constant 0 : i32
    %dma_start3A_530 = arith.constant 0 : i32
    %dma_start3A_531 = tpu.memref_slice %arg3[%dma_start3A_529, %dma_start3A_530] : memref<393216x128xf32, #tpu.memory_space<hbm>> -> memref<393216x128xf32, #tpu.memory_space<hbm>>
    tpu.enqueue_indirect_dma source(%dma_start3A_531 : memref<393216x128xf32, #tpu.memory_space<hbm>>) target(%arg8 : memref<128x128xf32, #tpu.memory_space<vmem>>) offsets(%dma_start3A_528 : memref<128xi32, #tpu.memory_space<vmem>>) semaphore(%arg12 : memref<!tpu.dma_semaphore, #tpu.memory_space<semaphore_mem>>)
    %dma_wait3A_532 = arith.constant 768 : i32
    %dma_wait3A_533 = tpu.memref_slice %arg6[%dma_wait3A_532] : memref<2064xi32, #tpu.memory_space<vmem>> -> memref<128xi32, #tpu.memory_space<vmem>>
    %dma_wait3A_534 = arith.constant 0 : i32
    %dma_wait3A_535 = arith.constant 0 : i32
    %dma_wait3A_536 = tpu.memref_slice %arg3[%dma_wait3A_534, %dma_wait3A_535] : memref<393216x128xf32, #tpu.memory_space<hbm>> -> memref<393216x128xf32, #tpu.memory_space<hbm>>
    tpu.wait_indirect_dma semaphore(%arg13 : memref<!tpu.dma_semaphore, #tpu.memory_space<semaphore_mem>>) src(%dma_wait3A_536 : memref<393216x128xf32, #tpu.memory_space<hbm>>) dst(%arg9 : memref<128x128xf32, #tpu.memory_space<vmem>>)
    %mul3A_537 = arith.constant 2048 : i32
    %mul3A_538 = arith.muli %add3A_368, %mul3A_537 : i32
    %add3A_539 = arith.constant 768 : i32
    %add3A_540 = arith.addi %mul3A_538, %add3A_539 : i32
    %dma_start3A_541 = arith.constant 0 : i32
    %dma_start3A_542 = tpu.memref_slice %arg4[%add3A_540, %dma_start3A_541] : memref<196608x128xf32, #tpu.memory_space<hbm>> -> memref<128x128xf32, #tpu.memory_space<hbm>>
    %dma_start3A_543 = arith.constant 0 : i32
    %dma_start3A_544 = tpu.memref_slice %arg4[%add3A_540, %dma_start3A_543] : memref<196608x128xf32, #tpu.memory_space<hbm>> -> memref<128x128xf32, #tpu.memory_space<hbm>>
    tpu.enqueue_dma source(%arg9 : memref<128x128xf32, #tpu.memory_space<vmem>>) target(%dma_start3A_544 : memref<128x128xf32, #tpu.memory_space<hbm>>) target_semaphore(%arg17 : memref<!tpu.dma_semaphore, #tpu.memory_space<semaphore_mem>>)
    %dma_wait3A_545 = arith.constant 0 : i32
    %dma_wait3A_546 = tpu.memref_slice %arg4[%add3A_540, %dma_wait3A_545] : memref<196608x128xf32, #tpu.memory_space<hbm>> -> memref<128x128xf32, #tpu.memory_space<hbm>>
    %dma_wait3A_547 = arith.constant 0 : i32
    %dma_wait3A_548 = tpu.memref_slice %arg4[%add3A_540, %dma_wait3A_547] : memref<196608x128xf32, #tpu.memory_space<hbm>> -> memref<128x128xf32, #tpu.memory_space<hbm>>
    tpu.wait_dma2 semaphore(%arg17 : memref<!tpu.dma_semaphore, #tpu.memory_space<semaphore_mem>>) src(%arg9 : memref<128x128xf32, #tpu.memory_space<vmem>>) dst(%dma_wait3A_548 : memref<128x128xf32, #tpu.memory_space<hbm>>)
    %dma_start3A_549 = arith.constant 1280 : i32
    %dma_start3A_550 = tpu.memref_slice %arg6[%dma_start3A_549] : memref<2064xi32, #tpu.memory_space<vmem>> -> memref<128xi32, #tpu.memory_space<vmem>>
    %dma_start3A_551 = arith.constant 0 : i32
    %dma_start3A_552 = arith.constant 0 : i32
    %dma_start3A_553 = tpu.memref_slice %arg3[%dma_start3A_551, %dma_start3A_552] : memref<393216x128xf32, #tpu.memory_space<hbm>> -> memref<393216x128xf32, #tpu.memory_space<hbm>>
    tpu.enqueue_indirect_dma source(%dma_start3A_553 : memref<393216x128xf32, #tpu.memory_space<hbm>>) target(%arg9 : memref<128x128xf32, #tpu.memory_space<vmem>>) offsets(%dma_start3A_550 : memref<128xi32, #tpu.memory_space<vmem>>) semaphore(%arg13 : memref<!tpu.dma_semaphore, #tpu.memory_space<semaphore_mem>>)
    %dma_wait3A_554 = arith.constant 896 : i32
    %dma_wait3A_555 = tpu.memref_slice %arg6[%dma_wait3A_554] : memref<2064xi32, #tpu.memory_space<vmem>> -> memref<128xi32, #tpu.memory_space<vmem>>
    %dma_wait3A_556 = arith.constant 0 : i32
    %dma_wait3A_557 = arith.constant 0 : i32
    %dma_wait3A_558 = tpu.memref_slice %arg3[%dma_wait3A_556, %dma_wait3A_557] : memref<393216x128xf32, #tpu.memory_space<hbm>> -> memref<393216x128xf32, #tpu.memory_space<hbm>>
    tpu.wait_indirect_dma semaphore(%arg14 : memref<!tpu.dma_semaphore, #tpu.memory_space<semaphore_mem>>) src(%dma_wait3A_558 : memref<393216x128xf32, #tpu.memory_space<hbm>>) dst(%arg10 : memref<128x128xf32, #tpu.memory_space<vmem>>)
    %mul3A_559 = arith.constant 2048 : i32
    %mul3A_560 = arith.muli %add3A_368, %mul3A_559 : i32
    %add3A_561 = arith.constant 896 : i32
    %add3A_562 = arith.addi %mul3A_560, %add3A_561 : i32
    %dma_start3A_563 = arith.constant 0 : i32
    %dma_start3A_564 = tpu.memref_slice %arg4[%add3A_562, %dma_start3A_563] : memref<196608x128xf32, #tpu.memory_space<hbm>> -> memref<128x128xf32, #tpu.memory_space<hbm>>
    %dma_start3A_565 = arith.constant 0 : i32
    %dma_start3A_566 = tpu.memref_slice %arg4[%add3A_562, %dma_start3A_565] : memref<196608x128xf32, #tpu.memory_space<hbm>> -> memref<128x128xf32, #tpu.memory_space<hbm>>
    tpu.enqueue_dma source(%arg10 : memref<128x128xf32, #tpu.memory_space<vmem>>) target(%dma_start3A_566 : memref<128x128xf32, #tpu.memory_space<hbm>>) target_semaphore(%arg18 : memref<!tpu.dma_semaphore, #tpu.memory_space<semaphore_mem>>)
    %dma_wait3A_567 = arith.constant 0 : i32
    %dma_wait3A_568 = tpu.memref_slice %arg4[%add3A_562, %dma_wait3A_567] : memref<196608x128xf32, #tpu.memory_space<hbm>> -> memref<128x128xf32, #tpu.memory_space<hbm>>
    %dma_wait3A_569 = arith.constant 0 : i32
    %dma_wait3A_570 = tpu.memref_slice %arg4[%add3A_562, %dma_wait3A_569] : memref<196608x128xf32, #tpu.memory_space<hbm>> -> memref<128x128xf32, #tpu.memory_space<hbm>>
    tpu.wait_dma2 semaphore(%arg18 : memref<!tpu.dma_semaphore, #tpu.memory_space<semaphore_mem>>) src(%arg10 : memref<128x128xf32, #tpu.memory_space<vmem>>) dst(%dma_wait3A_570 : memref<128x128xf32, #tpu.memory_space<hbm>>)
    %dma_start3A_571 = arith.constant 1408 : i32
    %dma_start3A_572 = tpu.memref_slice %arg6[%dma_start3A_571] : memref<2064xi32, #tpu.memory_space<vmem>> -> memref<128xi32, #tpu.memory_space<vmem>>
    %dma_start3A_573 = arith.constant 0 : i32
    %dma_start3A_574 = arith.constant 0 : i32
    %dma_start3A_575 = tpu.memref_slice %arg3[%dma_start3A_573, %dma_start3A_574] : memref<393216x128xf32, #tpu.memory_space<hbm>> -> memref<393216x128xf32, #tpu.memory_space<hbm>>
    tpu.enqueue_indirect_dma source(%dma_start3A_575 : memref<393216x128xf32, #tpu.memory_space<hbm>>) target(%arg10 : memref<128x128xf32, #tpu.memory_space<vmem>>) offsets(%dma_start3A_572 : memref<128xi32, #tpu.memory_space<vmem>>) semaphore(%arg14 : memref<!tpu.dma_semaphore, #tpu.memory_space<semaphore_mem>>)
    %dma_wait3A_576 = arith.constant 1024 : i32
    %dma_wait3A_577 = tpu.memref_slice %arg6[%dma_wait3A_576] : memref<2064xi32, #tpu.memory_space<vmem>> -> memref<128xi32, #tpu.memory_space<vmem>>
    %dma_wait3A_578 = arith.constant 0 : i32
    %dma_wait3A_579 = arith.constant 0 : i32
    %dma_wait3A_580 = tpu.memref_slice %arg3[%dma_wait3A_578, %dma_wait3A_579] : memref<393216x128xf32, #tpu.memory_space<hbm>> -> memref<393216x128xf32, #tpu.memory_space<hbm>>
    tpu.wait_indirect_dma semaphore(%arg11 : memref<!tpu.dma_semaphore, #tpu.memory_space<semaphore_mem>>) src(%dma_wait3A_580 : memref<393216x128xf32, #tpu.memory_space<hbm>>) dst(%arg7 : memref<128x128xf32, #tpu.memory_space<vmem>>)
    %mul3A_581 = arith.constant 2048 : i32
    %mul3A_582 = arith.muli %add3A_368, %mul3A_581 : i32
    %add3A_583 = arith.constant 1024 : i32
    %add3A_584 = arith.addi %mul3A_582, %add3A_583 : i32
    %dma_start3A_585 = arith.constant 0 : i32
    %dma_start3A_586 = tpu.memref_slice %arg4[%add3A_584, %dma_start3A_585] : memref<196608x128xf32, #tpu.memory_space<hbm>> -> memref<128x128xf32, #tpu.memory_space<hbm>>
    %dma_start3A_587 = arith.constant 0 : i32
    %dma_start3A_588 = tpu.memref_slice %arg4[%add3A_584, %dma_start3A_587] : memref<196608x128xf32, #tpu.memory_space<hbm>> -> memref<128x128xf32, #tpu.memory_space<hbm>>
    tpu.enqueue_dma source(%arg7 : memref<128x128xf32, #tpu.memory_space<vmem>>) target(%dma_start3A_588 : memref<128x128xf32, #tpu.memory_space<hbm>>) target_semaphore(%arg15 : memref<!tpu.dma_semaphore, #tpu.memory_space<semaphore_mem>>)
    %dma_wait3A_589 = arith.constant 0 : i32
    %dma_wait3A_590 = tpu.memref_slice %arg4[%add3A_584, %dma_wait3A_589] : memref<196608x128xf32, #tpu.memory_space<hbm>> -> memref<128x128xf32, #tpu.memory_space<hbm>>
    %dma_wait3A_591 = arith.constant 0 : i32
    %dma_wait3A_592 = tpu.memref_slice %arg4[%add3A_584, %dma_wait3A_591] : memref<196608x128xf32, #tpu.memory_space<hbm>> -> memref<128x128xf32, #tpu.memory_space<hbm>>
    tpu.wait_dma2 semaphore(%arg15 : memref<!tpu.dma_semaphore, #tpu.memory_space<semaphore_mem>>) src(%arg7 : memref<128x128xf32, #tpu.memory_space<vmem>>) dst(%dma_wait3A_592 : memref<128x128xf32, #tpu.memory_space<hbm>>)
    %dma_start3A_593 = arith.constant 1536 : i32
    %dma_start3A_594 = tpu.memref_slice %arg6[%dma_start3A_593] : memref<2064xi32, #tpu.memory_space<vmem>> -> memref<128xi32, #tpu.memory_space<vmem>>
    %dma_start3A_595 = arith.constant 0 : i32
    %dma_start3A_596 = arith.constant 0 : i32
    %dma_start3A_597 = tpu.memref_slice %arg3[%dma_start3A_595, %dma_start3A_596] : memref<393216x128xf32, #tpu.memory_space<hbm>> -> memref<393216x128xf32, #tpu.memory_space<hbm>>
    tpu.enqueue_indirect_dma source(%dma_start3A_597 : memref<393216x128xf32, #tpu.memory_space<hbm>>) target(%arg7 : memref<128x128xf32, #tpu.memory_space<vmem>>) offsets(%dma_start3A_594 : memref<128xi32, #tpu.memory_space<vmem>>) semaphore(%arg11 : memref<!tpu.dma_semaphore, #tpu.memory_space<semaphore_mem>>)
    %dma_wait3A_598 = arith.constant 1152 : i32
    %dma_wait3A_599 = tpu.memref_slice %arg6[%dma_wait3A_598] : memref<2064xi32, #tpu.memory_space<vmem>> -> memref<128xi32, #tpu.memory_space<vmem>>
    %dma_wait3A_600 = arith.constant 0 : i32
    %dma_wait3A_601 = arith.constant 0 : i32
    %dma_wait3A_602 = tpu.memref_slice %arg3[%dma_wait3A_600, %dma_wait3A_601] : memref<393216x128xf32, #tpu.memory_space<hbm>> -> memref<393216x128xf32, #tpu.memory_space<hbm>>
    tpu.wait_indirect_dma semaphore(%arg12 : memref<!tpu.dma_semaphore, #tpu.memory_space<semaphore_mem>>) src(%dma_wait3A_602 : memref<393216x128xf32, #tpu.memory_space<hbm>>) dst(%arg8 : memref<128x128xf32, #tpu.memory_space<vmem>>)
    %mul3A_603 = arith.constant 2048 : i32
    %mul3A_604 = arith.muli %add3A_368, %mul3A_603 : i32
    %add3A_605 = arith.constant 1152 : i32
    %add3A_606 = arith.addi %mul3A_604, %add3A_605 : i32
    %dma_start3A_607 = arith.constant 0 : i32
    %dma_start3A_608 = tpu.memref_slice %arg4[%add3A_606, %dma_start3A_607] : memref<196608x128xf32, #tpu.memory_space<hbm>> -> memref<128x128xf32, #tpu.memory_space<hbm>>
    %dma_start3A_609 = arith.constant 0 : i32
    %dma_start3A_610 = tpu.memref_slice %arg4[%add3A_606, %dma_start3A_609] : memref<196608x128xf32, #tpu.memory_space<hbm>> -> memref<128x128xf32, #tpu.memory_space<hbm>>
    tpu.enqueue_dma source(%arg8 : memref<128x128xf32, #tpu.memory_space<vmem>>) target(%dma_start3A_610 : memref<128x128xf32, #tpu.memory_space<hbm>>) target_semaphore(%arg16 : memref<!tpu.dma_semaphore, #tpu.memory_space<semaphore_mem>>)
    %dma_wait3A_611 = arith.constant 0 : i32
    %dma_wait3A_612 = tpu.memref_slice %arg4[%add3A_606, %dma_wait3A_611] : memref<196608x128xf32, #tpu.memory_space<hbm>> -> memref<128x128xf32, #tpu.memory_space<hbm>>
    %dma_wait3A_613 = arith.constant 0 : i32
    %dma_wait3A_614 = tpu.memref_slice %arg4[%add3A_606, %dma_wait3A_613] : memref<196608x128xf32, #tpu.memory_space<hbm>> -> memref<128x128xf32, #tpu.memory_space<hbm>>
    tpu.wait_dma2 semaphore(%arg16 : memref<!tpu.dma_semaphore, #tpu.memory_space<semaphore_mem>>) src(%arg8 : memref<128x128xf32, #tpu.memory_space<vmem>>) dst(%dma_wait3A_614 : memref<128x128xf32, #tpu.memory_space<hbm>>)
    %dma_start3A_615 = arith.constant 1664 : i32
    %dma_start3A_616 = tpu.memref_slice %arg6[%dma_start3A_615] : memref<2064xi32, #tpu.memory_space<vmem>> -> memref<128xi32, #tpu.memory_space<vmem>>
    %dma_start3A_617 = arith.constant 0 : i32
    %dma_start3A_618 = arith.constant 0 : i32
    %dma_start3A_619 = tpu.memref_slice %arg3[%dma_start3A_617, %dma_start3A_618] : memref<393216x128xf32, #tpu.memory_space<hbm>> -> memref<393216x128xf32, #tpu.memory_space<hbm>>
    tpu.enqueue_indirect_dma source(%dma_start3A_619 : memref<393216x128xf32, #tpu.memory_space<hbm>>) target(%arg8 : memref<128x128xf32, #tpu.memory_space<vmem>>) offsets(%dma_start3A_616 : memref<128xi32, #tpu.memory_space<vmem>>) semaphore(%arg12 : memref<!tpu.dma_semaphore, #tpu.memory_space<semaphore_mem>>)
    %dma_wait3A_620 = arith.constant 1280 : i32
    %dma_wait3A_621 = tpu.memref_slice %arg6[%dma_wait3A_620] : memref<2064xi32, #tpu.memory_space<vmem>> -> memref<128xi32, #tpu.memory_space<vmem>>
    %dma_wait3A_622 = arith.constant 0 : i32
    %dma_wait3A_623 = arith.constant 0 : i32
    %dma_wait3A_624 = tpu.memref_slice %arg3[%dma_wait3A_622, %dma_wait3A_623] : memref<393216x128xf32, #tpu.memory_space<hbm>> -> memref<393216x128xf32, #tpu.memory_space<hbm>>
    tpu.wait_indirect_dma semaphore(%arg13 : memref<!tpu.dma_semaphore, #tpu.memory_space<semaphore_mem>>) src(%dma_wait3A_624 : memref<393216x128xf32, #tpu.memory_space<hbm>>) dst(%arg9 : memref<128x128xf32, #tpu.memory_space<vmem>>)
    %mul3A_625 = arith.constant 2048 : i32
    %mul3A_626 = arith.muli %add3A_368, %mul3A_625 : i32
    %add3A_627 = arith.constant 1280 : i32
    %add3A_628 = arith.addi %mul3A_626, %add3A_627 : i32
    %dma_start3A_629 = arith.constant 0 : i32
    %dma_start3A_630 = tpu.memref_slice %arg4[%add3A_628, %dma_start3A_629] : memref<196608x128xf32, #tpu.memory_space<hbm>> -> memref<128x128xf32, #tpu.memory_space<hbm>>
    %dma_start3A_631 = arith.constant 0 : i32
    %dma_start3A_632 = tpu.memref_slice %arg4[%add3A_628, %dma_start3A_631] : memref<196608x128xf32, #tpu.memory_space<hbm>> -> memref<128x128xf32, #tpu.memory_space<hbm>>
    tpu.enqueue_dma source(%arg9 : memref<128x128xf32, #tpu.memory_space<vmem>>) target(%dma_start3A_632 : memref<128x128xf32, #tpu.memory_space<hbm>>) target_semaphore(%arg17 : memref<!tpu.dma_semaphore, #tpu.memory_space<semaphore_mem>>)
    %dma_wait3A_633 = arith.constant 0 : i32
    %dma_wait3A_634 = tpu.memref_slice %arg4[%add3A_628, %dma_wait3A_633] : memref<196608x128xf32, #tpu.memory_space<hbm>> -> memref<128x128xf32, #tpu.memory_space<hbm>>
    %dma_wait3A_635 = arith.constant 0 : i32
    %dma_wait3A_636 = tpu.memref_slice %arg4[%add3A_628, %dma_wait3A_635] : memref<196608x128xf32, #tpu.memory_space<hbm>> -> memref<128x128xf32, #tpu.memory_space<hbm>>
    tpu.wait_dma2 semaphore(%arg17 : memref<!tpu.dma_semaphore, #tpu.memory_space<semaphore_mem>>) src(%arg9 : memref<128x128xf32, #tpu.memory_space<vmem>>) dst(%dma_wait3A_636 : memref<128x128xf32, #tpu.memory_space<hbm>>)
    %dma_start3A_637 = arith.constant 1792 : i32
    %dma_start3A_638 = tpu.memref_slice %arg6[%dma_start3A_637] : memref<2064xi32, #tpu.memory_space<vmem>> -> memref<128xi32, #tpu.memory_space<vmem>>
    %dma_start3A_639 = arith.constant 0 : i32
    %dma_start3A_640 = arith.constant 0 : i32
    %dma_start3A_641 = tpu.memref_slice %arg3[%dma_start3A_639, %dma_start3A_640] : memref<393216x128xf32, #tpu.memory_space<hbm>> -> memref<393216x128xf32, #tpu.memory_space<hbm>>
    tpu.enqueue_indirect_dma source(%dma_start3A_641 : memref<393216x128xf32, #tpu.memory_space<hbm>>) target(%arg9 : memref<128x128xf32, #tpu.memory_space<vmem>>) offsets(%dma_start3A_638 : memref<128xi32, #tpu.memory_space<vmem>>) semaphore(%arg13 : memref<!tpu.dma_semaphore, #tpu.memory_space<semaphore_mem>>)
    %dma_wait3A_642 = arith.constant 1408 : i32
    %dma_wait3A_643 = tpu.memref_slice %arg6[%dma_wait3A_642] : memref<2064xi32, #tpu.memory_space<vmem>> -> memref<128xi32, #tpu.memory_space<vmem>>
    %dma_wait3A_644 = arith.constant 0 : i32
    %dma_wait3A_645 = arith.constant 0 : i32
    %dma_wait3A_646 = tpu.memref_slice %arg3[%dma_wait3A_644, %dma_wait3A_645] : memref<393216x128xf32, #tpu.memory_space<hbm>> -> memref<393216x128xf32, #tpu.memory_space<hbm>>
    tpu.wait_indirect_dma semaphore(%arg14 : memref<!tpu.dma_semaphore, #tpu.memory_space<semaphore_mem>>) src(%dma_wait3A_646 : memref<393216x128xf32, #tpu.memory_space<hbm>>) dst(%arg10 : memref<128x128xf32, #tpu.memory_space<vmem>>)
    %mul3A_647 = arith.constant 2048 : i32
    %mul3A_648 = arith.muli %add3A_368, %mul3A_647 : i32
    %add3A_649 = arith.constant 1408 : i32
    %add3A_650 = arith.addi %mul3A_648, %add3A_649 : i32
    %dma_start3A_651 = arith.constant 0 : i32
    %dma_start3A_652 = tpu.memref_slice %arg4[%add3A_650, %dma_start3A_651] : memref<196608x128xf32, #tpu.memory_space<hbm>> -> memref<128x128xf32, #tpu.memory_space<hbm>>
    %dma_start3A_653 = arith.constant 0 : i32
    %dma_start3A_654 = tpu.memref_slice %arg4[%add3A_650, %dma_start3A_653] : memref<196608x128xf32, #tpu.memory_space<hbm>> -> memref<128x128xf32, #tpu.memory_space<hbm>>
    tpu.enqueue_dma source(%arg10 : memref<128x128xf32, #tpu.memory_space<vmem>>) target(%dma_start3A_654 : memref<128x128xf32, #tpu.memory_space<hbm>>) target_semaphore(%arg18 : memref<!tpu.dma_semaphore, #tpu.memory_space<semaphore_mem>>)
    %dma_wait3A_655 = arith.constant 0 : i32
    %dma_wait3A_656 = tpu.memref_slice %arg4[%add3A_650, %dma_wait3A_655] : memref<196608x128xf32, #tpu.memory_space<hbm>> -> memref<128x128xf32, #tpu.memory_space<hbm>>
    %dma_wait3A_657 = arith.constant 0 : i32
    %dma_wait3A_658 = tpu.memref_slice %arg4[%add3A_650, %dma_wait3A_657] : memref<196608x128xf32, #tpu.memory_space<hbm>> -> memref<128x128xf32, #tpu.memory_space<hbm>>
    tpu.wait_dma2 semaphore(%arg18 : memref<!tpu.dma_semaphore, #tpu.memory_space<semaphore_mem>>) src(%arg10 : memref<128x128xf32, #tpu.memory_space<vmem>>) dst(%dma_wait3A_658 : memref<128x128xf32, #tpu.memory_space<hbm>>)
    %dma_start3A_659 = arith.constant 1920 : i32
    %dma_start3A_660 = tpu.memref_slice %arg6[%dma_start3A_659] : memref<2064xi32, #tpu.memory_space<vmem>> -> memref<128xi32, #tpu.memory_space<vmem>>
    %dma_start3A_661 = arith.constant 0 : i32
    %dma_start3A_662 = arith.constant 0 : i32
    %dma_start3A_663 = tpu.memref_slice %arg3[%dma_start3A_661, %dma_start3A_662] : memref<393216x128xf32, #tpu.memory_space<hbm>> -> memref<393216x128xf32, #tpu.memory_space<hbm>>
    tpu.enqueue_indirect_dma source(%dma_start3A_663 : memref<393216x128xf32, #tpu.memory_space<hbm>>) target(%arg10 : memref<128x128xf32, #tpu.memory_space<vmem>>) offsets(%dma_start3A_660 : memref<128xi32, #tpu.memory_space<vmem>>) semaphore(%arg14 : memref<!tpu.dma_semaphore, #tpu.memory_space<semaphore_mem>>)
    %dma_wait3A_664 = arith.constant 1536 : i32
    %dma_wait3A_665 = tpu.memref_slice %arg6[%dma_wait3A_664] : memref<2064xi32, #tpu.memory_space<vmem>> -> memref<128xi32, #tpu.memory_space<vmem>>
    %dma_wait3A_666 = arith.constant 0 : i32
    %dma_wait3A_667 = arith.constant 0 : i32
    %dma_wait3A_668 = tpu.memref_slice %arg3[%dma_wait3A_666, %dma_wait3A_667] : memref<393216x128xf32, #tpu.memory_space<hbm>> -> memref<393216x128xf32, #tpu.memory_space<hbm>>
    tpu.wait_indirect_dma semaphore(%arg11 : memref<!tpu.dma_semaphore, #tpu.memory_space<semaphore_mem>>) src(%dma_wait3A_668 : memref<393216x128xf32, #tpu.memory_space<hbm>>) dst(%arg7 : memref<128x128xf32, #tpu.memory_space<vmem>>)
    %mul3A_669 = arith.constant 2048 : i32
    %mul3A_670 = arith.muli %add3A_368, %mul3A_669 : i32
    %add3A_671 = arith.constant 1536 : i32
    %add3A_672 = arith.addi %mul3A_670, %add3A_671 : i32
    %dma_start3A_673 = arith.constant 0 : i32
    %dma_start3A_674 = tpu.memref_slice %arg4[%add3A_672, %dma_start3A_673] : memref<196608x128xf32, #tpu.memory_space<hbm>> -> memref<128x128xf32, #tpu.memory_space<hbm>>
    %dma_start3A_675 = arith.constant 0 : i32
    %dma_start3A_676 = tpu.memref_slice %arg4[%add3A_672, %dma_start3A_675] : memref<196608x128xf32, #tpu.memory_space<hbm>> -> memref<128x128xf32, #tpu.memory_space<hbm>>
    tpu.enqueue_dma source(%arg7 : memref<128x128xf32, #tpu.memory_space<vmem>>) target(%dma_start3A_676 : memref<128x128xf32, #tpu.memory_space<hbm>>) target_semaphore(%arg15 : memref<!tpu.dma_semaphore, #tpu.memory_space<semaphore_mem>>)
    %dma_wait3A_677 = arith.constant 1664 : i32
    %dma_wait3A_678 = tpu.memref_slice %arg6[%dma_wait3A_677] : memref<2064xi32, #tpu.memory_space<vmem>> -> memref<128xi32, #tpu.memory_space<vmem>>
    %dma_wait3A_679 = arith.constant 0 : i32
    %dma_wait3A_680 = arith.constant 0 : i32
    %dma_wait3A_681 = tpu.memref_slice %arg3[%dma_wait3A_679, %dma_wait3A_680] : memref<393216x128xf32, #tpu.memory_space<hbm>> -> memref<393216x128xf32, #tpu.memory_space<hbm>>
    tpu.wait_indirect_dma semaphore(%arg12 : memref<!tpu.dma_semaphore, #tpu.memory_space<semaphore_mem>>) src(%dma_wait3A_681 : memref<393216x128xf32, #tpu.memory_space<hbm>>) dst(%arg8 : memref<128x128xf32, #tpu.memory_space<vmem>>)
    %mul3A_682 = arith.constant 2048 : i32
    %mul3A_683 = arith.muli %add3A_368, %mul3A_682 : i32
    %add3A_684 = arith.constant 1664 : i32
    %add3A_685 = arith.addi %mul3A_683, %add3A_684 : i32
    %dma_start3A_686 = arith.constant 0 : i32
    %dma_start3A_687 = tpu.memref_slice %arg4[%add3A_685, %dma_start3A_686] : memref<196608x128xf32, #tpu.memory_space<hbm>> -> memref<128x128xf32, #tpu.memory_space<hbm>>
    %dma_start3A_688 = arith.constant 0 : i32
    %dma_start3A_689 = tpu.memref_slice %arg4[%add3A_685, %dma_start3A_688] : memref<196608x128xf32, #tpu.memory_space<hbm>> -> memref<128x128xf32, #tpu.memory_space<hbm>>
    tpu.enqueue_dma source(%arg8 : memref<128x128xf32, #tpu.memory_space<vmem>>) target(%dma_start3A_689 : memref<128x128xf32, #tpu.memory_space<hbm>>) target_semaphore(%arg16 : memref<!tpu.dma_semaphore, #tpu.memory_space<semaphore_mem>>)
    %dma_wait3A_690 = arith.constant 1792 : i32
    %dma_wait3A_691 = tpu.memref_slice %arg6[%dma_wait3A_690] : memref<2064xi32, #tpu.memory_space<vmem>> -> memref<128xi32, #tpu.memory_space<vmem>>
    %dma_wait3A_692 = arith.constant 0 : i32
    %dma_wait3A_693 = arith.constant 0 : i32
    %dma_wait3A_694 = tpu.memref_slice %arg3[%dma_wait3A_692, %dma_wait3A_693] : memref<393216x128xf32, #tpu.memory_space<hbm>> -> memref<393216x128xf32, #tpu.memory_space<hbm>>
    tpu.wait_indirect_dma semaphore(%arg13 : memref<!tpu.dma_semaphore, #tpu.memory_space<semaphore_mem>>) src(%dma_wait3A_694 : memref<393216x128xf32, #tpu.memory_space<hbm>>) dst(%arg9 : memref<128x128xf32, #tpu.memory_space<vmem>>)
    %mul3A_695 = arith.constant 2048 : i32
    %mul3A_696 = arith.muli %add3A_368, %mul3A_695 : i32
    %add3A_697 = arith.constant 1792 : i32
    %add3A_698 = arith.addi %mul3A_696, %add3A_697 : i32
    %dma_start3A_699 = arith.constant 0 : i32
    %dma_start3A_700 = tpu.memref_slice %arg4[%add3A_698, %dma_start3A_699] : memref<196608x128xf32, #tpu.memory_space<hbm>> -> memref<128x128xf32, #tpu.memory_space<hbm>>
    %dma_start3A_701 = arith.constant 0 : i32
    %dma_start3A_702 = tpu.memref_slice %arg4[%add3A_698, %dma_start3A_701] : memref<196608x128xf32, #tpu.memory_space<hbm>> -> memref<128x128xf32, #tpu.memory_space<hbm>>
    tpu.enqueue_dma source(%arg9 : memref<128x128xf32, #tpu.memory_space<vmem>>) target(%dma_start3A_702 : memref<128x128xf32, #tpu.memory_space<hbm>>) target_semaphore(%arg17 : memref<!tpu.dma_semaphore, #tpu.memory_space<semaphore_mem>>)
    %dma_wait3A_703 = arith.constant 1920 : i32
    %dma_wait3A_704 = tpu.memref_slice %arg6[%dma_wait3A_703] : memref<2064xi32, #tpu.memory_space<vmem>> -> memref<128xi32, #tpu.memory_space<vmem>>
    %dma_wait3A_705 = arith.constant 0 : i32
    %dma_wait3A_706 = arith.constant 0 : i32
    %dma_wait3A_707 = tpu.memref_slice %arg3[%dma_wait3A_705, %dma_wait3A_706] : memref<393216x128xf32, #tpu.memory_space<hbm>> -> memref<393216x128xf32, #tpu.memory_space<hbm>>
    tpu.wait_indirect_dma semaphore(%arg14 : memref<!tpu.dma_semaphore, #tpu.memory_space<semaphore_mem>>) src(%dma_wait3A_707 : memref<393216x128xf32, #tpu.memory_space<hbm>>) dst(%arg10 : memref<128x128xf32, #tpu.memory_space<vmem>>)
    %mul3A_708 = arith.constant 2048 : i32
    %mul3A_709 = arith.muli %add3A_368, %mul3A_708 : i32
    %add3A_710 = arith.constant 1920 : i32
    %add3A_711 = arith.addi %mul3A_709, %add3A_710 : i32
    %dma_start3A_712 = arith.constant 0 : i32
    %dma_start3A_713 = tpu.memref_slice %arg4[%add3A_711, %dma_start3A_712] : memref<196608x128xf32, #tpu.memory_space<hbm>> -> memref<128x128xf32, #tpu.memory_space<hbm>>
    %dma_start3A_714 = arith.constant 0 : i32
    %dma_start3A_715 = tpu.memref_slice %arg4[%add3A_711, %dma_start3A_714] : memref<196608x128xf32, #tpu.memory_space<hbm>> -> memref<128x128xf32, #tpu.memory_space<hbm>>
    tpu.enqueue_dma source(%arg10 : memref<128x128xf32, #tpu.memory_space<vmem>>) target(%dma_start3A_715 : memref<128x128xf32, #tpu.memory_space<hbm>>) target_semaphore(%arg18 : memref<!tpu.dma_semaphore, #tpu.memory_space<semaphore_mem>>)
    %dma_wait3A_716 = arith.constant 0 : i32
    %dma_wait3A_717 = tpu.memref_slice %arg4[%add3A_672, %dma_wait3A_716] : memref<196608x128xf32, #tpu.memory_space<hbm>> -> memref<128x128xf32, #tpu.memory_space<hbm>>
    %dma_wait3A_718 = arith.constant 0 : i32
    %dma_wait3A_719 = tpu.memref_slice %arg4[%add3A_672, %dma_wait3A_718] : memref<196608x128xf32, #tpu.memory_space<hbm>> -> memref<128x128xf32, #tpu.memory_space<hbm>>
    tpu.wait_dma2 semaphore(%arg15 : memref<!tpu.dma_semaphore, #tpu.memory_space<semaphore_mem>>) src(%arg7 : memref<128x128xf32, #tpu.memory_space<vmem>>) dst(%dma_wait3A_719 : memref<128x128xf32, #tpu.memory_space<hbm>>)
    %dma_wait3A_720 = arith.constant 0 : i32
    %dma_wait3A_721 = tpu.memref_slice %arg4[%add3A_685, %dma_wait3A_720] : memref<196608x128xf32, #tpu.memory_space<hbm>> -> memref<128x128xf32, #tpu.memory_space<hbm>>
    %dma_wait3A_722 = arith.constant 0 : i32
    %dma_wait3A_723 = tpu.memref_slice %arg4[%add3A_685, %dma_wait3A_722] : memref<196608x128xf32, #tpu.memory_space<hbm>> -> memref<128x128xf32, #tpu.memory_space<hbm>>
    tpu.wait_dma2 semaphore(%arg16 : memref<!tpu.dma_semaphore, #tpu.memory_space<semaphore_mem>>) src(%arg8 : memref<128x128xf32, #tpu.memory_space<vmem>>) dst(%dma_wait3A_723 : memref<128x128xf32, #tpu.memory_space<hbm>>)
    %dma_wait3A_724 = arith.constant 0 : i32
    %dma_wait3A_725 = tpu.memref_slice %arg4[%add3A_698, %dma_wait3A_724] : memref<196608x128xf32, #tpu.memory_space<hbm>> -> memref<128x128xf32, #tpu.memory_space<hbm>>
    %dma_wait3A_726 = arith.constant 0 : i32
    %dma_wait3A_727 = tpu.memref_slice %arg4[%add3A_698, %dma_wait3A_726] : memref<196608x128xf32, #tpu.memory_space<hbm>> -> memref<128x128xf32, #tpu.memory_space<hbm>>
    tpu.wait_dma2 semaphore(%arg17 : memref<!tpu.dma_semaphore, #tpu.memory_space<semaphore_mem>>) src(%arg9 : memref<128x128xf32, #tpu.memory_space<vmem>>) dst(%dma_wait3A_727 : memref<128x128xf32, #tpu.memory_space<hbm>>)
    %dma_wait3A_728 = arith.constant 0 : i32
    %dma_wait3A_729 = tpu.memref_slice %arg4[%add3A_711, %dma_wait3A_728] : memref<196608x128xf32, #tpu.memory_space<hbm>> -> memref<128x128xf32, #tpu.memory_space<hbm>>
    %dma_wait3A_730 = arith.constant 0 : i32
    %dma_wait3A_731 = tpu.memref_slice %arg4[%add3A_711, %dma_wait3A_730] : memref<196608x128xf32, #tpu.memory_space<hbm>> -> memref<128x128xf32, #tpu.memory_space<hbm>>
    tpu.wait_dma2 semaphore(%arg18 : memref<!tpu.dma_semaphore, #tpu.memory_space<semaphore_mem>>) src(%arg10 : memref<128x128xf32, #tpu.memory_space<vmem>>) dst(%dma_wait3A_731 : memref<128x128xf32, #tpu.memory_space<hbm>>)
    %mul3A_732 = arith.constant 3 : i32
    %mul3A_733 = arith.muli %add3A, %mul3A_732 : i32
    %add3A_734 = arith.constant 2 : i32
    %add3A_735 = arith.addi %mul3A_733, %add3A_734 : i32
    %mul3A_736 = arith.constant 4096 : i32
    %mul3A_737 = arith.muli %add3A_735, %mul3A_736 : i32
    "tpu.region"() ({
      %run_scoped3A = tpu.sem_alloc : memref<!tpu.dma_semaphore, #tpu.memory_space<semaphore_mem>>
      %dma_start3A_1099 = tpu.memref_slice %arg2[%mul3A_737] : memref<393216xi32, #tpu.memory_space<hbm>> -> memref<4096xi32, #tpu.memory_space<hbm>>
      %dma_start3A_1100 = tpu.memref_slice %arg2[%mul3A_737] : memref<393216xi32, #tpu.memory_space<hbm>> -> memref<4096xi32, #tpu.memory_space<hbm>>
      tpu.enqueue_dma source(%dma_start3A_1100 : memref<4096xi32, #tpu.memory_space<hbm>>) target(%arg5 : memref<4096xi32, #tpu.memory_space<vmem>>) target_semaphore(%run_scoped3A : memref<!tpu.dma_semaphore, #tpu.memory_space<semaphore_mem>>)
      %dma_wait3A_1101 = tpu.memref_slice %arg2[%mul3A_737] : memref<393216xi32, #tpu.memory_space<hbm>> -> memref<4096xi32, #tpu.memory_space<hbm>>
      %dma_wait3A_1102 = tpu.memref_slice %arg2[%mul3A_737] : memref<393216xi32, #tpu.memory_space<hbm>> -> memref<4096xi32, #tpu.memory_space<hbm>>
      tpu.wait_dma2 semaphore(%run_scoped3A : memref<!tpu.dma_semaphore, #tpu.memory_space<semaphore_mem>>) src(%dma_wait3A_1102 : memref<4096xi32, #tpu.memory_space<hbm>>) dst(%arg5 : memref<4096xi32, #tpu.memory_space<vmem>>)
      tpu.yield
    }) : () -> ()
    %mul3A_738 = arith.constant 4096 : i32
    %mul3A_739 = arith.muli %add3A_735, %mul3A_738 : i32
    %scan3A_740 = arith.constant 0 : i32
    %scan3A_741 = arith.constant 0 : i32
    %scan3A_742 = arith.constant 256 : i32
    %scan3A_743 = arith.addi %scan3A_741, %scan3A_742 : i32
    %scan3A_744 = arith.constant 1 : i32
    %scan3A_745 = scf.for %scan3A_1099 = %scan3A_741 to %scan3A_743 step %scan3A_744 iter_args(%scan3A_1100 = %scan3A_740) -> (i32)  : i32 {
      %mul3A_1101 = arith.constant 16 : i32
      %mul3A_1102 = arith.muli %scan3A_1099, %mul3A_1101 : i32
      %get3A = arith.index_cast %mul3A_1102 : i32 to index
      %get3A_1103 = tpu.vector_load %arg5[%get3A] {strides = array<i32>} : memref<4096xi32, #tpu.memory_space<vmem>>, vector<16xi32>,
      %gt3A = arith.constant 0 : i32
      %gt3A_1104 = vector.broadcast %gt3A : i32 to vector<16xi32>
      %gt3A_1105 = arith.cmpi sgt, %get3A_1103, %gt3A_1104 : vector<16xi32>
      %broadcast_in_dim3A = arith.constant true
      %broadcast_in_dim3A_1106 = vector.broadcast %broadcast_in_dim3A : i1 to vector<16xi1>
      %masked_cumsum3A = tpu.scan <sum>, %get3A_1103 masked %broadcast_in_dim3A_1106 : vector<16xi32>, vector<16xi1> -> vector<16xi32>
      %iota3A = tpu.iota {dimensions = array<i32: 0>} : vector<16xi32>
      %mul3A_1107 = arith.constant 16 : i32
      %mul3A_1108 = arith.muli %scan3A_1099, %mul3A_1107 : i32
      %add3A_1109 = arith.addi %mul3A_739, %mul3A_1108 : i32
      %add3A_1110 = vector.broadcast %add3A_1109 : i32 to vector<16xi32>
      %add3A_1111 = arith.addi %add3A_1110, %iota3A : vector<16xi32>
      %add3A_1112 = vector.broadcast %scan3A_1100 : i32 to vector<16xi32>
      %add3A_1113 = arith.addi %add3A_1112, %masked_cumsum3A : vector<16xi32>
      %sub3A = arith.constant 1 : i32
      %sub3A_1114 = vector.broadcast %sub3A : i32 to vector<16xi32>
      %sub3A_1115 = arith.subi %add3A_1113, %sub3A_1114 : vector<16xi32>
      %add3A_1116 = arith.constant 2048 : i32
      %add3A_1117 = vector.broadcast %add3A_1116 : i32 to vector<16xi32>
      %add3A_1118 = arith.addi %add3A_1117, %iota3A : vector<16xi32>
      %select_n3A = arith.select %gt3A_1105, %sub3A_1115, %add3A_1118 : vector<16xi1>, vector<16xi32>
      tpu.vector_store_idx %arg6[%select_n3A], %add3A_1111 : memref<2064xi32, #tpu.memory_space<vmem>>[vector<16xi32>], vector<16xi32>,
      %reduce_max3A = arith.constant true
      %reduce_max3A_1119 = vector.broadcast %reduce_max3A : i1 to vector<16xi1>
      %reduce_max3A_1120 = arith.constant -2147483648 : i32
      %reduce_max3A_1121 = vector.broadcast %reduce_max3A_1120 : i32 to vector<16xi32>
      %reduce_max3A_1122 = arith.xori %masked_cumsum3A, %reduce_max3A_1121 : vector<16xi32>
      %reduce_max3A_1123 = tpu.scan <max>, %reduce_max3A_1122 masked %reduce_max3A_1119 : vector<16xi32>, vector<16xi1> -> vector<16xi32>
      %reduce_max3A_1124 = arith.xori %reduce_max3A_1123, %reduce_max3A_1121 : vector<16xi32>
      %reduce_max3A_1125 = vector.extract %reduce_max3A_1124[15] : i32 from vector<16xi32>
      %add3A_1126 = arith.addi %scan3A_1100, %reduce_max3A_1125 : i32
      scf.yield %add3A_1126 : i32
    }
    %scan3A_746 = arith.constant 256 : i32
    %dma_start3A_747 = arith.constant 0 : i32
    %dma_start3A_748 = tpu.memref_slice %arg6[%dma_start3A_747] : memref<2064xi32, #tpu.memory_space<vmem>> -> memref<128xi32, #tpu.memory_space<vmem>>
    %dma_start3A_749 = arith.constant 0 : i32
    %dma_start3A_750 = arith.constant 0 : i32
    %dma_start3A_751 = tpu.memref_slice %arg3[%dma_start3A_749, %dma_start3A_750] : memref<393216x128xf32, #tpu.memory_space<hbm>> -> memref<393216x128xf32, #tpu.memory_space<hbm>>
    tpu.enqueue_indirect_dma source(%dma_start3A_751 : memref<393216x128xf32, #tpu.memory_space<hbm>>) target(%arg7 : memref<128x128xf32, #tpu.memory_space<vmem>>) offsets(%dma_start3A_748 : memref<128xi32, #tpu.memory_space<vmem>>) semaphore(%arg11 : memref<!tpu.dma_semaphore, #tpu.memory_space<semaphore_mem>>)
    %dma_start3A_752 = arith.constant 128 : i32
    %dma_start3A_753 = tpu.memref_slice %arg6[%dma_start3A_752] : memref<2064xi32, #tpu.memory_space<vmem>> -> memref<128xi32, #tpu.memory_space<vmem>>
    %dma_start3A_754 = arith.constant 0 : i32
    %dma_start3A_755 = arith.constant 0 : i32
    %dma_start3A_756 = tpu.memref_slice %arg3[%dma_start3A_754, %dma_start3A_755] : memref<393216x128xf32, #tpu.memory_space<hbm>> -> memref<393216x128xf32, #tpu.memory_space<hbm>>
    tpu.enqueue_indirect_dma source(%dma_start3A_756 : memref<393216x128xf32, #tpu.memory_space<hbm>>) target(%arg8 : memref<128x128xf32, #tpu.memory_space<vmem>>) offsets(%dma_start3A_753 : memref<128xi32, #tpu.memory_space<vmem>>) semaphore(%arg12 : memref<!tpu.dma_semaphore, #tpu.memory_space<semaphore_mem>>)
    %dma_start3A_757 = arith.constant 256 : i32
    %dma_start3A_758 = tpu.memref_slice %arg6[%dma_start3A_757] : memref<2064xi32, #tpu.memory_space<vmem>> -> memref<128xi32, #tpu.memory_space<vmem>>
    %dma_start3A_759 = arith.constant 0 : i32
    %dma_start3A_760 = arith.constant 0 : i32
    %dma_start3A_761 = tpu.memref_slice %arg3[%dma_start3A_759, %dma_start3A_760] : memref<393216x128xf32, #tpu.memory_space<hbm>> -> memref<393216x128xf32, #tpu.memory_space<hbm>>
    tpu.enqueue_indirect_dma source(%dma_start3A_761 : memref<393216x128xf32, #tpu.memory_space<hbm>>) target(%arg9 : memref<128x128xf32, #tpu.memory_space<vmem>>) offsets(%dma_start3A_758 : memref<128xi32, #tpu.memory_space<vmem>>) semaphore(%arg13 : memref<!tpu.dma_semaphore, #tpu.memory_space<semaphore_mem>>)
    %dma_start3A_762 = arith.constant 384 : i32
    %dma_start3A_763 = tpu.memref_slice %arg6[%dma_start3A_762] : memref<2064xi32, #tpu.memory_space<vmem>> -> memref<128xi32, #tpu.memory_space<vmem>>
    %dma_start3A_764 = arith.constant 0 : i32
    %dma_start3A_765 = arith.constant 0 : i32
    %dma_start3A_766 = tpu.memref_slice %arg3[%dma_start3A_764, %dma_start3A_765] : memref<393216x128xf32, #tpu.memory_space<hbm>> -> memref<393216x128xf32, #tpu.memory_space<hbm>>
    tpu.enqueue_indirect_dma source(%dma_start3A_766 : memref<393216x128xf32, #tpu.memory_space<hbm>>) target(%arg10 : memref<128x128xf32, #tpu.memory_space<vmem>>) offsets(%dma_start3A_763 : memref<128xi32, #tpu.memory_space<vmem>>) semaphore(%arg14 : memref<!tpu.dma_semaphore, #tpu.memory_space<semaphore_mem>>)
    %dma_wait3A_767 = arith.constant 0 : i32
    %dma_wait3A_768 = tpu.memref_slice %arg6[%dma_wait3A_767] : memref<2064xi32, #tpu.memory_space<vmem>> -> memref<128xi32, #tpu.memory_space<vmem>>
    %dma_wait3A_769 = arith.constant 0 : i32
    %dma_wait3A_770 = arith.constant 0 : i32
    %dma_wait3A_771 = tpu.memref_slice %arg3[%dma_wait3A_769, %dma_wait3A_770] : memref<393216x128xf32, #tpu.memory_space<hbm>> -> memref<393216x128xf32, #tpu.memory_space<hbm>>
    tpu.wait_indirect_dma semaphore(%arg11 : memref<!tpu.dma_semaphore, #tpu.memory_space<semaphore_mem>>) src(%dma_wait3A_771 : memref<393216x128xf32, #tpu.memory_space<hbm>>) dst(%arg7 : memref<128x128xf32, #tpu.memory_space<vmem>>)
    %mul3A_772 = arith.constant 2048 : i32
    %mul3A_773 = arith.muli %add3A_735, %mul3A_772 : i32
    %add3A_774 = arith.constant 0 : i32
    %add3A_775 = arith.addi %mul3A_773, %add3A_774 : i32
    %dma_start3A_776 = arith.constant 0 : i32
    %dma_start3A_777 = tpu.memref_slice %arg4[%add3A_775, %dma_start3A_776] : memref<196608x128xf32, #tpu.memory_space<hbm>> -> memref<128x128xf32, #tpu.memory_space<hbm>>
    %dma_start3A_778 = arith.constant 0 : i32
    %dma_start3A_779 = tpu.memref_slice %arg4[%add3A_775, %dma_start3A_778] : memref<196608x128xf32, #tpu.memory_space<hbm>> -> memref<128x128xf32, #tpu.memory_space<hbm>>
    tpu.enqueue_dma source(%arg7 : memref<128x128xf32, #tpu.memory_space<vmem>>) target(%dma_start3A_779 : memref<128x128xf32, #tpu.memory_space<hbm>>) target_semaphore(%arg15 : memref<!tpu.dma_semaphore, #tpu.memory_space<semaphore_mem>>)
    %dma_wait3A_780 = arith.constant 0 : i32
    %dma_wait3A_781 = tpu.memref_slice %arg4[%add3A_775, %dma_wait3A_780] : memref<196608x128xf32, #tpu.memory_space<hbm>> -> memref<128x128xf32, #tpu.memory_space<hbm>>
    %dma_wait3A_782 = arith.constant 0 : i32
    %dma_wait3A_783 = tpu.memref_slice %arg4[%add3A_775, %dma_wait3A_782] : memref<196608x128xf32, #tpu.memory_space<hbm>> -> memref<128x128xf32, #tpu.memory_space<hbm>>
    tpu.wait_dma2 semaphore(%arg15 : memref<!tpu.dma_semaphore, #tpu.memory_space<semaphore_mem>>) src(%arg7 : memref<128x128xf32, #tpu.memory_space<vmem>>) dst(%dma_wait3A_783 : memref<128x128xf32, #tpu.memory_space<hbm>>)
    %dma_start3A_784 = arith.constant 512 : i32
    %dma_start3A_785 = tpu.memref_slice %arg6[%dma_start3A_784] : memref<2064xi32, #tpu.memory_space<vmem>> -> memref<128xi32, #tpu.memory_space<vmem>>
    %dma_start3A_786 = arith.constant 0 : i32
    %dma_start3A_787 = arith.constant 0 : i32
    %dma_start3A_788 = tpu.memref_slice %arg3[%dma_start3A_786, %dma_start3A_787] : memref<393216x128xf32, #tpu.memory_space<hbm>> -> memref<393216x128xf32, #tpu.memory_space<hbm>>
    tpu.enqueue_indirect_dma source(%dma_start3A_788 : memref<393216x128xf32, #tpu.memory_space<hbm>>) target(%arg7 : memref<128x128xf32, #tpu.memory_space<vmem>>) offsets(%dma_start3A_785 : memref<128xi32, #tpu.memory_space<vmem>>) semaphore(%arg11 : memref<!tpu.dma_semaphore, #tpu.memory_space<semaphore_mem>>)
    %dma_wait3A_789 = arith.constant 128 : i32
    %dma_wait3A_790 = tpu.memref_slice %arg6[%dma_wait3A_789] : memref<2064xi32, #tpu.memory_space<vmem>> -> memref<128xi32, #tpu.memory_space<vmem>>
    %dma_wait3A_791 = arith.constant 0 : i32
    %dma_wait3A_792 = arith.constant 0 : i32
    %dma_wait3A_793 = tpu.memref_slice %arg3[%dma_wait3A_791, %dma_wait3A_792] : memref<393216x128xf32, #tpu.memory_space<hbm>> -> memref<393216x128xf32, #tpu.memory_space<hbm>>
    tpu.wait_indirect_dma semaphore(%arg12 : memref<!tpu.dma_semaphore, #tpu.memory_space<semaphore_mem>>) src(%dma_wait3A_793 : memref<393216x128xf32, #tpu.memory_space<hbm>>) dst(%arg8 : memref<128x128xf32, #tpu.memory_space<vmem>>)
    %mul3A_794 = arith.constant 2048 : i32
    %mul3A_795 = arith.muli %add3A_735, %mul3A_794 : i32
    %add3A_796 = arith.constant 128 : i32
    %add3A_797 = arith.addi %mul3A_795, %add3A_796 : i32
    %dma_start3A_798 = arith.constant 0 : i32
    %dma_start3A_799 = tpu.memref_slice %arg4[%add3A_797, %dma_start3A_798] : memref<196608x128xf32, #tpu.memory_space<hbm>> -> memref<128x128xf32, #tpu.memory_space<hbm>>
    %dma_start3A_800 = arith.constant 0 : i32
    %dma_start3A_801 = tpu.memref_slice %arg4[%add3A_797, %dma_start3A_800] : memref<196608x128xf32, #tpu.memory_space<hbm>> -> memref<128x128xf32, #tpu.memory_space<hbm>>
    tpu.enqueue_dma source(%arg8 : memref<128x128xf32, #tpu.memory_space<vmem>>) target(%dma_start3A_801 : memref<128x128xf32, #tpu.memory_space<hbm>>) target_semaphore(%arg16 : memref<!tpu.dma_semaphore, #tpu.memory_space<semaphore_mem>>)
    %dma_wait3A_802 = arith.constant 0 : i32
    %dma_wait3A_803 = tpu.memref_slice %arg4[%add3A_797, %dma_wait3A_802] : memref<196608x128xf32, #tpu.memory_space<hbm>> -> memref<128x128xf32, #tpu.memory_space<hbm>>
    %dma_wait3A_804 = arith.constant 0 : i32
    %dma_wait3A_805 = tpu.memref_slice %arg4[%add3A_797, %dma_wait3A_804] : memref<196608x128xf32, #tpu.memory_space<hbm>> -> memref<128x128xf32, #tpu.memory_space<hbm>>
    tpu.wait_dma2 semaphore(%arg16 : memref<!tpu.dma_semaphore, #tpu.memory_space<semaphore_mem>>) src(%arg8 : memref<128x128xf32, #tpu.memory_space<vmem>>) dst(%dma_wait3A_805 : memref<128x128xf32, #tpu.memory_space<hbm>>)
    %dma_start3A_806 = arith.constant 640 : i32
    %dma_start3A_807 = tpu.memref_slice %arg6[%dma_start3A_806] : memref<2064xi32, #tpu.memory_space<vmem>> -> memref<128xi32, #tpu.memory_space<vmem>>
    %dma_start3A_808 = arith.constant 0 : i32
    %dma_start3A_809 = arith.constant 0 : i32
    %dma_start3A_810 = tpu.memref_slice %arg3[%dma_start3A_808, %dma_start3A_809] : memref<393216x128xf32, #tpu.memory_space<hbm>> -> memref<393216x128xf32, #tpu.memory_space<hbm>>
    tpu.enqueue_indirect_dma source(%dma_start3A_810 : memref<393216x128xf32, #tpu.memory_space<hbm>>) target(%arg8 : memref<128x128xf32, #tpu.memory_space<vmem>>) offsets(%dma_start3A_807 : memref<128xi32, #tpu.memory_space<vmem>>) semaphore(%arg12 : memref<!tpu.dma_semaphore, #tpu.memory_space<semaphore_mem>>)
    %dma_wait3A_811 = arith.constant 256 : i32
    %dma_wait3A_812 = tpu.memref_slice %arg6[%dma_wait3A_811] : memref<2064xi32, #tpu.memory_space<vmem>> -> memref<128xi32, #tpu.memory_space<vmem>>
    %dma_wait3A_813 = arith.constant 0 : i32
    %dma_wait3A_814 = arith.constant 0 : i32
    %dma_wait3A_815 = tpu.memref_slice %arg3[%dma_wait3A_813, %dma_wait3A_814] : memref<393216x128xf32, #tpu.memory_space<hbm>> -> memref<393216x128xf32, #tpu.memory_space<hbm>>
    tpu.wait_indirect_dma semaphore(%arg13 : memref<!tpu.dma_semaphore, #tpu.memory_space<semaphore_mem>>) src(%dma_wait3A_815 : memref<393216x128xf32, #tpu.memory_space<hbm>>) dst(%arg9 : memref<128x128xf32, #tpu.memory_space<vmem>>)
    %mul3A_816 = arith.constant 2048 : i32
    %mul3A_817 = arith.muli %add3A_735, %mul3A_816 : i32
    %add3A_818 = arith.constant 256 : i32
    %add3A_819 = arith.addi %mul3A_817, %add3A_818 : i32
    %dma_start3A_820 = arith.constant 0 : i32
    %dma_start3A_821 = tpu.memref_slice %arg4[%add3A_819, %dma_start3A_820] : memref<196608x128xf32, #tpu.memory_space<hbm>> -> memref<128x128xf32, #tpu.memory_space<hbm>>
    %dma_start3A_822 = arith.constant 0 : i32
    %dma_start3A_823 = tpu.memref_slice %arg4[%add3A_819, %dma_start3A_822] : memref<196608x128xf32, #tpu.memory_space<hbm>> -> memref<128x128xf32, #tpu.memory_space<hbm>>
    tpu.enqueue_dma source(%arg9 : memref<128x128xf32, #tpu.memory_space<vmem>>) target(%dma_start3A_823 : memref<128x128xf32, #tpu.memory_space<hbm>>) target_semaphore(%arg17 : memref<!tpu.dma_semaphore, #tpu.memory_space<semaphore_mem>>)
    %dma_wait3A_824 = arith.constant 0 : i32
    %dma_wait3A_825 = tpu.memref_slice %arg4[%add3A_819, %dma_wait3A_824] : memref<196608x128xf32, #tpu.memory_space<hbm>> -> memref<128x128xf32, #tpu.memory_space<hbm>>
    %dma_wait3A_826 = arith.constant 0 : i32
    %dma_wait3A_827 = tpu.memref_slice %arg4[%add3A_819, %dma_wait3A_826] : memref<196608x128xf32, #tpu.memory_space<hbm>> -> memref<128x128xf32, #tpu.memory_space<hbm>>
    tpu.wait_dma2 semaphore(%arg17 : memref<!tpu.dma_semaphore, #tpu.memory_space<semaphore_mem>>) src(%arg9 : memref<128x128xf32, #tpu.memory_space<vmem>>) dst(%dma_wait3A_827 : memref<128x128xf32, #tpu.memory_space<hbm>>)
    %dma_start3A_828 = arith.constant 768 : i32
    %dma_start3A_829 = tpu.memref_slice %arg6[%dma_start3A_828] : memref<2064xi32, #tpu.memory_space<vmem>> -> memref<128xi32, #tpu.memory_space<vmem>>
    %dma_start3A_830 = arith.constant 0 : i32
    %dma_start3A_831 = arith.constant 0 : i32
    %dma_start3A_832 = tpu.memref_slice %arg3[%dma_start3A_830, %dma_start3A_831] : memref<393216x128xf32, #tpu.memory_space<hbm>> -> memref<393216x128xf32, #tpu.memory_space<hbm>>
    tpu.enqueue_indirect_dma source(%dma_start3A_832 : memref<393216x128xf32, #tpu.memory_space<hbm>>) target(%arg9 : memref<128x128xf32, #tpu.memory_space<vmem>>) offsets(%dma_start3A_829 : memref<128xi32, #tpu.memory_space<vmem>>) semaphore(%arg13 : memref<!tpu.dma_semaphore, #tpu.memory_space<semaphore_mem>>)
    %dma_wait3A_833 = arith.constant 384 : i32
    %dma_wait3A_834 = tpu.memref_slice %arg6[%dma_wait3A_833] : memref<2064xi32, #tpu.memory_space<vmem>> -> memref<128xi32, #tpu.memory_space<vmem>>
    %dma_wait3A_835 = arith.constant 0 : i32
    %dma_wait3A_836 = arith.constant 0 : i32
    %dma_wait3A_837 = tpu.memref_slice %arg3[%dma_wait3A_835, %dma_wait3A_836] : memref<393216x128xf32, #tpu.memory_space<hbm>> -> memref<393216x128xf32, #tpu.memory_space<hbm>>
    tpu.wait_indirect_dma semaphore(%arg14 : memref<!tpu.dma_semaphore, #tpu.memory_space<semaphore_mem>>) src(%dma_wait3A_837 : memref<393216x128xf32, #tpu.memory_space<hbm>>) dst(%arg10 : memref<128x128xf32, #tpu.memory_space<vmem>>)
    %mul3A_838 = arith.constant 2048 : i32
    %mul3A_839 = arith.muli %add3A_735, %mul3A_838 : i32
    %add3A_840 = arith.constant 384 : i32
    %add3A_841 = arith.addi %mul3A_839, %add3A_840 : i32
    %dma_start3A_842 = arith.constant 0 : i32
    %dma_start3A_843 = tpu.memref_slice %arg4[%add3A_841, %dma_start3A_842] : memref<196608x128xf32, #tpu.memory_space<hbm>> -> memref<128x128xf32, #tpu.memory_space<hbm>>
    %dma_start3A_844 = arith.constant 0 : i32
    %dma_start3A_845 = tpu.memref_slice %arg4[%add3A_841, %dma_start3A_844] : memref<196608x128xf32, #tpu.memory_space<hbm>> -> memref<128x128xf32, #tpu.memory_space<hbm>>
    tpu.enqueue_dma source(%arg10 : memref<128x128xf32, #tpu.memory_space<vmem>>) target(%dma_start3A_845 : memref<128x128xf32, #tpu.memory_space<hbm>>) target_semaphore(%arg18 : memref<!tpu.dma_semaphore, #tpu.memory_space<semaphore_mem>>)
    %dma_wait3A_846 = arith.constant 0 : i32
    %dma_wait3A_847 = tpu.memref_slice %arg4[%add3A_841, %dma_wait3A_846] : memref<196608x128xf32, #tpu.memory_space<hbm>> -> memref<128x128xf32, #tpu.memory_space<hbm>>
    %dma_wait3A_848 = arith.constant 0 : i32
    %dma_wait3A_849 = tpu.memref_slice %arg4[%add3A_841, %dma_wait3A_848] : memref<196608x128xf32, #tpu.memory_space<hbm>> -> memref<128x128xf32, #tpu.memory_space<hbm>>
    tpu.wait_dma2 semaphore(%arg18 : memref<!tpu.dma_semaphore, #tpu.memory_space<semaphore_mem>>) src(%arg10 : memref<128x128xf32, #tpu.memory_space<vmem>>) dst(%dma_wait3A_849 : memref<128x128xf32, #tpu.memory_space<hbm>>)
    %dma_start3A_850 = arith.constant 896 : i32
    %dma_start3A_851 = tpu.memref_slice %arg6[%dma_start3A_850] : memref<2064xi32, #tpu.memory_space<vmem>> -> memref<128xi32, #tpu.memory_space<vmem>>
    %dma_start3A_852 = arith.constant 0 : i32
    %dma_start3A_853 = arith.constant 0 : i32
    %dma_start3A_854 = tpu.memref_slice %arg3[%dma_start3A_852, %dma_start3A_853] : memref<393216x128xf32, #tpu.memory_space<hbm>> -> memref<393216x128xf32, #tpu.memory_space<hbm>>
    tpu.enqueue_indirect_dma source(%dma_start3A_854 : memref<393216x128xf32, #tpu.memory_space<hbm>>) target(%arg10 : memref<128x128xf32, #tpu.memory_space<vmem>>) offsets(%dma_start3A_851 : memref<128xi32, #tpu.memory_space<vmem>>) semaphore(%arg14 : memref<!tpu.dma_semaphore, #tpu.memory_space<semaphore_mem>>)
    %dma_wait3A_855 = arith.constant 512 : i32
    %dma_wait3A_856 = tpu.memref_slice %arg6[%dma_wait3A_855] : memref<2064xi32, #tpu.memory_space<vmem>> -> memref<128xi32, #tpu.memory_space<vmem>>
    %dma_wait3A_857 = arith.constant 0 : i32
    %dma_wait3A_858 = arith.constant 0 : i32
    %dma_wait3A_859 = tpu.memref_slice %arg3[%dma_wait3A_857, %dma_wait3A_858] : memref<393216x128xf32, #tpu.memory_space<hbm>> -> memref<393216x128xf32, #tpu.memory_space<hbm>>
    tpu.wait_indirect_dma semaphore(%arg11 : memref<!tpu.dma_semaphore, #tpu.memory_space<semaphore_mem>>) src(%dma_wait3A_859 : memref<393216x128xf32, #tpu.memory_space<hbm>>) dst(%arg7 : memref<128x128xf32, #tpu.memory_space<vmem>>)
    %mul3A_860 = arith.constant 2048 : i32
    %mul3A_861 = arith.muli %add3A_735, %mul3A_860 : i32
    %add3A_862 = arith.constant 512 : i32
    %add3A_863 = arith.addi %mul3A_861, %add3A_862 : i32
    %dma_start3A_864 = arith.constant 0 : i32
    %dma_start3A_865 = tpu.memref_slice %arg4[%add3A_863, %dma_start3A_864] : memref<196608x128xf32, #tpu.memory_space<hbm>> -> memref<128x128xf32, #tpu.memory_space<hbm>>
    %dma_start3A_866 = arith.constant 0 : i32
    %dma_start3A_867 = tpu.memref_slice %arg4[%add3A_863, %dma_start3A_866] : memref<196608x128xf32, #tpu.memory_space<hbm>> -> memref<128x128xf32, #tpu.memory_space<hbm>>
    tpu.enqueue_dma source(%arg7 : memref<128x128xf32, #tpu.memory_space<vmem>>) target(%dma_start3A_867 : memref<128x128xf32, #tpu.memory_space<hbm>>) target_semaphore(%arg15 : memref<!tpu.dma_semaphore, #tpu.memory_space<semaphore_mem>>)
    %dma_wait3A_868 = arith.constant 0 : i32
    %dma_wait3A_869 = tpu.memref_slice %arg4[%add3A_863, %dma_wait3A_868] : memref<196608x128xf32, #tpu.memory_space<hbm>> -> memref<128x128xf32, #tpu.memory_space<hbm>>
    %dma_wait3A_870 = arith.constant 0 : i32
    %dma_wait3A_871 = tpu.memref_slice %arg4[%add3A_863, %dma_wait3A_870] : memref<196608x128xf32, #tpu.memory_space<hbm>> -> memref<128x128xf32, #tpu.memory_space<hbm>>
    tpu.wait_dma2 semaphore(%arg15 : memref<!tpu.dma_semaphore, #tpu.memory_space<semaphore_mem>>) src(%arg7 : memref<128x128xf32, #tpu.memory_space<vmem>>) dst(%dma_wait3A_871 : memref<128x128xf32, #tpu.memory_space<hbm>>)
    %dma_start3A_872 = arith.constant 1024 : i32
    %dma_start3A_873 = tpu.memref_slice %arg6[%dma_start3A_872] : memref<2064xi32, #tpu.memory_space<vmem>> -> memref<128xi32, #tpu.memory_space<vmem>>
    %dma_start3A_874 = arith.constant 0 : i32
    %dma_start3A_875 = arith.constant 0 : i32
    %dma_start3A_876 = tpu.memref_slice %arg3[%dma_start3A_874, %dma_start3A_875] : memref<393216x128xf32, #tpu.memory_space<hbm>> -> memref<393216x128xf32, #tpu.memory_space<hbm>>
    tpu.enqueue_indirect_dma source(%dma_start3A_876 : memref<393216x128xf32, #tpu.memory_space<hbm>>) target(%arg7 : memref<128x128xf32, #tpu.memory_space<vmem>>) offsets(%dma_start3A_873 : memref<128xi32, #tpu.memory_space<vmem>>) semaphore(%arg11 : memref<!tpu.dma_semaphore, #tpu.memory_space<semaphore_mem>>)
    %dma_wait3A_877 = arith.constant 640 : i32
    %dma_wait3A_878 = tpu.memref_slice %arg6[%dma_wait3A_877] : memref<2064xi32, #tpu.memory_space<vmem>> -> memref<128xi32, #tpu.memory_space<vmem>>
    %dma_wait3A_879 = arith.constant 0 : i32
    %dma_wait3A_880 = arith.constant 0 : i32
    %dma_wait3A_881 = tpu.memref_slice %arg3[%dma_wait3A_879, %dma_wait3A_880] : memref<393216x128xf32, #tpu.memory_space<hbm>> -> memref<393216x128xf32, #tpu.memory_space<hbm>>
    tpu.wait_indirect_dma semaphore(%arg12 : memref<!tpu.dma_semaphore, #tpu.memory_space<semaphore_mem>>) src(%dma_wait3A_881 : memref<393216x128xf32, #tpu.memory_space<hbm>>) dst(%arg8 : memref<128x128xf32, #tpu.memory_space<vmem>>)
    %mul3A_882 = arith.constant 2048 : i32
    %mul3A_883 = arith.muli %add3A_735, %mul3A_882 : i32
    %add3A_884 = arith.constant 640 : i32
    %add3A_885 = arith.addi %mul3A_883, %add3A_884 : i32
    %dma_start3A_886 = arith.constant 0 : i32
    %dma_start3A_887 = tpu.memref_slice %arg4[%add3A_885, %dma_start3A_886] : memref<196608x128xf32, #tpu.memory_space<hbm>> -> memref<128x128xf32, #tpu.memory_space<hbm>>
    %dma_start3A_888 = arith.constant 0 : i32
    %dma_start3A_889 = tpu.memref_slice %arg4[%add3A_885, %dma_start3A_888] : memref<196608x128xf32, #tpu.memory_space<hbm>> -> memref<128x128xf32, #tpu.memory_space<hbm>>
    tpu.enqueue_dma source(%arg8 : memref<128x128xf32, #tpu.memory_space<vmem>>) target(%dma_start3A_889 : memref<128x128xf32, #tpu.memory_space<hbm>>) target_semaphore(%arg16 : memref<!tpu.dma_semaphore, #tpu.memory_space<semaphore_mem>>)
    %dma_wait3A_890 = arith.constant 0 : i32
    %dma_wait3A_891 = tpu.memref_slice %arg4[%add3A_885, %dma_wait3A_890] : memref<196608x128xf32, #tpu.memory_space<hbm>> -> memref<128x128xf32, #tpu.memory_space<hbm>>
    %dma_wait3A_892 = arith.constant 0 : i32
    %dma_wait3A_893 = tpu.memref_slice %arg4[%add3A_885, %dma_wait3A_892] : memref<196608x128xf32, #tpu.memory_space<hbm>> -> memref<128x128xf32, #tpu.memory_space<hbm>>
    tpu.wait_dma2 semaphore(%arg16 : memref<!tpu.dma_semaphore, #tpu.memory_space<semaphore_mem>>) src(%arg8 : memref<128x128xf32, #tpu.memory_space<vmem>>) dst(%dma_wait3A_893 : memref<128x128xf32, #tpu.memory_space<hbm>>)
    %dma_start3A_894 = arith.constant 1152 : i32
    %dma_start3A_895 = tpu.memref_slice %arg6[%dma_start3A_894] : memref<2064xi32, #tpu.memory_space<vmem>> -> memref<128xi32, #tpu.memory_space<vmem>>
    %dma_start3A_896 = arith.constant 0 : i32
    %dma_start3A_897 = arith.constant 0 : i32
    %dma_start3A_898 = tpu.memref_slice %arg3[%dma_start3A_896, %dma_start3A_897] : memref<393216x128xf32, #tpu.memory_space<hbm>> -> memref<393216x128xf32, #tpu.memory_space<hbm>>
    tpu.enqueue_indirect_dma source(%dma_start3A_898 : memref<393216x128xf32, #tpu.memory_space<hbm>>) target(%arg8 : memref<128x128xf32, #tpu.memory_space<vmem>>) offsets(%dma_start3A_895 : memref<128xi32, #tpu.memory_space<vmem>>) semaphore(%arg12 : memref<!tpu.dma_semaphore, #tpu.memory_space<semaphore_mem>>)
    %dma_wait3A_899 = arith.constant 768 : i32
    %dma_wait3A_900 = tpu.memref_slice %arg6[%dma_wait3A_899] : memref<2064xi32, #tpu.memory_space<vmem>> -> memref<128xi32, #tpu.memory_space<vmem>>
    %dma_wait3A_901 = arith.constant 0 : i32
    %dma_wait3A_902 = arith.constant 0 : i32
    %dma_wait3A_903 = tpu.memref_slice %arg3[%dma_wait3A_901, %dma_wait3A_902] : memref<393216x128xf32, #tpu.memory_space<hbm>> -> memref<393216x128xf32, #tpu.memory_space<hbm>>
    tpu.wait_indirect_dma semaphore(%arg13 : memref<!tpu.dma_semaphore, #tpu.memory_space<semaphore_mem>>) src(%dma_wait3A_903 : memref<393216x128xf32, #tpu.memory_space<hbm>>) dst(%arg9 : memref<128x128xf32, #tpu.memory_space<vmem>>)
    %mul3A_904 = arith.constant 2048 : i32
    %mul3A_905 = arith.muli %add3A_735, %mul3A_904 : i32
    %add3A_906 = arith.constant 768 : i32
    %add3A_907 = arith.addi %mul3A_905, %add3A_906 : i32
    %dma_start3A_908 = arith.constant 0 : i32
    %dma_start3A_909 = tpu.memref_slice %arg4[%add3A_907, %dma_start3A_908] : memref<196608x128xf32, #tpu.memory_space<hbm>> -> memref<128x128xf32, #tpu.memory_space<hbm>>
    %dma_start3A_910 = arith.constant 0 : i32
    %dma_start3A_911 = tpu.memref_slice %arg4[%add3A_907, %dma_start3A_910] : memref<196608x128xf32, #tpu.memory_space<hbm>> -> memref<128x128xf32, #tpu.memory_space<hbm>>
    tpu.enqueue_dma source(%arg9 : memref<128x128xf32, #tpu.memory_space<vmem>>) target(%dma_start3A_911 : memref<128x128xf32, #tpu.memory_space<hbm>>) target_semaphore(%arg17 : memref<!tpu.dma_semaphore, #tpu.memory_space<semaphore_mem>>)
    %dma_wait3A_912 = arith.constant 0 : i32
    %dma_wait3A_913 = tpu.memref_slice %arg4[%add3A_907, %dma_wait3A_912] : memref<196608x128xf32, #tpu.memory_space<hbm>> -> memref<128x128xf32, #tpu.memory_space<hbm>>
    %dma_wait3A_914 = arith.constant 0 : i32
    %dma_wait3A_915 = tpu.memref_slice %arg4[%add3A_907, %dma_wait3A_914] : memref<196608x128xf32, #tpu.memory_space<hbm>> -> memref<128x128xf32, #tpu.memory_space<hbm>>
    tpu.wait_dma2 semaphore(%arg17 : memref<!tpu.dma_semaphore, #tpu.memory_space<semaphore_mem>>) src(%arg9 : memref<128x128xf32, #tpu.memory_space<vmem>>) dst(%dma_wait3A_915 : memref<128x128xf32, #tpu.memory_space<hbm>>)
    %dma_start3A_916 = arith.constant 1280 : i32
    %dma_start3A_917 = tpu.memref_slice %arg6[%dma_start3A_916] : memref<2064xi32, #tpu.memory_space<vmem>> -> memref<128xi32, #tpu.memory_space<vmem>>
    %dma_start3A_918 = arith.constant 0 : i32
    %dma_start3A_919 = arith.constant 0 : i32
    %dma_start3A_920 = tpu.memref_slice %arg3[%dma_start3A_918, %dma_start3A_919] : memref<393216x128xf32, #tpu.memory_space<hbm>> -> memref<393216x128xf32, #tpu.memory_space<hbm>>
    tpu.enqueue_indirect_dma source(%dma_start3A_920 : memref<393216x128xf32, #tpu.memory_space<hbm>>) target(%arg9 : memref<128x128xf32, #tpu.memory_space<vmem>>) offsets(%dma_start3A_917 : memref<128xi32, #tpu.memory_space<vmem>>) semaphore(%arg13 : memref<!tpu.dma_semaphore, #tpu.memory_space<semaphore_mem>>)
    %dma_wait3A_921 = arith.constant 896 : i32
    %dma_wait3A_922 = tpu.memref_slice %arg6[%dma_wait3A_921] : memref<2064xi32, #tpu.memory_space<vmem>> -> memref<128xi32, #tpu.memory_space<vmem>>
    %dma_wait3A_923 = arith.constant 0 : i32
    %dma_wait3A_924 = arith.constant 0 : i32
    %dma_wait3A_925 = tpu.memref_slice %arg3[%dma_wait3A_923, %dma_wait3A_924] : memref<393216x128xf32, #tpu.memory_space<hbm>> -> memref<393216x128xf32, #tpu.memory_space<hbm>>
    tpu.wait_indirect_dma semaphore(%arg14 : memref<!tpu.dma_semaphore, #tpu.memory_space<semaphore_mem>>) src(%dma_wait3A_925 : memref<393216x128xf32, #tpu.memory_space<hbm>>) dst(%arg10 : memref<128x128xf32, #tpu.memory_space<vmem>>)
    %mul3A_926 = arith.constant 2048 : i32
    %mul3A_927 = arith.muli %add3A_735, %mul3A_926 : i32
    %add3A_928 = arith.constant 896 : i32
    %add3A_929 = arith.addi %mul3A_927, %add3A_928 : i32
    %dma_start3A_930 = arith.constant 0 : i32
    %dma_start3A_931 = tpu.memref_slice %arg4[%add3A_929, %dma_start3A_930] : memref<196608x128xf32, #tpu.memory_space<hbm>> -> memref<128x128xf32, #tpu.memory_space<hbm>>
    %dma_start3A_932 = arith.constant 0 : i32
    %dma_start3A_933 = tpu.memref_slice %arg4[%add3A_929, %dma_start3A_932] : memref<196608x128xf32, #tpu.memory_space<hbm>> -> memref<128x128xf32, #tpu.memory_space<hbm>>
    tpu.enqueue_dma source(%arg10 : memref<128x128xf32, #tpu.memory_space<vmem>>) target(%dma_start3A_933 : memref<128x128xf32, #tpu.memory_space<hbm>>) target_semaphore(%arg18 : memref<!tpu.dma_semaphore, #tpu.memory_space<semaphore_mem>>)
    %dma_wait3A_934 = arith.constant 0 : i32
    %dma_wait3A_935 = tpu.memref_slice %arg4[%add3A_929, %dma_wait3A_934] : memref<196608x128xf32, #tpu.memory_space<hbm>> -> memref<128x128xf32, #tpu.memory_space<hbm>>
    %dma_wait3A_936 = arith.constant 0 : i32
    %dma_wait3A_937 = tpu.memref_slice %arg4[%add3A_929, %dma_wait3A_936] : memref<196608x128xf32, #tpu.memory_space<hbm>> -> memref<128x128xf32, #tpu.memory_space<hbm>>
    tpu.wait_dma2 semaphore(%arg18 : memref<!tpu.dma_semaphore, #tpu.memory_space<semaphore_mem>>) src(%arg10 : memref<128x128xf32, #tpu.memory_space<vmem>>) dst(%dma_wait3A_937 : memref<128x128xf32, #tpu.memory_space<hbm>>)
    %dma_start3A_938 = arith.constant 1408 : i32
    %dma_start3A_939 = tpu.memref_slice %arg6[%dma_start3A_938] : memref<2064xi32, #tpu.memory_space<vmem>> -> memref<128xi32, #tpu.memory_space<vmem>>
    %dma_start3A_940 = arith.constant 0 : i32
    %dma_start3A_941 = arith.constant 0 : i32
    %dma_start3A_942 = tpu.memref_slice %arg3[%dma_start3A_940, %dma_start3A_941] : memref<393216x128xf32, #tpu.memory_space<hbm>> -> memref<393216x128xf32, #tpu.memory_space<hbm>>
    tpu.enqueue_indirect_dma source(%dma_start3A_942 : memref<393216x128xf32, #tpu.memory_space<hbm>>) target(%arg10 : memref<128x128xf32, #tpu.memory_space<vmem>>) offsets(%dma_start3A_939 : memref<128xi32, #tpu.memory_space<vmem>>) semaphore(%arg14 : memref<!tpu.dma_semaphore, #tpu.memory_space<semaphore_mem>>)
    %dma_wait3A_943 = arith.constant 1024 : i32
    %dma_wait3A_944 = tpu.memref_slice %arg6[%dma_wait3A_943] : memref<2064xi32, #tpu.memory_space<vmem>> -> memref<128xi32, #tpu.memory_space<vmem>>
    %dma_wait3A_945 = arith.constant 0 : i32
    %dma_wait3A_946 = arith.constant 0 : i32
    %dma_wait3A_947 = tpu.memref_slice %arg3[%dma_wait3A_945, %dma_wait3A_946] : memref<393216x128xf32, #tpu.memory_space<hbm>> -> memref<393216x128xf32, #tpu.memory_space<hbm>>
    tpu.wait_indirect_dma semaphore(%arg11 : memref<!tpu.dma_semaphore, #tpu.memory_space<semaphore_mem>>) src(%dma_wait3A_947 : memref<393216x128xf32, #tpu.memory_space<hbm>>) dst(%arg7 : memref<128x128xf32, #tpu.memory_space<vmem>>)
    %mul3A_948 = arith.constant 2048 : i32
    %mul3A_949 = arith.muli %add3A_735, %mul3A_948 : i32
    %add3A_950 = arith.constant 1024 : i32
    %add3A_951 = arith.addi %mul3A_949, %add3A_950 : i32
    %dma_start3A_952 = arith.constant 0 : i32
    %dma_start3A_953 = tpu.memref_slice %arg4[%add3A_951, %dma_start3A_952] : memref<196608x128xf32, #tpu.memory_space<hbm>> -> memref<128x128xf32, #tpu.memory_space<hbm>>
    %dma_start3A_954 = arith.constant 0 : i32
    %dma_start3A_955 = tpu.memref_slice %arg4[%add3A_951, %dma_start3A_954] : memref<196608x128xf32, #tpu.memory_space<hbm>> -> memref<128x128xf32, #tpu.memory_space<hbm>>
    tpu.enqueue_dma source(%arg7 : memref<128x128xf32, #tpu.memory_space<vmem>>) target(%dma_start3A_955 : memref<128x128xf32, #tpu.memory_space<hbm>>) target_semaphore(%arg15 : memref<!tpu.dma_semaphore, #tpu.memory_space<semaphore_mem>>)
    %dma_wait3A_956 = arith.constant 0 : i32
    %dma_wait3A_957 = tpu.memref_slice %arg4[%add3A_951, %dma_wait3A_956] : memref<196608x128xf32, #tpu.memory_space<hbm>> -> memref<128x128xf32, #tpu.memory_space<hbm>>
    %dma_wait3A_958 = arith.constant 0 : i32
    %dma_wait3A_959 = tpu.memref_slice %arg4[%add3A_951, %dma_wait3A_958] : memref<196608x128xf32, #tpu.memory_space<hbm>> -> memref<128x128xf32, #tpu.memory_space<hbm>>
    tpu.wait_dma2 semaphore(%arg15 : memref<!tpu.dma_semaphore, #tpu.memory_space<semaphore_mem>>) src(%arg7 : memref<128x128xf32, #tpu.memory_space<vmem>>) dst(%dma_wait3A_959 : memref<128x128xf32, #tpu.memory_space<hbm>>)
    %dma_start3A_960 = arith.constant 1536 : i32
    %dma_start3A_961 = tpu.memref_slice %arg6[%dma_start3A_960] : memref<2064xi32, #tpu.memory_space<vmem>> -> memref<128xi32, #tpu.memory_space<vmem>>
    %dma_start3A_962 = arith.constant 0 : i32
    %dma_start3A_963 = arith.constant 0 : i32
    %dma_start3A_964 = tpu.memref_slice %arg3[%dma_start3A_962, %dma_start3A_963] : memref<393216x128xf32, #tpu.memory_space<hbm>> -> memref<393216x128xf32, #tpu.memory_space<hbm>>
    tpu.enqueue_indirect_dma source(%dma_start3A_964 : memref<393216x128xf32, #tpu.memory_space<hbm>>) target(%arg7 : memref<128x128xf32, #tpu.memory_space<vmem>>) offsets(%dma_start3A_961 : memref<128xi32, #tpu.memory_space<vmem>>) semaphore(%arg11 : memref<!tpu.dma_semaphore, #tpu.memory_space<semaphore_mem>>)
    %dma_wait3A_965 = arith.constant 1152 : i32
    %dma_wait3A_966 = tpu.memref_slice %arg6[%dma_wait3A_965] : memref<2064xi32, #tpu.memory_space<vmem>> -> memref<128xi32, #tpu.memory_space<vmem>>
    %dma_wait3A_967 = arith.constant 0 : i32
    %dma_wait3A_968 = arith.constant 0 : i32
    %dma_wait3A_969 = tpu.memref_slice %arg3[%dma_wait3A_967, %dma_wait3A_968] : memref<393216x128xf32, #tpu.memory_space<hbm>> -> memref<393216x128xf32, #tpu.memory_space<hbm>>
    tpu.wait_indirect_dma semaphore(%arg12 : memref<!tpu.dma_semaphore, #tpu.memory_space<semaphore_mem>>) src(%dma_wait3A_969 : memref<393216x128xf32, #tpu.memory_space<hbm>>) dst(%arg8 : memref<128x128xf32, #tpu.memory_space<vmem>>)
    %mul3A_970 = arith.constant 2048 : i32
    %mul3A_971 = arith.muli %add3A_735, %mul3A_970 : i32
    %add3A_972 = arith.constant 1152 : i32
    %add3A_973 = arith.addi %mul3A_971, %add3A_972 : i32
    %dma_start3A_974 = arith.constant 0 : i32
    %dma_start3A_975 = tpu.memref_slice %arg4[%add3A_973, %dma_start3A_974] : memref<196608x128xf32, #tpu.memory_space<hbm>> -> memref<128x128xf32, #tpu.memory_space<hbm>>
    %dma_start3A_976 = arith.constant 0 : i32
    %dma_start3A_977 = tpu.memref_slice %arg4[%add3A_973, %dma_start3A_976] : memref<196608x128xf32, #tpu.memory_space<hbm>> -> memref<128x128xf32, #tpu.memory_space<hbm>>
    tpu.enqueue_dma source(%arg8 : memref<128x128xf32, #tpu.memory_space<vmem>>) target(%dma_start3A_977 : memref<128x128xf32, #tpu.memory_space<hbm>>) target_semaphore(%arg16 : memref<!tpu.dma_semaphore, #tpu.memory_space<semaphore_mem>>)
    %dma_wait3A_978 = arith.constant 0 : i32
    %dma_wait3A_979 = tpu.memref_slice %arg4[%add3A_973, %dma_wait3A_978] : memref<196608x128xf32, #tpu.memory_space<hbm>> -> memref<128x128xf32, #tpu.memory_space<hbm>>
    %dma_wait3A_980 = arith.constant 0 : i32
    %dma_wait3A_981 = tpu.memref_slice %arg4[%add3A_973, %dma_wait3A_980] : memref<196608x128xf32, #tpu.memory_space<hbm>> -> memref<128x128xf32, #tpu.memory_space<hbm>>
    tpu.wait_dma2 semaphore(%arg16 : memref<!tpu.dma_semaphore, #tpu.memory_space<semaphore_mem>>) src(%arg8 : memref<128x128xf32, #tpu.memory_space<vmem>>) dst(%dma_wait3A_981 : memref<128x128xf32, #tpu.memory_space<hbm>>)
    %dma_start3A_982 = arith.constant 1664 : i32
    %dma_start3A_983 = tpu.memref_slice %arg6[%dma_start3A_982] : memref<2064xi32, #tpu.memory_space<vmem>> -> memref<128xi32, #tpu.memory_space<vmem>>
    %dma_start3A_984 = arith.constant 0 : i32
    %dma_start3A_985 = arith.constant 0 : i32
    %dma_start3A_986 = tpu.memref_slice %arg3[%dma_start3A_984, %dma_start3A_985] : memref<393216x128xf32, #tpu.memory_space<hbm>> -> memref<393216x128xf32, #tpu.memory_space<hbm>>
    tpu.enqueue_indirect_dma source(%dma_start3A_986 : memref<393216x128xf32, #tpu.memory_space<hbm>>) target(%arg8 : memref<128x128xf32, #tpu.memory_space<vmem>>) offsets(%dma_start3A_983 : memref<128xi32, #tpu.memory_space<vmem>>) semaphore(%arg12 : memref<!tpu.dma_semaphore, #tpu.memory_space<semaphore_mem>>)
    %dma_wait3A_987 = arith.constant 1280 : i32
    %dma_wait3A_988 = tpu.memref_slice %arg6[%dma_wait3A_987] : memref<2064xi32, #tpu.memory_space<vmem>> -> memref<128xi32, #tpu.memory_space<vmem>>
    %dma_wait3A_989 = arith.constant 0 : i32
    %dma_wait3A_990 = arith.constant 0 : i32
    %dma_wait3A_991 = tpu.memref_slice %arg3[%dma_wait3A_989, %dma_wait3A_990] : memref<393216x128xf32, #tpu.memory_space<hbm>> -> memref<393216x128xf32, #tpu.memory_space<hbm>>
    tpu.wait_indirect_dma semaphore(%arg13 : memref<!tpu.dma_semaphore, #tpu.memory_space<semaphore_mem>>) src(%dma_wait3A_991 : memref<393216x128xf32, #tpu.memory_space<hbm>>) dst(%arg9 : memref<128x128xf32, #tpu.memory_space<vmem>>)
    %mul3A_992 = arith.constant 2048 : i32
    %mul3A_993 = arith.muli %add3A_735, %mul3A_992 : i32
    %add3A_994 = arith.constant 1280 : i32
    %add3A_995 = arith.addi %mul3A_993, %add3A_994 : i32
    %dma_start3A_996 = arith.constant 0 : i32
    %dma_start3A_997 = tpu.memref_slice %arg4[%add3A_995, %dma_start3A_996] : memref<196608x128xf32, #tpu.memory_space<hbm>> -> memref<128x128xf32, #tpu.memory_space<hbm>>
    %dma_start3A_998 = arith.constant 0 : i32
    %dma_start3A_999 = tpu.memref_slice %arg4[%add3A_995, %dma_start3A_998] : memref<196608x128xf32, #tpu.memory_space<hbm>> -> memref<128x128xf32, #tpu.memory_space<hbm>>
    tpu.enqueue_dma source(%arg9 : memref<128x128xf32, #tpu.memory_space<vmem>>) target(%dma_start3A_999 : memref<128x128xf32, #tpu.memory_space<hbm>>) target_semaphore(%arg17 : memref<!tpu.dma_semaphore, #tpu.memory_space<semaphore_mem>>)
    %dma_wait3A_1000 = arith.constant 0 : i32
    %dma_wait3A_1001 = tpu.memref_slice %arg4[%add3A_995, %dma_wait3A_1000] : memref<196608x128xf32, #tpu.memory_space<hbm>> -> memref<128x128xf32, #tpu.memory_space<hbm>>
    %dma_wait3A_1002 = arith.constant 0 : i32
    %dma_wait3A_1003 = tpu.memref_slice %arg4[%add3A_995, %dma_wait3A_1002] : memref<196608x128xf32, #tpu.memory_space<hbm>> -> memref<128x128xf32, #tpu.memory_space<hbm>>
    tpu.wait_dma2 semaphore(%arg17 : memref<!tpu.dma_semaphore, #tpu.memory_space<semaphore_mem>>) src(%arg9 : memref<128x128xf32, #tpu.memory_space<vmem>>) dst(%dma_wait3A_1003 : memref<128x128xf32, #tpu.memory_space<hbm>>)
    %dma_start3A_1004 = arith.constant 1792 : i32
    %dma_start3A_1005 = tpu.memref_slice %arg6[%dma_start3A_1004] : memref<2064xi32, #tpu.memory_space<vmem>> -> memref<128xi32, #tpu.memory_space<vmem>>
    %dma_start3A_1006 = arith.constant 0 : i32
    %dma_start3A_1007 = arith.constant 0 : i32
    %dma_start3A_1008 = tpu.memref_slice %arg3[%dma_start3A_1006, %dma_start3A_1007] : memref<393216x128xf32, #tpu.memory_space<hbm>> -> memref<393216x128xf32, #tpu.memory_space<hbm>>
    tpu.enqueue_indirect_dma source(%dma_start3A_1008 : memref<393216x128xf32, #tpu.memory_space<hbm>>) target(%arg9 : memref<128x128xf32, #tpu.memory_space<vmem>>) offsets(%dma_start3A_1005 : memref<128xi32, #tpu.memory_space<vmem>>) semaphore(%arg13 : memref<!tpu.dma_semaphore, #tpu.memory_space<semaphore_mem>>)
    %dma_wait3A_1009 = arith.constant 1408 : i32
    %dma_wait3A_1010 = tpu.memref_slice %arg6[%dma_wait3A_1009] : memref<2064xi32, #tpu.memory_space<vmem>> -> memref<128xi32, #tpu.memory_space<vmem>>
    %dma_wait3A_1011 = arith.constant 0 : i32
    %dma_wait3A_1012 = arith.constant 0 : i32
    %dma_wait3A_1013 = tpu.memref_slice %arg3[%dma_wait3A_1011, %dma_wait3A_1012] : memref<393216x128xf32, #tpu.memory_space<hbm>> -> memref<393216x128xf32, #tpu.memory_space<hbm>>
    tpu.wait_indirect_dma semaphore(%arg14 : memref<!tpu.dma_semaphore, #tpu.memory_space<semaphore_mem>>) src(%dma_wait3A_1013 : memref<393216x128xf32, #tpu.memory_space<hbm>>) dst(%arg10 : memref<128x128xf32, #tpu.memory_space<vmem>>)
    %mul3A_1014 = arith.constant 2048 : i32
    %mul3A_1015 = arith.muli %add3A_735, %mul3A_1014 : i32
    %add3A_1016 = arith.constant 1408 : i32
    %add3A_1017 = arith.addi %mul3A_1015, %add3A_1016 : i32
    %dma_start3A_1018 = arith.constant 0 : i32
    %dma_start3A_1019 = tpu.memref_slice %arg4[%add3A_1017, %dma_start3A_1018] : memref<196608x128xf32, #tpu.memory_space<hbm>> -> memref<128x128xf32, #tpu.memory_space<hbm>>
    %dma_start3A_1020 = arith.constant 0 : i32
    %dma_start3A_1021 = tpu.memref_slice %arg4[%add3A_1017, %dma_start3A_1020] : memref<196608x128xf32, #tpu.memory_space<hbm>> -> memref<128x128xf32, #tpu.memory_space<hbm>>
    tpu.enqueue_dma source(%arg10 : memref<128x128xf32, #tpu.memory_space<vmem>>) target(%dma_start3A_1021 : memref<128x128xf32, #tpu.memory_space<hbm>>) target_semaphore(%arg18 : memref<!tpu.dma_semaphore, #tpu.memory_space<semaphore_mem>>)
    %dma_wait3A_1022 = arith.constant 0 : i32
    %dma_wait3A_1023 = tpu.memref_slice %arg4[%add3A_1017, %dma_wait3A_1022] : memref<196608x128xf32, #tpu.memory_space<hbm>> -> memref<128x128xf32, #tpu.memory_space<hbm>>
    %dma_wait3A_1024 = arith.constant 0 : i32
    %dma_wait3A_1025 = tpu.memref_slice %arg4[%add3A_1017, %dma_wait3A_1024] : memref<196608x128xf32, #tpu.memory_space<hbm>> -> memref<128x128xf32, #tpu.memory_space<hbm>>
    tpu.wait_dma2 semaphore(%arg18 : memref<!tpu.dma_semaphore, #tpu.memory_space<semaphore_mem>>) src(%arg10 : memref<128x128xf32, #tpu.memory_space<vmem>>) dst(%dma_wait3A_1025 : memref<128x128xf32, #tpu.memory_space<hbm>>)
    %dma_start3A_1026 = arith.constant 1920 : i32
    %dma_start3A_1027 = tpu.memref_slice %arg6[%dma_start3A_1026] : memref<2064xi32, #tpu.memory_space<vmem>> -> memref<128xi32, #tpu.memory_space<vmem>>
    %dma_start3A_1028 = arith.constant 0 : i32
    %dma_start3A_1029 = arith.constant 0 : i32
    %dma_start3A_1030 = tpu.memref_slice %arg3[%dma_start3A_1028, %dma_start3A_1029] : memref<393216x128xf32, #tpu.memory_space<hbm>> -> memref<393216x128xf32, #tpu.memory_space<hbm>>
    tpu.enqueue_indirect_dma source(%dma_start3A_1030 : memref<393216x128xf32, #tpu.memory_space<hbm>>) target(%arg10 : memref<128x128xf32, #tpu.memory_space<vmem>>) offsets(%dma_start3A_1027 : memref<128xi32, #tpu.memory_space<vmem>>) semaphore(%arg14 : memref<!tpu.dma_semaphore, #tpu.memory_space<semaphore_mem>>)
    %dma_wait3A_1031 = arith.constant 1536 : i32
    %dma_wait3A_1032 = tpu.memref_slice %arg6[%dma_wait3A_1031] : memref<2064xi32, #tpu.memory_space<vmem>> -> memref<128xi32, #tpu.memory_space<vmem>>
    %dma_wait3A_1033 = arith.constant 0 : i32
    %dma_wait3A_1034 = arith.constant 0 : i32
    %dma_wait3A_1035 = tpu.memref_slice %arg3[%dma_wait3A_1033, %dma_wait3A_1034] : memref<393216x128xf32, #tpu.memory_space<hbm>> -> memref<393216x128xf32, #tpu.memory_space<hbm>>
    tpu.wait_indirect_dma semaphore(%arg11 : memref<!tpu.dma_semaphore, #tpu.memory_space<semaphore_mem>>) src(%dma_wait3A_1035 : memref<393216x128xf32, #tpu.memory_space<hbm>>) dst(%arg7 : memref<128x128xf32, #tpu.memory_space<vmem>>)
    %mul3A_1036 = arith.constant 2048 : i32
    %mul3A_1037 = arith.muli %add3A_735, %mul3A_1036 : i32
    %add3A_1038 = arith.constant 1536 : i32
    %add3A_1039 = arith.addi %mul3A_1037, %add3A_1038 : i32
    %dma_start3A_1040 = arith.constant 0 : i32
    %dma_start3A_1041 = tpu.memref_slice %arg4[%add3A_1039, %dma_start3A_1040] : memref<196608x128xf32, #tpu.memory_space<hbm>> -> memref<128x128xf32, #tpu.memory_space<hbm>>
    %dma_start3A_1042 = arith.constant 0 : i32
    %dma_start3A_1043 = tpu.memref_slice %arg4[%add3A_1039, %dma_start3A_1042] : memref<196608x128xf32, #tpu.memory_space<hbm>> -> memref<128x128xf32, #tpu.memory_space<hbm>>
    tpu.enqueue_dma source(%arg7 : memref<128x128xf32, #tpu.memory_space<vmem>>) target(%dma_start3A_1043 : memref<128x128xf32, #tpu.memory_space<hbm>>) target_semaphore(%arg15 : memref<!tpu.dma_semaphore, #tpu.memory_space<semaphore_mem>>)
    %dma_wait3A_1044 = arith.constant 1664 : i32
    %dma_wait3A_1045 = tpu.memref_slice %arg6[%dma_wait3A_1044] : memref<2064xi32, #tpu.memory_space<vmem>> -> memref<128xi32, #tpu.memory_space<vmem>>
    %dma_wait3A_1046 = arith.constant 0 : i32
    %dma_wait3A_1047 = arith.constant 0 : i32
    %dma_wait3A_1048 = tpu.memref_slice %arg3[%dma_wait3A_1046, %dma_wait3A_1047] : memref<393216x128xf32, #tpu.memory_space<hbm>> -> memref<393216x128xf32, #tpu.memory_space<hbm>>
    tpu.wait_indirect_dma semaphore(%arg12 : memref<!tpu.dma_semaphore, #tpu.memory_space<semaphore_mem>>) src(%dma_wait3A_1048 : memref<393216x128xf32, #tpu.memory_space<hbm>>) dst(%arg8 : memref<128x128xf32, #tpu.memory_space<vmem>>)
    %mul3A_1049 = arith.constant 2048 : i32
    %mul3A_1050 = arith.muli %add3A_735, %mul3A_1049 : i32
    %add3A_1051 = arith.constant 1664 : i32
    %add3A_1052 = arith.addi %mul3A_1050, %add3A_1051 : i32
    %dma_start3A_1053 = arith.constant 0 : i32
    %dma_start3A_1054 = tpu.memref_slice %arg4[%add3A_1052, %dma_start3A_1053] : memref<196608x128xf32, #tpu.memory_space<hbm>> -> memref<128x128xf32, #tpu.memory_space<hbm>>
    %dma_start3A_1055 = arith.constant 0 : i32
    %dma_start3A_1056 = tpu.memref_slice %arg4[%add3A_1052, %dma_start3A_1055] : memref<196608x128xf32, #tpu.memory_space<hbm>> -> memref<128x128xf32, #tpu.memory_space<hbm>>
    tpu.enqueue_dma source(%arg8 : memref<128x128xf32, #tpu.memory_space<vmem>>) target(%dma_start3A_1056 : memref<128x128xf32, #tpu.memory_space<hbm>>) target_semaphore(%arg16 : memref<!tpu.dma_semaphore, #tpu.memory_space<semaphore_mem>>)
    %dma_wait3A_1057 = arith.constant 1792 : i32
    %dma_wait3A_1058 = tpu.memref_slice %arg6[%dma_wait3A_1057] : memref<2064xi32, #tpu.memory_space<vmem>> -> memref<128xi32, #tpu.memory_space<vmem>>
    %dma_wait3A_1059 = arith.constant 0 : i32
    %dma_wait3A_1060 = arith.constant 0 : i32
    %dma_wait3A_1061 = tpu.memref_slice %arg3[%dma_wait3A_1059, %dma_wait3A_1060] : memref<393216x128xf32, #tpu.memory_space<hbm>> -> memref<393216x128xf32, #tpu.memory_space<hbm>>
    tpu.wait_indirect_dma semaphore(%arg13 : memref<!tpu.dma_semaphore, #tpu.memory_space<semaphore_mem>>) src(%dma_wait3A_1061 : memref<393216x128xf32, #tpu.memory_space<hbm>>) dst(%arg9 : memref<128x128xf32, #tpu.memory_space<vmem>>)
    %mul3A_1062 = arith.constant 2048 : i32
    %mul3A_1063 = arith.muli %add3A_735, %mul3A_1062 : i32
    %add3A_1064 = arith.constant 1792 : i32
    %add3A_1065 = arith.addi %mul3A_1063, %add3A_1064 : i32
    %dma_start3A_1066 = arith.constant 0 : i32
    %dma_start3A_1067 = tpu.memref_slice %arg4[%add3A_1065, %dma_start3A_1066] : memref<196608x128xf32, #tpu.memory_space<hbm>> -> memref<128x128xf32, #tpu.memory_space<hbm>>
    %dma_start3A_1068 = arith.constant 0 : i32
    %dma_start3A_1069 = tpu.memref_slice %arg4[%add3A_1065, %dma_start3A_1068] : memref<196608x128xf32, #tpu.memory_space<hbm>> -> memref<128x128xf32, #tpu.memory_space<hbm>>
    tpu.enqueue_dma source(%arg9 : memref<128x128xf32, #tpu.memory_space<vmem>>) target(%dma_start3A_1069 : memref<128x128xf32, #tpu.memory_space<hbm>>) target_semaphore(%arg17 : memref<!tpu.dma_semaphore, #tpu.memory_space<semaphore_mem>>)
    %dma_wait3A_1070 = arith.constant 1920 : i32
    %dma_wait3A_1071 = tpu.memref_slice %arg6[%dma_wait3A_1070] : memref<2064xi32, #tpu.memory_space<vmem>> -> memref<128xi32, #tpu.memory_space<vmem>>
    %dma_wait3A_1072 = arith.constant 0 : i32
    %dma_wait3A_1073 = arith.constant 0 : i32
    %dma_wait3A_1074 = tpu.memref_slice %arg3[%dma_wait3A_1072, %dma_wait3A_1073] : memref<393216x128xf32, #tpu.memory_space<hbm>> -> memref<393216x128xf32, #tpu.memory_space<hbm>>
    tpu.wait_indirect_dma semaphore(%arg14 : memref<!tpu.dma_semaphore, #tpu.memory_space<semaphore_mem>>) src(%dma_wait3A_1074 : memref<393216x128xf32, #tpu.memory_space<hbm>>) dst(%arg10 : memref<128x128xf32, #tpu.memory_space<vmem>>)
    %mul3A_1075 = arith.constant 2048 : i32
    %mul3A_1076 = arith.muli %add3A_735, %mul3A_1075 : i32
    %add3A_1077 = arith.constant 1920 : i32
    %add3A_1078 = arith.addi %mul3A_1076, %add3A_1077 : i32
    %dma_start3A_1079 = arith.constant 0 : i32
    %dma_start3A_1080 = tpu.memref_slice %arg4[%add3A_1078, %dma_start3A_1079] : memref<196608x128xf32, #tpu.memory_space<hbm>> -> memref<128x128xf32, #tpu.memory_space<hbm>>
    %dma_start3A_1081 = arith.constant 0 : i32
    %dma_start3A_1082 = tpu.memref_slice %arg4[%add3A_1078, %dma_start3A_1081] : memref<196608x128xf32, #tpu.memory_space<hbm>> -> memref<128x128xf32, #tpu.memory_space<hbm>>
    tpu.enqueue_dma source(%arg10 : memref<128x128xf32, #tpu.memory_space<vmem>>) target(%dma_start3A_1082 : memref<128x128xf32, #tpu.memory_space<hbm>>) target_semaphore(%arg18 : memref<!tpu.dma_semaphore, #tpu.memory_space<semaphore_mem>>)
    %dma_wait3A_1083 = arith.constant 0 : i32
    %dma_wait3A_1084 = tpu.memref_slice %arg4[%add3A_1039, %dma_wait3A_1083] : memref<196608x128xf32, #tpu.memory_space<hbm>> -> memref<128x128xf32, #tpu.memory_space<hbm>>
    %dma_wait3A_1085 = arith.constant 0 : i32
    %dma_wait3A_1086 = tpu.memref_slice %arg4[%add3A_1039, %dma_wait3A_1085] : memref<196608x128xf32, #tpu.memory_space<hbm>> -> memref<128x128xf32, #tpu.memory_space<hbm>>
    tpu.wait_dma2 semaphore(%arg15 : memref<!tpu.dma_semaphore, #tpu.memory_space<semaphore_mem>>) src(%arg7 : memref<128x128xf32, #tpu.memory_space<vmem>>) dst(%dma_wait3A_1086 : memref<128x128xf32, #tpu.memory_space<hbm>>)
    %dma_wait3A_1087 = arith.constant 0 : i32
    %dma_wait3A_1088 = tpu.memref_slice %arg4[%add3A_1052, %dma_wait3A_1087] : memref<196608x128xf32, #tpu.memory_space<hbm>> -> memref<128x128xf32, #tpu.memory_space<hbm>>
    %dma_wait3A_1089 = arith.constant 0 : i32
    %dma_wait3A_1090 = tpu.memref_slice %arg4[%add3A_1052, %dma_wait3A_1089] : memref<196608x128xf32, #tpu.memory_space<hbm>> -> memref<128x128xf32, #tpu.memory_space<hbm>>
    tpu.wait_dma2 semaphore(%arg16 : memref<!tpu.dma_semaphore, #tpu.memory_space<semaphore_mem>>) src(%arg8 : memref<128x128xf32, #tpu.memory_space<vmem>>) dst(%dma_wait3A_1090 : memref<128x128xf32, #tpu.memory_space<hbm>>)
    %dma_wait3A_1091 = arith.constant 0 : i32
    %dma_wait3A_1092 = tpu.memref_slice %arg4[%add3A_1065, %dma_wait3A_1091] : memref<196608x128xf32, #tpu.memory_space<hbm>> -> memref<128x128xf32, #tpu.memory_space<hbm>>
    %dma_wait3A_1093 = arith.constant 0 : i32
    %dma_wait3A_1094 = tpu.memref_slice %arg4[%add3A_1065, %dma_wait3A_1093] : memref<196608x128xf32, #tpu.memory_space<hbm>> -> memref<128x128xf32, #tpu.memory_space<hbm>>
    tpu.wait_dma2 semaphore(%arg17 : memref<!tpu.dma_semaphore, #tpu.memory_space<semaphore_mem>>) src(%arg9 : memref<128x128xf32, #tpu.memory_space<vmem>>) dst(%dma_wait3A_1094 : memref<128x128xf32, #tpu.memory_space<hbm>>)
    %dma_wait3A_1095 = arith.constant 0 : i32
    %dma_wait3A_1096 = tpu.memref_slice %arg4[%add3A_1078, %dma_wait3A_1095] : memref<196608x128xf32, #tpu.memory_space<hbm>> -> memref<128x128xf32, #tpu.memory_space<hbm>>
    %dma_wait3A_1097 = arith.constant 0 : i32
    %dma_wait3A_1098 = tpu.memref_slice %arg4[%add3A_1078, %dma_wait3A_1097] : memref<196608x128xf32, #tpu.memory_space<hbm>> -> memref<128x128xf32, #tpu.memory_space<hbm>>
    tpu.wait_dma2 semaphore(%arg18 : memref<!tpu.dma_semaphore, #tpu.memory_space<semaphore_mem>>) src(%arg10 : memref<128x128xf32, #tpu.memory_space<vmem>>) dst(%dma_wait3A_1098 : memref<128x128xf32, #tpu.memory_space<hbm>>)
    return
  }
}

module attributes {stable_mosaic.version = 14 : i64} {
  func.func @_scores_body(%arg0: i32, %arg1: memref<1x4096x64xf32, #tpu.memory_space<vmem>>, %arg2: memref<1x4096x64xf32, #tpu.memory_space<vmem>>, %arg3: memref<128x256xf32, #tpu.memory_space<vmem>>, %arg4: memref<1x256xf32, #tpu.memory_space<vmem>>, %arg5: memref<256x1xf32, #tpu.memory_space<vmem>>, %arg6: memref<1x1xf32, #tpu.memory_space<vmem>>, %arg7: memref<1x4096xf32, #tpu.memory_space<vmem>>, %arg8: memref<1x1x4096xf32, #tpu.memory_space<vmem>>, %arg9: memref<4096x128xf32, #tpu.memory_space<vmem>>) attributes {dimension_semantics = [#tpu.dimension_semantics<arbitrary>], iteration_bounds = array<i64: 96>, scalar_prefetch = 0 : i64, scratch_operands = 0 : i64, tpu.core_type = #tpu.core_type<tc>, window_params = [{transform_indices = @transform_0, window_bounds = array<i64: 1, 4096, 64>}, {transform_indices = @transform_1, window_bounds = array<i64: 1, 4096, 64>}, {pipeline_mode = #tpu.pipeline_mode<synchronous>, transform_indices = @transform_2, window_bounds = array<i64: 128, 256>}, {pipeline_mode = #tpu.pipeline_mode<synchronous>, transform_indices = @transform_3, window_bounds = array<i64: 1, 256>}, {pipeline_mode = #tpu.pipeline_mode<synchronous>, transform_indices = @transform_4, window_bounds = array<i64: 256, 1>}, {pipeline_mode = #tpu.pipeline_mode<synchronous>, transform_indices = @transform_5, window_bounds = array<i64: 1, 1>}, {pipeline_mode = #tpu.pipeline_mode<synchronous>, transform_indices = @transform_6, window_bounds = array<i64: 1, 4096>}, {transform_indices = @transform_7, window_bounds = array<i64: 1, 1, 4096>}, {transform_indices = @transform_8, window_bounds = array<i64: 4096, 128>}]} {
    %get3A = arith.constant 0 : index
    %get3A_0 = arith.constant 0 : index
    %get3A_1 = arith.constant 0 : index
    %get3A_2 = vector.load %arg1[%get3A, %get3A_0, %get3A_1] : memref<1x4096x64xf32, #tpu.memory_space<vmem>>, vector<1x4096x64xf32>
    %get3A_3 = vector.shape_cast %get3A_2 : vector<1x4096x64xf32> to vector<4096x64xf32>
    %get3A_4 = arith.constant 0 : index
    %get3A_5 = arith.constant 0 : index
    %get3A_6 = arith.constant 0 : index
    %get3A_7 = vector.load %arg2[%get3A_4, %get3A_5, %get3A_6] : memref<1x4096x64xf32, #tpu.memory_space<vmem>>, vector<1x4096x64xf32>
    %get3A_8 = vector.shape_cast %get3A_7 : vector<1x4096x64xf32> to vector<4096x64xf32>
    %concatenate3A = tpu.concatenate %get3A_3, %get3A_8 in 1 : vector<4096x64xf32>, vector<4096x64xf32> -> vector<4096x128xf32>
    %swap3A = arith.constant 0 : index
    %swap3A_9 = arith.constant 0 : index
    %swap3A_10 = vector.load %arg9[%swap3A, %swap3A_9] : memref<4096x128xf32, #tpu.memory_space<vmem>>, vector<4096x128xf32>
    tpu.vector_store %arg9[%swap3A, %swap3A_9], %concatenate3A {strides = array<i32>} : memref<4096x128xf32, #tpu.memory_space<vmem>>, vector<4096x128xf32>,
    %get3A_11 = arith.constant 0 : index
    %get3A_12 = arith.constant 0 : index
    %get3A_13 = vector.load %arg3[%get3A_11, %get3A_12] : memref<128x256xf32, #tpu.memory_space<vmem>>, vector<128x256xf32>
    %dot_general3A = arith.constant dense<0.000000e+00> : vector<4096x256xf32>
    %dot_general3A_14 = tpu.matmul %concatenate3A, %get3A_13, %dot_general3A {dimension_numbers = #tpu.dot_dimension_numbers<[1], [0], [0], [1], [0, 0, 1, 1], [], []>, transpose_lhs_hint = false} : vector<4096x128xf32>, vector<128x256xf32>, vector<4096x256xf32> -> vector<4096x256xf32>
    %get3A_15 = arith.constant 0 : index
    %get3A_16 = arith.constant 0 : index
    %get3A_17 = vector.load %arg4[%get3A_15, %get3A_16] : memref<1x256xf32, #tpu.memory_space<vmem>>, vector<1x256xf32>
    %add3A = vector.broadcast %get3A_17 : vector<1x256xf32> to vector<4096x256xf32>
    %add3A_18 = arith.addf %dot_general3A_14, %add3A : vector<4096x256xf32>
    %max3A = arith.constant 0.000000e+00 : f32
    %max3A_19 = vector.broadcast %max3A : f32 to vector<4096x256xf32>
    %max3A_20 = arith.maximumf %add3A_18, %max3A_19 : vector<4096x256xf32>
    %get3A_21 = arith.constant 0 : index
    %get3A_22 = arith.constant 0 : index
    %get3A_23 = vector.load %arg5[%get3A_21, %get3A_22] : memref<256x1xf32, #tpu.memory_space<vmem>>, vector<256x1xf32>
    %dot_general3A_24 = arith.constant dense<0.000000e+00> : vector<1x4096xf32>
    %dot_general3A_25 = tpu.matmul %get3A_23, %max3A_20, %dot_general3A_24 {dimension_numbers = #tpu.dot_dimension_numbers<[0], [1], [1], [0], [0, 1, 1, 0], [], []>, transpose_lhs_hint = false} : vector<256x1xf32>, vector<4096x256xf32>, vector<1x4096xf32> -> vector<1x4096xf32>
    %get3A_26 = arith.constant 0 : index
    %get3A_27 = arith.constant 0 : index
    %get3A_28 = vector.load %arg6[%get3A_26, %get3A_27] : memref<1x1xf32, #tpu.memory_space<vmem>>, vector<1x1xf32>
    %add3A_29 = vector.broadcast %get3A_28 : vector<1x1xf32> to vector<1x4096xf32>
    %add3A_30 = arith.addf %dot_general3A_25, %add3A_29 : vector<1x4096xf32>
    %get3A_31 = arith.constant 0 : index
    %get3A_32 = arith.constant 0 : index
    %get3A_33 = vector.load %arg7[%get3A_31, %get3A_32] : memref<1x4096xf32, #tpu.memory_space<vmem>>, vector<1x4096xf32>
    %add3A_34 = arith.addf %add3A_30, %get3A_33 : vector<1x4096xf32>
    %swap3A_35 = arith.constant 0 : index
    %swap3A_36 = arith.constant 0 : index
    %swap3A_37 = arith.constant 0 : index
    %swap3A_38 = vector.load %arg8[%swap3A_35, %swap3A_36, %swap3A_37] : memref<1x1x4096xf32, #tpu.memory_space<vmem>>, vector<1x1x4096xf32>
    %swap3A_39 = vector.shape_cast %swap3A_38 : vector<1x1x4096xf32> to vector<1x4096xf32>
    %swap3A_40 = vector.shape_cast %add3A_34 : vector<1x4096xf32> to vector<1x1x4096xf32>
    tpu.vector_store %arg8[%swap3A_35, %swap3A_36, %swap3A_37], %swap3A_40 {strides = array<i32>} : memref<1x1x4096xf32, #tpu.memory_space<vmem>>, vector<1x1x4096xf32>,
    return
  }
  func.func @transform_0(%arg0: i32) -> (i32, i32, i32) {
    %c0_i32 = arith.constant 0 : i32
    %c0_i32_0 = arith.constant 0 : i32
    %c0_i32_1 = arith.constant 0 : i32
    return %arg0, %c0_i32, %c0_i32_0 : i32, i32, i32
  }
  func.func @transform_1(%arg0: i32) -> (i32, i32, i32) {
    %c0_i32 = arith.constant 0 : i32
    %c0_i32_0 = arith.constant 0 : i32
    %c0_i32_1 = arith.constant 0 : i32
    return %arg0, %c0_i32, %c0_i32_0 : i32, i32, i32
  }
  func.func @transform_2(%arg0: i32) -> (i32, i32) {
    %c0_i32 = arith.constant 0 : i32
    %c0_i32_0 = arith.constant 0 : i32
    %c0_i32_1 = arith.constant 0 : i32
    return %c0_i32, %c0_i32_0 : i32, i32
  }
  func.func @transform_3(%arg0: i32) -> (i32, i32) {
    %c0_i32 = arith.constant 0 : i32
    %c0_i32_0 = arith.constant 0 : i32
    %c0_i32_1 = arith.constant 0 : i32
    return %c0_i32, %c0_i32_0 : i32, i32
  }
  func.func @transform_4(%arg0: i32) -> (i32, i32) {
    %c0_i32 = arith.constant 0 : i32
    %c0_i32_0 = arith.constant 0 : i32
    %c0_i32_1 = arith.constant 0 : i32
    return %c0_i32, %c0_i32_0 : i32, i32
  }
  func.func @transform_5(%arg0: i32) -> (i32, i32) {
    %c0_i32 = arith.constant 0 : i32
    %c0_i32_0 = arith.constant 0 : i32
    %c0_i32_1 = arith.constant 0 : i32
    return %c0_i32, %c0_i32_0 : i32, i32
  }
  func.func @transform_6(%arg0: i32) -> (i32, i32) {
    %c0_i32 = arith.constant 0 : i32
    %c0_i32_0 = arith.constant 0 : i32
    %c0_i32_1 = arith.constant 0 : i32
    return %c0_i32, %c0_i32_0 : i32, i32
  }
  func.func @transform_7(%arg0: i32) -> (i32, i32, i32) {
    %c0_i32 = arith.constant 0 : i32
    %c0_i32_0 = arith.constant 0 : i32
    %c0_i32_1 = arith.constant 0 : i32
    return %arg0, %c0_i32, %c0_i32_0 : i32, i32, i32
  }
  func.func @transform_8(%arg0: i32) -> (i32, i32) {
    %c0_i32 = arith.constant 0 : i32
    %c0_i32_0 = arith.constant 0 : i32
    return %arg0, %c0_i32 : i32, i32
  }
}

module attributes {stable_mosaic.version = 14 : i64} {
  func.func @_mask_body(%arg0: i32, %arg1: memref<8x4096xf32, #tpu.memory_space<vmem>>, %arg2: memref<8x4096xi32, #tpu.memory_space<vmem>>) attributes {dimension_semantics = [#tpu.dimension_semantics<arbitrary>], iteration_bounds = array<i64: 12>, scalar_prefetch = 0 : i64, scratch_operands = 0 : i64, tpu.core_type = #tpu.core_type<tc>, window_params = [{transform_indices = @transform_0, window_bounds = array<i64: 8, 4096>}, {transform_indices = @transform_1, window_bounds = array<i64: 8, 4096>}]} {
    %get3A = arith.constant 0 : index
    %get3A_0 = arith.constant 0 : index
    %get3A_1 = vector.load %arg1[%get3A, %get3A_0] : memref<8x4096xf32, #tpu.memory_space<vmem>>, vector<8x4096xf32>
    %bitcast_convert_type3A = tpu.bitcast %get3A_1 : vector<8x4096xf32> -> vector<8x4096xi32>
    %shift_right_arithmetic3A = arith.constant 31 : i32
    %shift_right_arithmetic3A_2 = vector.broadcast %shift_right_arithmetic3A : i32 to vector<8x4096xi32>
    %shift_right_arithmetic3A_3 = arith.shrsi %bitcast_convert_type3A, %shift_right_arithmetic3A_2 : vector<8x4096xi32>
    %and3A = arith.constant 2147483647 : i32
    %and3A_4 = vector.broadcast %and3A : i32 to vector<8x4096xi32>
    %and3A_5 = arith.andi %shift_right_arithmetic3A_3, %and3A_4 : vector<8x4096xi32>
    %xor3A = arith.xori %bitcast_convert_type3A, %and3A_5 : vector<8x4096xi32>
    %broadcast_in_dim3A = arith.constant 0 : i32
    %broadcast_in_dim3A_6 = vector.broadcast %broadcast_in_dim3A : i32 to vector<8x1xi32>
    %scan3A = arith.constant -2147483648 : i32
    %scan3A_7 = arith.constant 0 : i32
    %scan3A_8 = arith.constant 32 : i32
    %scan3A_9 = arith.addi %scan3A_7, %scan3A_8 : i32
    %scan3A_10 = arith.constant 1 : i32
    %scan3A_11 = scf.for %scan3A_85 = %scan3A_7 to %scan3A_9 step %scan3A_10 iter_args(%scan3A_86 = %broadcast_in_dim3A_6) -> (vector<8x1xi32>)  : i32 {
      %sub3A_87 = arith.constant 31 : i32
      %sub3A_88 = arith.subi %sub3A_87, %scan3A_85 : i32
      %shift_left3A = arith.constant 1 : i32
      %shift_left3A_89 = arith.shli %shift_left3A, %sub3A_88 : i32
      %or3A_90 = vector.broadcast %shift_left3A_89 : i32 to vector<8x1xi32>
      %or3A_91 = arith.ori %scan3A_86, %or3A_90 : vector<8x1xi32>
      %xor3A_92 = vector.broadcast %scan3A : i32 to vector<8x1xi32>
      %xor3A_93 = arith.xori %or3A_91, %xor3A_92 : vector<8x1xi32>
      %ge3A = vector.broadcast %xor3A_93 : vector<8x1xi32> to vector<8x4096xi32>
      %ge3A_94 = arith.cmpi sge, %xor3A, %ge3A : vector<8x4096xi32>
      %convert_element_type3A_95 = arith.extui %ge3A_94 : vector<8x4096xi1> to vector<8x4096xi32>
      %reduce_sum3A_96 = arith.constant dense<0> : vector<8xi32>
      %reduce_sum3A_97 = vector.multi_reduction <add>, %convert_element_type3A_95, %reduce_sum3A_96 [1] : vector<8x4096xi32> to vector<8xi32>
      %broadcast_in_dim3A_98 = vector.shape_cast %reduce_sum3A_97 : vector<8xi32> to vector<8x1xi32>
      %ge3A_99 = arith.constant 2048 : i32
      %ge3A_100 = vector.broadcast %ge3A_99 : i32 to vector<8x1xi32>
      %ge3A_101 = arith.cmpi sge, %broadcast_in_dim3A_98, %ge3A_100 : vector<8x1xi32>
      %select_n3A = arith.select %ge3A_101, %or3A_91, %scan3A_86 : vector<8x1xi1>, vector<8x1xi32>
      scf.yield %select_n3A : vector<8x1xi32>
    }
    %scan3A_12 = arith.constant 32 : i32
    %xor3A_13 = arith.constant -2147483648 : i32
    %xor3A_14 = vector.broadcast %xor3A_13 : i32 to vector<8x1xi32>
    %xor3A_15 = arith.xori %scan3A_11, %xor3A_14 : vector<8x1xi32>
    %gt3A = vector.broadcast %xor3A_15 : vector<8x1xi32> to vector<8x4096xi32>
    %gt3A_16 = arith.cmpi sgt, %xor3A, %gt3A : vector<8x4096xi32>
    %eq3A = vector.broadcast %xor3A_15 : vector<8x1xi32> to vector<8x4096xi32>
    %eq3A_17 = arith.cmpi eq, %xor3A, %eq3A : vector<8x4096xi32>
    %convert_element_type3A = arith.extui %gt3A_16 : vector<8x4096xi1> to vector<8x4096xi32>
    %reduce_sum3A = arith.constant dense<0> : vector<8xi32>
    %reduce_sum3A_18 = vector.multi_reduction <add>, %convert_element_type3A, %reduce_sum3A [1] : vector<8x4096xi32> to vector<8xi32>
    %broadcast_in_dim3A_19 = vector.shape_cast %reduce_sum3A_18 : vector<8xi32> to vector<8x1xi32>
    %sub3A = arith.constant 2048 : i32
    %sub3A_20 = vector.broadcast %sub3A : i32 to vector<8x1xi32>
    %sub3A_21 = arith.subi %sub3A_20, %broadcast_in_dim3A_19 : vector<8x1xi32>
    %convert_element_type3A_22 = arith.extui %eq3A_17 : vector<8x4096xi1> to vector<8x4096xi32>
    %broadcast_in_dim3A_23 = arith.constant 0 : i32
    %broadcast_in_dim3A_24 = vector.broadcast %broadcast_in_dim3A_23 : i32 to vector<8x1xi32>
    %slice3A = vector.extract_strided_slice %convert_element_type3A_22 {offsets = [0, 0], sizes = [8, 4095], strides = [1, 1]} : vector<8x4096xi32> to vector<8x4095xi32>
    %concatenate3A = tpu.concatenate %broadcast_in_dim3A_24, %slice3A in 1 : vector<8x1xi32>, vector<8x4095xi32> -> vector<8x4096xi32>
    %add3A = arith.addi %convert_element_type3A_22, %concatenate3A : vector<8x4096xi32>
    %broadcast_in_dim3A_25 = arith.constant 0 : i32
    %broadcast_in_dim3A_26 = vector.broadcast %broadcast_in_dim3A_25 : i32 to vector<8x2xi32>
    %slice3A_27 = vector.extract_strided_slice %add3A {offsets = [0, 0], sizes = [8, 4094], strides = [1, 1]} : vector<8x4096xi32> to vector<8x4094xi32>
    %concatenate3A_28 = tpu.concatenate %broadcast_in_dim3A_26, %slice3A_27 in 1 : vector<8x2xi32>, vector<8x4094xi32> -> vector<8x4096xi32>
    %add3A_29 = arith.addi %add3A, %concatenate3A_28 : vector<8x4096xi32>
    %broadcast_in_dim3A_30 = arith.constant 0 : i32
    %broadcast_in_dim3A_31 = vector.broadcast %broadcast_in_dim3A_30 : i32 to vector<8x4xi32>
    %slice3A_32 = vector.extract_strided_slice %add3A_29 {offsets = [0, 0], sizes = [8, 4092], strides = [1, 1]} : vector<8x4096xi32> to vector<8x4092xi32>
    %concatenate3A_33 = tpu.concatenate %broadcast_in_dim3A_31, %slice3A_32 in 1 : vector<8x4xi32>, vector<8x4092xi32> -> vector<8x4096xi32>
    %add3A_34 = arith.addi %add3A_29, %concatenate3A_33 : vector<8x4096xi32>
    %broadcast_in_dim3A_35 = arith.constant 0 : i32
    %broadcast_in_dim3A_36 = vector.broadcast %broadcast_in_dim3A_35 : i32 to vector<8x8xi32>
    %slice3A_37 = vector.extract_strided_slice %add3A_34 {offsets = [0, 0], sizes = [8, 4088], strides = [1, 1]} : vector<8x4096xi32> to vector<8x4088xi32>
    %concatenate3A_38 = tpu.concatenate %broadcast_in_dim3A_36, %slice3A_37 in 1 : vector<8x8xi32>, vector<8x4088xi32> -> vector<8x4096xi32>
    %add3A_39 = arith.addi %add3A_34, %concatenate3A_38 : vector<8x4096xi32>
    %broadcast_in_dim3A_40 = arith.constant 0 : i32
    %broadcast_in_dim3A_41 = vector.broadcast %broadcast_in_dim3A_40 : i32 to vector<8x16xi32>
    %slice3A_42 = vector.extract_strided_slice %add3A_39 {offsets = [0, 0], sizes = [8, 4080], strides = [1, 1]} : vector<8x4096xi32> to vector<8x4080xi32>
    %concatenate3A_43 = tpu.concatenate %broadcast_in_dim3A_41, %slice3A_42 in 1 : vector<8x16xi32>, vector<8x4080xi32> -> vector<8x4096xi32>
    %add3A_44 = arith.addi %add3A_39, %concatenate3A_43 : vector<8x4096xi32>
    %broadcast_in_dim3A_45 = arith.constant 0 : i32
    %broadcast_in_dim3A_46 = vector.broadcast %broadcast_in_dim3A_45 : i32 to vector<8x32xi32>
    %slice3A_47 = vector.extract_strided_slice %add3A_44 {offsets = [0, 0], sizes = [8, 4064], strides = [1, 1]} : vector<8x4096xi32> to vector<8x4064xi32>
    %concatenate3A_48 = tpu.concatenate %broadcast_in_dim3A_46, %slice3A_47 in 1 : vector<8x32xi32>, vector<8x4064xi32> -> vector<8x4096xi32>
    %add3A_49 = arith.addi %add3A_44, %concatenate3A_48 : vector<8x4096xi32>
    %broadcast_in_dim3A_50 = arith.constant 0 : i32
    %broadcast_in_dim3A_51 = vector.broadcast %broadcast_in_dim3A_50 : i32 to vector<8x64xi32>
    %slice3A_52 = vector.extract_strided_slice %add3A_49 {offsets = [0, 0], sizes = [8, 4032], strides = [1, 1]} : vector<8x4096xi32> to vector<8x4032xi32>
    %concatenate3A_53 = tpu.concatenate %broadcast_in_dim3A_51, %slice3A_52 in 1 : vector<8x64xi32>, vector<8x4032xi32> -> vector<8x4096xi32>
    %add3A_54 = arith.addi %add3A_49, %concatenate3A_53 : vector<8x4096xi32>
    %broadcast_in_dim3A_55 = arith.constant 0 : i32
    %broadcast_in_dim3A_56 = vector.broadcast %broadcast_in_dim3A_55 : i32 to vector<8x128xi32>
    %slice3A_57 = vector.extract_strided_slice %add3A_54 {offsets = [0, 0], sizes = [8, 3968], strides = [1, 1]} : vector<8x4096xi32> to vector<8x3968xi32>
    %concatenate3A_58 = tpu.concatenate %broadcast_in_dim3A_56, %slice3A_57 in 1 : vector<8x128xi32>, vector<8x3968xi32> -> vector<8x4096xi32>
    %add3A_59 = arith.addi %add3A_54, %concatenate3A_58 : vector<8x4096xi32>
    %broadcast_in_dim3A_60 = arith.constant 0 : i32
    %broadcast_in_dim3A_61 = vector.broadcast %broadcast_in_dim3A_60 : i32 to vector<8x256xi32>
    %slice3A_62 = vector.extract_strided_slice %add3A_59 {offsets = [0, 0], sizes = [8, 3840], strides = [1, 1]} : vector<8x4096xi32> to vector<8x3840xi32>
    %concatenate3A_63 = tpu.concatenate %broadcast_in_dim3A_61, %slice3A_62 in 1 : vector<8x256xi32>, vector<8x3840xi32> -> vector<8x4096xi32>
    %add3A_64 = arith.addi %add3A_59, %concatenate3A_63 : vector<8x4096xi32>
    %broadcast_in_dim3A_65 = arith.constant 0 : i32
    %broadcast_in_dim3A_66 = vector.broadcast %broadcast_in_dim3A_65 : i32 to vector<8x512xi32>
    %slice3A_67 = vector.extract_strided_slice %add3A_64 {offsets = [0, 0], sizes = [8, 3584], strides = [1, 1]} : vector<8x4096xi32> to vector<8x3584xi32>
    %concatenate3A_68 = tpu.concatenate %broadcast_in_dim3A_66, %slice3A_67 in 1 : vector<8x512xi32>, vector<8x3584xi32> -> vector<8x4096xi32>
    %add3A_69 = arith.addi %add3A_64, %concatenate3A_68 : vector<8x4096xi32>
    %broadcast_in_dim3A_70 = arith.constant 0 : i32
    %broadcast_in_dim3A_71 = vector.broadcast %broadcast_in_dim3A_70 : i32 to vector<8x1024xi32>
    %slice3A_72 = vector.extract_strided_slice %add3A_69 {offsets = [0, 0], sizes = [8, 3072], strides = [1, 1]} : vector<8x4096xi32> to vector<8x3072xi32>
    %concatenate3A_73 = tpu.concatenate %broadcast_in_dim3A_71, %slice3A_72 in 1 : vector<8x1024xi32>, vector<8x3072xi32> -> vector<8x4096xi32>
    %add3A_74 = arith.addi %add3A_69, %concatenate3A_73 : vector<8x4096xi32>
    %broadcast_in_dim3A_75 = arith.constant 0 : i32
    %broadcast_in_dim3A_76 = vector.broadcast %broadcast_in_dim3A_75 : i32 to vector<8x2048xi32>
    %slice3A_77 = vector.extract_strided_slice %add3A_74 {offsets = [0, 0], sizes = [8, 2048], strides = [1, 1]} : vector<8x4096xi32> to vector<8x2048xi32>
    %concatenate3A_78 = tpu.concatenate %broadcast_in_dim3A_76, %slice3A_77 in 1 : vector<8x2048xi32>, vector<8x2048xi32> -> vector<8x4096xi32>
    %add3A_79 = arith.addi %add3A_74, %concatenate3A_78 : vector<8x4096xi32>
    %le3A = vector.broadcast %sub3A_21 : vector<8x1xi32> to vector<8x4096xi32>
    %le3A_80 = arith.cmpi sle, %add3A_79, %le3A : vector<8x4096xi32>
    %and3A_81 = arith.andi %eq3A_17, %le3A_80 : vector<8x4096xi1>
    %or3A = arith.ori %gt3A_16, %and3A_81 : vector<8x4096xi1>
    %convert_element_type3A_82 = arith.extui %or3A : vector<8x4096xi1> to vector<8x4096xi32>
    %swap3A = arith.constant 0 : index
    %swap3A_83 = arith.constant 0 : index
    %swap3A_84 = vector.load %arg2[%swap3A, %swap3A_83] : memref<8x4096xi32, #tpu.memory_space<vmem>>, vector<8x4096xi32>
    tpu.vector_store %arg2[%swap3A, %swap3A_83], %convert_element_type3A_82 {strides = array<i32>} : memref<8x4096xi32, #tpu.memory_space<vmem>>, vector<8x4096xi32>,
    return
  }
  func.func @transform_0(%arg0: i32) -> (i32, i32) {
    %c0_i32 = arith.constant 0 : i32
    %c0_i32_0 = arith.constant 0 : i32
    return %arg0, %c0_i32 : i32, i32
  }
  func.func @transform_1(%arg0: i32) -> (i32, i32) {
    %c0_i32 = arith.constant 0 : i32
    %c0_i32_0 = arith.constant 0 : i32
    return %arg0, %c0_i32 : i32, i32
  }
}

module attributes {stable_mosaic.version = 14 : i64} {
  func.func @_split_body(%arg0: i32, %arg1: memref<4096x128xf32, #tpu.memory_space<vmem>>, %arg2: memref<4096x64xf32, #tpu.memory_space<vmem>>, %arg3: memref<4096x64xf32, #tpu.memory_space<vmem>>) attributes {dimension_semantics = [#tpu.dimension_semantics<arbitrary>], iteration_bounds = array<i64: 48>, scalar_prefetch = 0 : i64, scratch_operands = 0 : i64, tpu.core_type = #tpu.core_type<tc>, window_params = [{transform_indices = @transform_0, window_bounds = array<i64: 4096, 128>}, {transform_indices = @transform_1, window_bounds = array<i64: 4096, 64>}, {transform_indices = @transform_2, window_bounds = array<i64: 4096, 64>}]} {
    %get3A = arith.constant 0 : index
    %get3A_0 = arith.constant 0 : index
    %get3A_1 = vector.load %arg1[%get3A, %get3A_0] : memref<4096x128xf32, #tpu.memory_space<vmem>>, vector<4096x128xf32>
    %slice3A = vector.extract_strided_slice %get3A_1 {offsets = [0, 0], sizes = [4096, 64], strides = [1, 1]} : vector<4096x128xf32> to vector<4096x64xf32>
    %swap3A = arith.constant 0 : index
    %swap3A_2 = arith.constant 0 : index
    %swap3A_3 = vector.load %arg2[%swap3A, %swap3A_2] : memref<4096x64xf32, #tpu.memory_space<vmem>>, vector<4096x64xf32>
    tpu.vector_store %arg2[%swap3A, %swap3A_2], %slice3A {strides = array<i32>} : memref<4096x64xf32, #tpu.memory_space<vmem>>, vector<4096x64xf32>,
    %slice3A_4 = vector.extract_strided_slice %get3A_1 {offsets = [0, 64], sizes = [4096, 64], strides = [1, 1]} : vector<4096x128xf32> to vector<4096x64xf32>
    %swap3A_5 = arith.constant 0 : index
    %swap3A_6 = arith.constant 0 : index
    %swap3A_7 = vector.load %arg3[%swap3A_5, %swap3A_6] : memref<4096x64xf32, #tpu.memory_space<vmem>>, vector<4096x64xf32>
    tpu.vector_store %arg3[%swap3A_5, %swap3A_6], %slice3A_4 {strides = array<i32>} : memref<4096x64xf32, #tpu.memory_space<vmem>>, vector<4096x64xf32>,
    return
  }
  func.func @transform_0(%arg0: i32) -> (i32, i32) {
    %c0_i32 = arith.constant 0 : i32
    %c0_i32_0 = arith.constant 0 : i32
    return %arg0, %c0_i32 : i32, i32
  }
  func.func @transform_1(%arg0: i32) -> (i32, i32) {
    %c0_i32 = arith.constant 0 : i32
    %c0_i32_0 = arith.constant 0 : i32
    return %arg0, %c0_i32 : i32, i32
  }
  func.func @transform_2(%arg0: i32) -> (i32, i32) {
    %c0_i32 = arith.constant 0 : i32
    %c0_i32_0 = arith.constant 0 : i32
    return %arg0, %c0_i32 : i32, i32
  }
}

</mosaic_0001>

<sc_bundles>
// kernel: kernel.6.cloned.1.call-start
scs
__scs_entry_jumppad:
0x0: {  	(pc) =	sbr.rel $0x88, $3  }
0x1: {  	(tag) =	ssettag $0x0;
	lr =	simm.s32 $0x1  }
0x2: {  	[smem:$0x3F9B] =	sst lr;
	_ =	strace $0xD0000000  }
0x3: {  	_ = 	snop  }
0x4: {  	_ = 	snop  }
0x5: {  	_ = 	snop  }
0x6: {  	_ = 	snop  }
0x7: {  	_ = 	snop  }
__scs_overlays_trampoline_lowered:
0x8: {  	[smem:$0x3FAA] =	sst s0  }
0x9: {  	[smem:$0x3FAB] =	sst s1  }
0xa: {  	[smem:$0x3FAC] =	sst s2  }
0xb: {  	[smem:$0x3FAD] =	sst s3  }
0xc: {  	[smem:$0x3FAE] =	sst s4  }
0xd: {  	[smem:$0x3FAF] =	sst s5  }
0xe: {  	[smem:$0x3FB0] =	sst s6  }
0xf: {  	[smem:$0x3FB1] =	sst s7  }
0x10: {  	[smem:$0x3FB2] =	sst s8  }
0x11: {  	[smem:$0x3FB3] =	sst s9;
	s0 =	simm.s32 @!p0 $0x0  }
0x12: {  	s1 =	sld [smem:$0x3F99];
	s0 =	simm.s32 @p0 $0x1  }
0x13: {  	[smem:$0x3FB4] =	sst s0;
	s0 =	simm.s32 @!p1 $0x0  }
0x14: {  	s2 =	sld [smem:$0x3F98];
	s0 =	simm.s32 @p1 $0x1  }
0x15: {  	[smem:$0x3FB5] =	sst s0;
	s0 =	simm.s32 @!p2 $0x0  }
0x16: {  	s3 =	sld [smem:$0x3FDB];
	s0 =	simm.s32 @p2 $0x1  }
0x17: {  	s4 =	simm.s32 $0x1BF5;
	[smem:$0x3FB7] =	sst s0  }
0x18: {  	s0 =	sld [smem:$0x3F9A];
	_ =	swait.ge [sflag:s4], $0x0  }
0x19: {  	s7 =	sld [smem:$0x3F9B]  }
0x1a: {  	s8 =	sadd.s32 $0xFFFFE003, lr  }
0x1b: {  	s9 =	sadd.s32 $0xFFFFFEF7, lr;
	s5 =	simm.s32 $0xFFFFFFFF;
	p2 =	slt.u32 s8, $0xFFFFF086  }
0x1c: {  	p1 =	slt.u32 s9, $0xF7A;
	s5 =	simm.s32 @!p2 $0x0  }
0x1d: {  	s5 =	simm.s32 @p1 $0x1;
	p0 =	seq.s32 s7, s2  }
0x1e: {  	s7 =	smul.u32 @!p0 $0xF7A, s2;
	p2 =	seq.s32 @!p0 s5, $0x0  }
0x1f: {  	s9 =	smul.u32 $0xF7A, s1;
	s8 =	simm.s32 @!p0 $0x1BF5;
	p2 =	por !p2, p0  }
0x20: {  	[sflag:s8] =	ssyncset.s32 @!p0 $0xFFFFF086;
	s6 =	sadd.s32 @!p0 s3, s7;
	s7 =	simm.s32 @!p0 $0x108  }
0x21: {  	s3 =	sadd.s32 s3, s9;
	s6 =	sadd.s32 @!p0 $0x88, s6;
	s7 =	simm.s32 @p2 $0x1082  }
0x22: {  	[simem:s7], [sflag:s8] =	dma.local @!p0 [hbm:s6], $0xF7A  }
0x23: {  	s9 =	sor.u32 $0xD0000000, s2;
	s6 =	simm.s32 $0x108;
	_ =	swait.ge @!p0 [sflag:s8], $0x0  }
0x24: {  	s3 =	sadd.s32 $0x88, s3;
	s6 =	simm.s32 @!p1 $0x1082;
	[sflag:s4] =	ssyncset.s32 $0xFFFFF086  }
0x25: {  	[simem:s6], [sflag:s4] =	dma.local [hbm:s3], $0xF7A  }
0x26: {  	[smem:$0x3F9B] =	sst s1;
	(tag) =	ssettag s2;
	_ =	strace s9  }
0x27: {  	s1 =	sld [smem:$0x3FAB]  }
0x28: {  	s2 =	sld [smem:$0x3FAC]  }
0x29: {  	s4 =	sld [smem:$0x3FAE]  }
0x2a: {  	p0 =	seq.s32 s5, $0x0;
	s5 =	sld [smem:$0x3FAF]  }
0x2b: {  	s6 =	sld [smem:$0x3FB0]  }
0x2c: {  	s7 =	sld [smem:$0x3FB1]  }
0x2d: {  	s3 =	simm.s32 $0x108;
	s8 =	sld [smem:$0x3FB2]  }
0x2e: {  	s3 =	simm.s32 @!p0 $0x1082;
	s9 =	sld [smem:$0x3FB3]  }
0x2f: {  	lr =	sadd.s32 s0, s3;
	s0 =	sld [smem:$0x3FAA]  }
0x30: {  	s3 =	sld [smem:$0x3FAD]  }
0x31: {  	[smem:$0x3FB6] =	sst s10  }
0x32: {  	s10 =	sld [smem:$0x3FB4];
	_ =	sdelay $0x3  }
0x33: {  	p0 =	seq.s32 s10, $0x1;
	s10 =	sld [smem:$0x3FB6];
	_ =	sdelay $0x3  }
0x34: {  	[smem:$0x3FB6] =	sst s10  }
0x35: {  	s10 =	sld [smem:$0x3FB5];
	_ =	sdelay $0x3  }
0x36: {  	p1 =	seq.s32 s10, $0x1;
	s10 =	sld [smem:$0x3FB6];
	_ =	sdelay $0x3  }
0x37: {  	[smem:$0x3FB6] =	sst s10  }
0x38: {  	s10 =	sld [smem:$0x3FB7]  }
0x39: {  	_ = 	snop;
	(pc) =	sbr.ind lr, $3  }
0x3a: {  	_ = 	snop  }
0x3b: {  	_ = 	snop  }
0x3c: {  	p2 =	seq.s32 s10, $0x1;
	s10 =	sld [smem:$0x3FB6]  }
0x3d: {  	_ =	shalt  }
0x3e: {  	_ =	shalt  }
0x3f: {  	_ =	shalt  }
0x40: {  	_ =	shalt  }
0x41: {  	_ =	shalt  }
0x42: {  	_ =	shalt  }
0x43: {  	_ =	shalt  }
0x44: {  	_ =	shalt  }
0x45: {  	_ =	shalt  }
0x46: {  	_ =	shalt  }
0x47: {  	_ =	shalt  }
0x48: {  	_ =	shalt  }
0x49: {  	_ =	shalt  }
0x4a: {  	_ =	shalt  }
0x4b: {  	_ =	shalt  }
0x4c: {  	_ =	shalt  }
0x4d: {  	_ =	shalt  }
0x4e: {  	_ =	shalt  }
0x4f: {  	_ =	shalt  }
0x50: {  	_ =	shalt  }
0x51: {  	_ =	shalt  }
0x52: {  	_ =	shalt  }
0x53: {  	_ =	shalt  }
0x54: {  	_ =	shalt  }
0x55: {  	_ =	shalt  }
0x56: {  	_ =	shalt  }
0x57: {  	_ =	shalt  }
0x58: {  	_ =	shalt  }
0x59: {  	_ =	shalt  }
0x5a: {  	_ =	shalt  }
0x5b: {  	_ =	shalt  }
0x5c: {  	_ =	shalt  }
0x5d: {  	_ =	shalt  }
0x5e: {  	_ =	shalt  }
0x5f: {  	_ =	shalt  }
0x60: {  	_ =	shalt  }
0x61: {  	_ =	shalt  }
0x62: {  	_ =	shalt  }
0x63: {  	_ =	shalt  }
0x64: {  	_ =	shalt  }
0x65: {  	_ =	shalt  }
0x66: {  	_ =	shalt  }
0x67: {  	_ =	shalt  }
0x68: {  	_ =	shalt  }
0x69: {  	_ =	shalt  }
0x6a: {  	_ =	shalt  }
0x6b: {  	_ =	shalt  }
0x6c: {  	_ =	shalt  }
0x6d: {  	_ =	shalt  }
0x6e: {  	_ =	shalt  }
0x6f: {  	_ =	shalt  }
0x70: {  	_ =	shalt  }
0x71: {  	_ =	shalt  }
0x72: {  	_ =	shalt  }
0x73: {  	_ =	shalt  }
0x74: {  	_ =	shalt  }
0x75: {  	_ =	shalt  }
0x76: {  	_ =	shalt  }
0x77: {  	_ =	shalt  }
0x78: {  	_ =	shalt  }
0x79: {  	_ =	shalt  }
0x7a: {  	_ =	shalt  }
0x7b: {  	_ =	shalt  }
0x7c: {  	_ =	shalt  }
0x7d: {  	_ =	shalt  }
0x7e: {  	_ =	shalt  }
0x7f: {  	_ =	shalt  }
0x80: {  	_ =	shalt  }
0x81: {  	_ =	shalt  }
0x82: {  	_ =	shalt  }
0x83: {  	_ =	shalt  }
0x84: {  	_ =	shalt  }
0x85: {  	_ =	shalt  }
0x86: {  	_ =	shalt  }
0x87: {  	_ =	shalt  }
.Lfunc_end0:
.L_simem_size_0:
called_computation.2_lowered:
.L_overlay_start_0:
0x88: {  	s2 =	sld [smem:$0x3FD9]  }
0x89: {  	s3 =	sld [smem:$0x3FFE];
	_ =	sdelay $0x1  }
0x8a: {  	s1 =	srdreg.scid  }
0x8b: {  	s0 =	sand.u32 $0x1, s1  }
0x8c: {  	s14 =	sshll.u32 s0, $0xA;
	s2 =	sadd.s32 s3, s2  }
0x8d: {  	s2 =	sadd.s32 s2, s14  }
0x8e: {  	[smem:$0x3FC2] =	sst s2  }
0x8f: {  	_ = 	snop  }
0x90: {  	s2 =	sld [smem:$0x3FD0];
	_ =	sdelay $0x2  }
0x91: {  	s15 =	simm.s32 $0xB;
	s4 =	simm.s32 $0x10  }
0x92: {  	[smem:s4], [sflag:s15] =	dma.local [hbm:s2], $0x1  }
0x93: {  	_ =	swait.eq [sflag:s15], $0x1  }
0x94: {  	[sflag:s15] =	ssyncset.done $0x0  }
0x95: {  	[sflag:s15] =	ssyncadd.s32 $0xFFFFFFFF  }
0x96: {  	s16 =	sld [smem:$0x11];
	(tm) =	ssettm $0x1  }
0x97: {  	s17 =	sld [smem:$0x3FFB];
	_ =	sdelay $0x3  }
0x98: {  	_ =	strace s17  }
0x99: {  	s3 =	sld [smem:$0x3FFC];
	_ =	sdelay $0x3  }
0x9a: {  	_ =	strace s3  }
0x9b: {  	s3 =	sld [smem:$0x3FFD];
	_ =	sdelay $0x3  }
0x9c: {  	_ =	strace s3  }
0x9d: {  	_ =	strace $0x8FFFFFFF  }
0x9e: {  	s18 =	sld [smem:$0x3FDB];
	_ =	sdelay $0x1  }
0x9f: {  	s19 =	simm.s32 $_scs_section_size  }
0xa0: {  	s5 =	simm.s32 $_size__tile_overlayer_lowered;
	s6 =	simm.s32 $_tile_overlayer_lowered  }
0xa1: {  	s22 =	simm.s32 $0x1BFF;
	s21 =	sshll.u32 s6, $0x1;
	s3 =	sadd.s32 s19, s18  }
0xa2: {  	s7 =	simm.s32 $0x0;
	s20 =	sshll.u32 s5, $0x1;
	s5 =	sadd.s32 s21, s3  }
0xa3: {  	[timem:s7], [sflag:s22] =	dma.local [hbm:s5], s20  }
0xa4: {  	_ =	swait.ge [sflag:s22], s20  }
0xa5: {  	s4 =	ssub.s32 $0x0, s20;
	[sflag:s22] =	ssyncset.done $0x0  }
0xa6: {  	[sflag:s22] =	ssyncadd.s32 s4;
	_ =	sdelay $0x1  }
0xa7: {  	s23 =	simm.s32 $0x1B8B  }
0xa8: {  	_ =	swait.ge [sflag:s23], $0x1  }
0xa9: {  	[sflag:s23] =	ssyncset.done $0x0  }
0xaa: {  	s25 =	simm.s32 $0x1B8E;
	s24 =	sld [smem:$0x3FFE];
	[sflag:s23] =	ssyncadd.s32 $0xFFFFFFFF  }
0xab: {  	s26 =	simm.s32 $execute0_lowered;
	[smem:$0x3FD2] =	sst s25  }
0xac: {  	s5 =	sshll.u32 s26, $0x1;
	_ =	strace $0x80000046;
	[dreg:$0x1] =	wrdreg $0xFFFFFFFF  }
0xad: {  	s28 =	simm.s32 $_size_execute0_lowered;
	s3 =	sadd.s32 s3, s5;
	[dreg:$0x0] =	wrdreg $0x0  }
0xae: {  	s5 =	sshll.u32 s28, $0x1;
	[dreg:$0x2] =	wrdreg s3  }
0xaf: {  	[dreg:$0x3] =	wrdreg s5  }
0xb0: {  	[dreg:$0x4] =	wrdreg $0xC0  }
0xb1: {  	_ =	task [dreg:s7], $0x5FFFF  }
0xb2: {  	[dreg:$0x1] =	wrdreg $0xFFFFFFFF  }
0xb3: {  	[dreg:$0x0] =	wrdreg $0x60  }
0xb4: {  	[dreg:$0x2] =	wrdreg s16  }
0xb5: {  	[dreg:$0x3] =	wrdreg s24  }
0xb6: {  	[dreg:$0x4] =	wrdreg $0x9  }
0xb7: {  	_ =	task.clear_ibuf [dreg:s7], $0x5FFFF;
	_ =	strace $0x90000046  }
0xb8: {  	s29 =	simm.s32 $0x9;
	_ =	strace $0x80000048  }
0xb9: {  	_ =	swait.ge [sflag:s29], $0x1  }
0xba: {  	[sflag:s29] =	ssyncadd.s32 $0xFFFFFFFF  }
0xbb: {  	_ =	strace $0x90000048  }
0xbc: {  	_ =	sfence  }
0xbd: {  	s30 =	sld [smem:$0x0];
	_ =	sdelay $0x2  }
0xbe: {  	s31 =	sshll.u32 s1, $0xD;
	s1 =	sshrl.u32 s1, $0x2  }
0xbf: {  	s3 =	sand.u32 $0x4000, s31;
	s1 =	sadd.s32 s1, s30  }
0xc0: {  	s0 =	sor.u32 s3, s0;
	s1 =	sshll.u32 s1, $0x11  }
0xc1: {  	s0 =	sor.u32 s1, s0  }
0xc2: {  	s0 =	sadd.s32 $0x8F2B, s0  }
0xc3: {  	[sflag:s0] =	ssyncadd.remote.s32 $0x1  }
0xc4: {  	_ =	sfence.sel $0xFFFF  }
0xc5: {  	[dreg:$0x0] =	wrdreg $0xFFFFFFFF;
	(pc) =	sbr.abs _section_cstart, $3  }
0xc6: {  	[dreg:$0x1] =	wrdreg $0xFFFFFFFF  }
0xc7: {  	_ =	task.clear_ibuf [dreg:s7], $0x2FFFF;
	_ =	strace $0x9FFFFFFF  }
0xc8: {  	(tm) =	ssettm $0x7FFFFFFF  }
0xc9: {  	_ =	shalt  }
tec
execute0_lowered:
.L_overlay_start_1:
0x0: {  	(tag) =	ssettag $0x1  }
0x1: {  	s0 =	srdreg.scid  }
0x2: {  	s23 =	stileid.u32;
	s5 =	rddreg [dreg:$0x0];
	s1 =	simm.s32 $0x0  }
0x3: {  	s2 =	sand.u32 $0x1, s0;
	s19 =	sshll.u32 s23, $0x1;
	s0 =	rddreg [dreg:$0x1]  }
0x4: {  	[smem:$0x7FF] =	sst s1;
	s6 =	sor.u32 s2, s19  }
0x5: {  	s4 =	sadd.s32 $0x1800, s0;
	s7 =	ssub.s32 $0x2, s2;
	s3 =	smul.u32 $0x3000, s6  }
0x6: {  	s12 =	sadd.s32 $0x4000, s0;
	s14 =	sadd.s32 $0x4800, s0;
	s10 =	smul.u32 $0x18000, s6  }
0x7: {  	s18 =	sadd.s32 $0x7000, s0;
	s8 =	sshrl.u32 s7, $0x1;
	s6 =	smul.u32 $0x3, s6  }
0x8: {  	s9 =	sshrl.u32 s3, $0x3;
	s3 =	ssub.s32 s7, s8;
	s21 =	sadd.s32 s4, s10  }
0x9: {  	s7 =	sadd.s32 $0x2000, s0;
	s25 =	sadd.s32 s10, s12;
	[dreg:$0x4] =	wrdreg s21  }
0xa: {  	s8 =	sadd.s32 $0x2800, s0;
	s16 =	sadd.s32 s10, s14;
	[dreg:$0x9] =	wrdreg s25  }
0xb: {  	s26 =	sadd.s32 $0x1, s6;
	s20 =	sadd.s32 s5, s9;
	[dreg:$0xa] =	wrdreg s16  }
0xc: {  	s6 =	sadd.s32 $0x2, s6;
	s22 =	sadd.s32 s10, s7;
	[dreg:$0x3] =	wrdreg s20  }
0xd: {  	s24 =	sadd.s32 s10, s8;
	s9 =	sadd.s32 $0x3000, s0;
	[dreg:$0x5] =	wrdreg s22  }
0xe: {  	s15 =	sshll.u32 s26, $0x9;
	[dreg:$0x6] =	wrdreg s24;
	s11 =	sadd.s32 s10, s9  }
0xf: {  	s19 =	sshll.u32 s6, $0x9;
	s15 =	sadd.s32 s5, s15;
	[dreg:$0x7] =	wrdreg s11  }
0x10: {  	s16 =	sadd.s32 $0x6000, s0;
	s5 =	sadd.s32 s5, s19;
	[dreg:$0xb] =	wrdreg s15  }
0x11: {  	s17 =	sadd.s32 s10, s16;
	s22 =	sadd.s32 s10, s18;
	[dreg:$0xc] =	wrdreg s5  }
0x12: {  	s11 =	sadd.s32 $0x3800, s0;
	[dreg:$0xf] =	wrdreg s17;
	s17 =	sadd.s32 $0x6800, s0  }
0x13: {  	s5 =	sadd.s32 $0x5000, s0;
	[dreg:$0x11] =	wrdreg s22;
	s19 =	sadd.s32 s10, s17  }
0x14: {  	s20 =	sadd.s32 s10, s5;
	[dreg:$0x10] =	wrdreg s19;
	s19 =	sadd.s32 $0x7800, s0  }
0x15: {  	s15 =	sadd.s32 $0x5800, s0;
	[dreg:$0xd] =	wrdreg s20;
	s20 =	sadd.s32 s10, s19  }
0x16: {  	s21 =	sadd.s32 s10, s15;
	[dreg:$0x12] =	wrdreg s20;
	s20 =	sadd.s32 $0x8000, s0  }
0x17: {  	s13 =	sadd.s32 s10, s11;
	[dreg:$0xe] =	wrdreg s21;
	s22 =	sadd.s32 s10, s20  }
0x18: {  	s21 =	sadd.s32 $0x8800, s0;
	[dreg:$0x13] =	wrdreg s22;
	s22 =	sadd.s32 $0x9000, s0  }
0x19: {  	[dreg:$0x8] =	wrdreg s13;
	s24 =	sadd.s32 s10, s21;
	s10 =	sadd.s32 s10, s22  }
0x1a: {  	[dreg:$0x15] =	wrdreg s10;
	s10 =	sshll.u32 s26, $0xF  }
0x1b: {  	[dreg:$0x14] =	wrdreg s24;
	s13 =	sadd.s32 s4, s10  }
0x1c: {  	s25 =	sadd.s32 s10, s7;
	[dreg:$0x16] =	wrdreg s13  }
0x1d: {  	s26 =	sadd.s32 s10, s8;
	[dreg:$0x17] =	wrdreg s25  }
0x1e: {  	s6 =	sshll.u32 s6, $0xF;
	s24 =	sadd.s32 s10, s9;
	[dreg:$0x18] =	wrdreg s26  }
0x1f: {  	s4 =	sadd.s32 s4, s6;
	[dreg:$0x19] =	wrdreg s24  }
0x20: {  	s7 =	sadd.s32 s6, s7;
	[smem:$0x7ED] =	sst s4  }
0x21: {  	s8 =	sadd.s32 s6, s8;
	[smem:$0x7EE] =	sst s7  }
0x22: {  	s9 =	sadd.s32 s6, s9;
	[smem:$0x7EF] =	sst s8  }
0x23: {  	s25 =	sadd.s32 s10, s11;
	[smem:$0x7F0] =	sst s9  }
0x24: {  	s26 =	sadd.s32 s10, s12;
	[dreg:$0x1a] =	wrdreg s25  }
0x25: {  	s24 =	sadd.s32 s10, s14;
	[dreg:$0x1b] =	wrdreg s26  }
0x26: {  	s13 =	sadd.s32 s6, s5;
	[dreg:$0x1c] =	wrdreg s24  }
0x27: {  	s25 =	sadd.s32 s10, s5;
	[smem:$0x7F4] =	sst s13  }
0x28: {  	s26 =	sadd.s32 s10, s15;
	[dreg:$0x1d] =	wrdreg s25  }
0x29: {  	s24 =	sadd.s32 s10, s16;
	[dreg:$0x1e] =	wrdreg s26  }
0x2a: {  	s29 =	simm.s32 $0x9;
	[dreg:$0x1f] =	wrdreg s24;
	s25 =	sadd.s32 s10, s17  }
0x2b: {  	s30 =	simm.s32 $0x1000;
	s26 =	sadd.s32 s10, s18;
	[smem:$0x7E7] =	sst s25  }
0x2c: {  	s31 =	simm.s32 $0x80;
	s24 =	sadd.s32 s10, s19;
	[smem:$0x7E8] =	sst s26  }
0x2d: {  	s2 =	smul.u32 $0x3000, s2;
	s19 =	sadd.s32 s6, s19;
	[smem:$0x7E9] =	sst s24  }
0x2e: {  	s7 =	simm.s32 $0xD880;
	s25 =	sadd.s32 s10, s20;
	[smem:$0x7F9] =	sst s19  }
0x2f: {  	s8 =	simm.s32 $0x1;
	s26 =	sadd.s32 s10, s21;
	[smem:$0x7EA] =	sst s25  }
0x30: {  	s9 =	simm.s32 $0x5;
	s10 =	sadd.s32 s10, s22;
	[smem:$0x7EB] =	sst s26  }
0x31: {  	s4 =	simm.s32 $0x1680;
	s24 =	sadd.s32 s6, s21;
	[smem:$0x7EC] =	sst s10  }
0x32: {  	s5 =	simm.s32 $0x9880;
	s10 =	sadd.s32 s6, s11;
	[smem:$0x7FB] =	sst s24  }
0x33: {  	s13 =	simm.s32 $0x0;
	s11 =	sadd.s32 s6, s12;
	[smem:$0x7F1] =	sst s10  }
0x34: {  	s12 =	sadd.s32 s6, s14;
	s14 =	sadd.s32 s6, s15;
	[smem:$0x7F2] =	sst s11  }
0x35: {  	s15 =	sadd.s32 s6, s16;
	s16 =	sadd.s32 s6, s17;
	[smem:$0x7F3] =	sst s12  }
0x36: {  	s17 =	sadd.s32 s6, s18;
	s18 =	smul.u32 $0x6000, s23;
	[smem:$0x7F5] =	sst s14  }
0x37: {  	s23 =	sadd.s32 s6, s20;
	s25 =	sadd.s32 s6, s22;
	[smem:$0x7F6] =	sst s15  }
0x38: {  	s24 =	sadd.s32 $0xC01A00, s0;
	s26 =	smax.u32 s3, $0x1;
	[smem:$0x7F7] =	sst s16  }
0x39: {  	s0 =	simm.s32 $0x1880;
	s3 =	simm.s32 $0x5880;
	[smem:$0x7F8] =	sst s17  }
0x3a: {  	s22 =	simm.s32 $0x1500;
	s6 =	simm.s32 $0x1700;
	[smem:$0x7FA] =	sst s23  }
0x3b: {  	[smem:$0x7FC] =	sst s25;
	s11 =	simm.s32 $0x2;
	s12 =	simm.s32 $0x6  }
0x3c: {  	s14 =	simm.s32 $0x3;
	s15 =	simm.s32 $0x7;
	s17 =	simm.s32 $0x4  }
0x3d: {  	s25 =	simm.s32 $0x1580;
	s10 =	simm.s32 $0x1780;
	s23 =	sadd.s32 s2, s18  }
0x3e: {  	v0 =	vlaneseq.u32;
	_ =	strace $0x80000047;
	[smem:$0x7FD] =	sst s26;
	s18 =	simm.s32 $0x8  }
0x3f: {  	v1 =	vor.u32 $0x800, v0;
	s2 =	simm.s32 $0x1600;
	s19 =	sadd.s32 $0x1000, s23;
	s28 =	sadd.s32 $0x2000, s23  }
.LBB2_1:
0x40: {  	s16 =	rddreg [dreg:$0x3]  }
0x41: {  	[tilespmem:s1], [sflag:$0x9] =	stream.linear.gather [hbm4b:s16+s1], $0x1000, $0x38;
	[tilespmem:$0x11880] =	vst v63  }
0x42: {  	_ =	swait.ge [sflag:s29], $0x1000  }
0x43: {  	[sflag:s29] =	ssyncset.done $0x0  }
0x44: {  	s26 =	simm.s32 $0x0;
	[sflag:s29] =	ssyncadd.s32 $0xFFFFF000  }
0x45: {  	v2 =	vld [tilespmem:s26+$0x0];
	_ =	sdelay $0x4  }
0x46: {  	(xrf0) =	vadd.scan.msk.s32 $0xffff, v2;
	_ =	sdelay $0x5  }
0x47: {  	v4, _, _ =	vpop (xrf0)  }
0x48: {  	v5 =	vxor.u32 $0x80000000, v4  }
0x49: {  	v3 =	vmov s1;
	(xrf0) =	vmax.scan.msk.u32 $0xffff, v5  }
0x4a: {  	v3 =	vadd.s32 $0xFFFFFFFF, v3  }
0x4b: {  	v3 =	vbroadcast v3, $0x0;
	_ =	sdelay $0x2  }
0x4c: {  	vm0 =	vgt.s32 v2, $0x0;
	v2 =	vadd.s32 v4, v3  }
0x4d: {  	v2 =	vsel vm0, v2, v1;
	v3, _, _ =	vpop (xrf0)  }
0x4e: {  	(v2sf) =	vpush v3, $0xF;
	_ =	sdelay $0x2  }
0x4f: {  	v63 =	vor.u32 s23, v0;
	s21 =	simm.s32 $0x10  }
0x50: {  	s20 =	simm.s32 $0x80;
	s16 =	smov.u32 s23;
	s26 =	simm.s32 $0x0;
	[tilespmem:v2+s30+$0x0] =	vst.idx.msk $0xffff, v63  }
.LBB2_2:
0x51: {  	p0 =	sne.s32 s20, $0x3FC0;
	v2 =	vld [tilespmem:s21+$0x0];
	_ =	sdelay $0x4  }
0x52: {  	vm0 =	vgt.s32 v2, $0x0;
	(xrf0) =	vadd.scan.msk.s32 $0xffff, v2;
	_ =	sdelay $0x4  }
0x53: {  	s21 =	spop (v2sf)  }
0x54: {  	v2, _, _ =	vpop (xrf0);
	s21 =	sadd.s32 s21, s26  }
0x55: {  	v3 =	vxor.u32 $0x80000000, v2;
	s26 =	sadd.s32 $0x80000000, s21  }
0x56: {  	v4 =	vmov s26;
	(xrf0) =	vmax.scan.msk.u32 $0xffff, v3  }
0x57: {  	v3 =	vadd.s32 $0xFFFFFFFF, v4  }
0x58: {  	v3 =	vbroadcast v3, $0x0;
	_ =	sdelay $0x1  }
0x59: {  	v2 =	vadd.s32 v2, v3  }
0x5a: {  	v2 =	vsel vm0, v2, v1  }
0x5b: {  	v3, _, _ =	vpop (xrf0)  }
.Ltmp0:
0x5c: {  	(v2sf) =	vpush v3, $0xF;
	(pc) =	sbr.rel @p0 .LBB2_2-.Ltmp0, $4  }
0x5d: {  	s16 =	sadd.s32 $0x10, s16  }
0x5e: {  	v3 =	vor.u32 s16, v0  }
0x5f: {  	[tilespmem:v2+s30+$0x0] =	vst.idx.msk $0xffff, v3  }
0x60: {  	s21 =	sshra.s32 s20, $0x2;
	s20 =	sadd.s32 $0x40, s20  }
0x61: {  	v2 =	vld [tilespmem:s21+$0x0];
	_ =	sdelay $0x4  }
0x62: {  	(xrf0) =	vadd.scan.msk.s32 $0xffff, v2;
	_ =	sdelay $0x5  }
0x63: {  	v3, _, _ =	vpop (xrf0)  }
0x64: {  	v4 =	vxor.u32 $0x80000000, v3  }
0x65: {  	(xrf0) =	vmax.scan.msk.u32 $0xffff, v4  }
0x66: {  	s20 =	spop (v2sf)  }
0x67: {  	s20 =	sadd.s32 s20, s26  }
0x68: {  	s20 =	sadd.s32 $0x80000000, s20  }
0x69: {  	v60 =	vmov s20  }
0x6a: {  	v4 =	vadd.s32 $0xFFFFFFFF, v60  }
0x6b: {  	v4 =	vbroadcast v4, $0x0;
	v5, _, _ =	vpop (xrf0)  }
0x6c: {  	(v2sf) =	vpush v5, $0xF  }
0x6d: {  	vm0 =	vgt.s32 v2, $0x0;
	v2 =	vadd.s32 v3, v4  }
0x6e: {  	v2 =	vsel vm0, v2, v1;
	_ =	sdelay $0x2  }
0x6f: {  	s16 =	sadd.s32 $0x10, s16  }
0x70: {  	v3 =	vor.u32 s16, v0  }
0x71: {  	[tilespmem:v2+s30+$0x0] =	vst.idx.msk $0xffff, v3  }
0x72: {  	[tilespmem:s0], [sflag:$0x1] =	stream.indirect.gather [hbm4b:s24+s31], $0x80, s30, s31, $0xb8;
	[tilespmem:$0x11880] =	vst v63  }
0x73: {  	s21 =	simm.s32 $0x1080  }
0x74: {  	[tilespmem:s3], [sflag:$0x2] =	stream.indirect.gather [hbm4b:s24+s31], $0x80, s21, s31, $0xb8;
	[tilespmem:$0x11880] =	vst v63  }
0x75: {  	s26 =	simm.s32 $0x1100  }
0x76: {  	[tilespmem:s5], [sflag:$0x3] =	stream.indirect.gather [hbm4b:s24+s31], $0x80, s26, s31, $0xb8;
	[tilespmem:$0x11880] =	vst v63  }
0x77: {  	s16 =	simm.s32 $0x1180  }
0x78: {  	[tilespmem:s7], [sflag:$0x4] =	stream.indirect.gather [hbm4b:s24+s31], $0x80, s16, s31, $0xb8;
	[tilespmem:$0x11880] =	vst v63  }
0x79: {  	s20 =	spop (v2sf)  }
0x7a: {  	_ =	swait.ge [sflag:s8], $0x4000  }
0x7b: {  	[sflag:s8] =	ssyncset.done $0x0  }
0x7c: {  	s16 =	simm.s32 $0x0;
	s21 =	rddreg [dreg:$0x4];
	[sflag:s8] =	ssyncadd.s32 $0xFFFFC000  }
0x7d: {  	[hbm4b:s21+s16] =	stream.linear.scatter [tilespmem:s0], [sflag:$0x5], $0x4000, $0x38;
	[tilespmem:$0x11880] =	vst v63  }
0x7e: {  	_ =	swait.ge [sflag:s9], $0x4000  }
0x7f: {  	[sflag:s9] =	ssyncset.done $0x0  }
0x80: {  	s26 =	simm.s32 $0x1200;
	[sflag:s9] =	ssyncadd.s32 $0xFFFFC000  }
0x81: {  	[tilespmem:s0], [sflag:$0x1] =	stream.indirect.gather [hbm4b:s24+s31], $0x80, s26, s31, $0xb8;
	[tilespmem:$0x11880] =	vst v63  }
0x82: {  	_ =	swait.ge [sflag:s11], $0x4000  }
0x83: {  	[sflag:s11] =	ssyncset.done $0x0  }
0x84: {  	s21 =	rddreg [dreg:$0x5];
	[sflag:s11] =	ssyncadd.s32 $0xFFFFC000  }
0x85: {  	[hbm4b:s21+s16] =	stream.linear.scatter [tilespmem:s3], [sflag:$0x6], $0x4000, $0x38;
	[tilespmem:$0x11880] =	vst v63  }
0x86: {  	_ =	swait.ge [sflag:s12], $0x4000  }
0x87: {  	[sflag:s12] =	ssyncset.done $0x0  }
0x88: {  	s26 =	simm.s32 $0x1280;
	[sflag:s12] =	ssyncadd.s32 $0xFFFFC000  }
0x89: {  	[tilespmem:s3], [sflag:$0x2] =	stream.indirect.gather [hbm4b:s24+s31], $0x80, s26, s31, $0xb8;
	[tilespmem:$0x11880] =	vst v63  }
0x8a: {  	_ =	swait.ge [sflag:s14], $0x4000  }
0x8b: {  	[sflag:s14] =	ssyncset.done $0x0  }
0x8c: {  	s21 =	rddreg [dreg:$0x6];
	[sflag:s14] =	ssyncadd.s32 $0xFFFFC000  }
0x8d: {  	[hbm4b:s21+s16] =	stream.linear.scatter [tilespmem:s5], [sflag:$0x7], $0x4000, $0x38;
	[tilespmem:$0x11880] =	vst v63  }
0x8e: {  	_ =	swait.ge [sflag:s15], $0x4000  }
0x8f: {  	[sflag:s15] =	ssyncset.done $0x0  }
0x90: {  	s26 =	simm.s32 $0x1300;
	[sflag:s15] =	ssyncadd.s32 $0xFFFFC000  }
0x91: {  	[tilespmem:s5], [sflag:$0x3] =	stream.indirect.gather [hbm4b:s24+s31], $0x80, s26, s31, $0xb8;
	[tilespmem:$0x11880] =	vst v63  }
0x92: {  	_ =	swait.ge [sflag:s17], $0x4000  }
0x93: {  	[sflag:s17] =	ssyncset.done $0x0  }
0x94: {  	s21 =	rddreg [dreg:$0x7];
	[sflag:s17] =	ssyncadd.s32 $0xFFFFC000  }
0x95: {  	[hbm4b:s21+s16] =	stream.linear.scatter [tilespmem:s7], [sflag:$0x8], $0x4000, $0x38;
	[tilespmem:$0x11880] =	vst v63  }
0x96: {  	_ =	swait.ge [sflag:s18], $0x4000  }
0x97: {  	[sflag:s18] =	ssyncset.done $0x0  }
0x98: {  	s26 =	simm.s32 $0x1380;
	[sflag:s18] =	ssyncadd.s32 $0xFFFFC000  }
0x99: {  	[tilespmem:s7], [sflag:$0x4] =	stream.indirect.gather [hbm4b:s24+s31], $0x80, s26, s31, $0xb8;
	[tilespmem:$0x11880] =	vst v63  }
0x9a: {  	_ =	swait.ge [sflag:s8], $0x4000  }
0x9b: {  	[sflag:s8] =	ssyncset.done $0x0  }
0x9c: {  	s21 =	rddreg [dreg:$0x8];
	[sflag:s8] =	ssyncadd.s32 $0xFFFFC000  }
0x9d: {  	[hbm4b:s21+s16] =	stream.linear.scatter [tilespmem:s0], [sflag:$0x5], $0x4000, $0x38;
	[tilespmem:$0x11880] =	vst v63  }
0x9e: {  	_ =	swait.ge [sflag:s9], $0x4000  }
0x9f: {  	[sflag:s9] =	ssyncset.done $0x0  }
0xa0: {  	s26 =	simm.s32 $0x1400;
	[sflag:s9] =	ssyncadd.s32 $0xFFFFC000  }
0xa1: {  	[tilespmem:s0], [sflag:$0x1] =	stream.indirect.gather [hbm4b:s24+s31], $0x80, s26, s31, $0xb8;
	[tilespmem:$0x11880] =	vst v63  }
0xa2: {  	_ =	swait.ge [sflag:s11], $0x4000  }
0xa3: {  	[sflag:s11] =	ssyncset.done $0x0  }
0xa4: {  	s21 =	rddreg [dreg:$0x9];
	[sflag:s11] =	ssyncadd.s32 $0xFFFFC000  }
0xa5: {  	[hbm4b:s21+s16] =	stream.linear.scatter [tilespmem:s3], [sflag:$0x6], $0x4000, $0x38;
	[tilespmem:$0x11880] =	vst v63  }
0xa6: {  	_ =	swait.ge [sflag:s12], $0x4000  }
0xa7: {  	[sflag:s12] =	ssyncset.done $0x0  }
0xa8: {  	s26 =	simm.s32 $0x1480;
	[sflag:s12] =	ssyncadd.s32 $0xFFFFC000  }
0xa9: {  	[tilespmem:s3], [sflag:$0x2] =	stream.indirect.gather [hbm4b:s24+s31], $0x80, s26, s31, $0xb8;
	[tilespmem:$0x11880] =	vst v63  }
0xaa: {  	_ =	swait.ge [sflag:s14], $0x4000  }
0xab: {  	[sflag:s14] =	ssyncset.done $0x0  }
0xac: {  	s21 =	rddreg [dreg:$0xa];
	[sflag:s14] =	ssyncadd.s32 $0xFFFFC000  }
0xad: {  	[hbm4b:s21+s16] =	stream.linear.scatter [tilespmem:s5], [sflag:$0x7], $0x4000, $0x38;
	[tilespmem:$0x11880] =	vst v63  }
0xae: {  	_ =	swait.ge [sflag:s15], $0x4000  }
0xaf: {  	[sflag:s15] =	ssyncset.done $0x0  }
0xb0: {  	[sflag:s15] =	ssyncadd.s32 $0xFFFFC000  }
0xb1: {  	[tilespmem:s5], [sflag:$0x3] =	stream.indirect.gather [hbm4b:s24+s31], $0x80, s22, s31, $0xb8;
	[tilespmem:$0x11880] =	vst v63  }
0xb2: {  	_ =	swait.ge [sflag:s17], $0x4000  }
0xb3: {  	[sflag:s17] =	ssyncset.done $0x0  }
0xb4: {  	s26 =	rddreg [dreg:$0xd];
	[sflag:s17] =	ssyncadd.s32 $0xFFFFC000  }
0xb5: {  	[hbm4b:s26+s16] =	stream.linear.scatter [tilespmem:s7], [sflag:$0x8], $0x4000, $0x38;
	[tilespmem:$0x11880] =	vst v63  }
0xb6: {  	_ =	swait.ge [sflag:s18], $0x4000  }
0xb7: {  	[sflag:s18] =	ssyncset.done $0x0  }
0xb8: {  	[sflag:s18] =	ssyncadd.s32 $0xFFFFC000  }
0xb9: {  	[tilespmem:s7], [sflag:$0x4] =	stream.indirect.gather [hbm4b:s24+s31], $0x80, s25, s31, $0xb8;
	[tilespmem:$0x11880] =	vst v63  }
0xba: {  	_ =	swait.ge [sflag:s8], $0x4000  }
0xbb: {  	[sflag:s8] =	ssyncset.done $0x0  }
0xbc: {  	s21 =	rddreg [dreg:$0xe];
	[sflag:s8] =	ssyncadd.s32 $0xFFFFC000  }
0xbd: {  	[hbm4b:s21+s16] =	stream.linear.scatter [tilespmem:s0], [sflag:$0x5], $0x4000, $0x38;
	[tilespmem:$0x11880] =	vst v63  }
0xbe: {  	_ =	swait.ge [sflag:s9], $0x4000  }
0xbf: {  	[sflag:s9] =	ssyncset.done $0x0  }
0xc0: {  	[sflag:s9] =	ssyncadd.s32 $0xFFFFC000  }
0xc1: {  	[tilespmem:s0], [sflag:$0x1] =	stream.indirect.gather [hbm4b:s24+s31], $0x80, s2, s31, $0xb8;
	[tilespmem:$0x11880] =	vst v63  }
0xc2: {  	_ =	swait.ge [sflag:s11], $0x4000  }
0xc3: {  	[sflag:s11] =	ssyncset.done $0x0  }
0xc4: {  	s26 =	rddreg [dreg:$0xf];
	[sflag:s11] =	ssyncadd.s32 $0xFFFFC000  }
0xc5: {  	[hbm4b:s26+s16] =	stream.linear.scatter [tilespmem:s3], [sflag:$0x6], $0x4000, $0x38;
	[tilespmem:$0x11880] =	vst v63  }
0xc6: {  	_ =	swait.ge [sflag:s12], $0x4000  }
0xc7: {  	[sflag:s12] =	ssyncset.done $0x0  }
0xc8: {  	[sflag:s12] =	ssyncadd.s32 $0xFFFFC000  }
0xc9: {  	[tilespmem:s3], [sflag:$0x2] =	stream.indirect.gather [hbm4b:s24+s31], $0x80, s4, s31, $0xb8;
	[tilespmem:$0x11880] =	vst v63  }
0xca: {  	_ =	swait.ge [sflag:s14], $0x4000  }
0xcb: {  	[sflag:s14] =	ssyncset.done $0x0  }
0xcc: {  	s21 =	rddreg [dreg:$0x10];
	[sflag:s14] =	ssyncadd.s32 $0xFFFFC000  }
0xcd: {  	[hbm4b:s21+s16] =	stream.linear.scatter [tilespmem:s5], [sflag:$0x7], $0x4000, $0x38;
	[tilespmem:$0x11880] =	vst v63  }
0xce: {  	_ =	swait.ge [sflag:s15], $0x4000  }
0xcf: {  	[sflag:s15] =	ssyncset.done $0x0  }
0xd0: {  	[sflag:s15] =	ssyncadd.s32 $0xFFFFC000  }
0xd1: {  	[tilespmem:s5], [sflag:$0x3] =	stream.indirect.gather [hbm4b:s24+s31], $0x80, s6, s31, $0xb8;
	[tilespmem:$0x11880] =	vst v63  }
0xd2: {  	_ =	swait.ge [sflag:s17], $0x4000  }
0xd3: {  	[sflag:s17] =	ssyncset.done $0x0  }
0xd4: {  	s26 =	rddreg [dreg:$0x11];
	[sflag:s17] =	ssyncadd.s32 $0xFFFFC000  }
0xd5: {  	[hbm4b:s26+s16] =	stream.linear.scatter [tilespmem:s7], [sflag:$0x8], $0x4000, $0x38;
	[tilespmem:$0x11880] =	vst v63  }
0xd6: {  	_ =	swait.ge [sflag:s18], $0x4000  }
0xd7: {  	[sflag:s18] =	ssyncset.done $0x0  }
0xd8: {  	[sflag:s18] =	ssyncadd.s32 $0xFFFFC000  }
0xd9: {  	[tilespmem:s7], [sflag:$0x4] =	stream.indirect.gather [hbm4b:s24+s31], $0x80, s10, s31, $0xb8;
	[tilespmem:$0x11880] =	vst v63  }
0xda: {  	_ =	swait.ge [sflag:s8], $0x4000  }
0xdb: {  	[sflag:s8] =	ssyncset.done $0x0  }
0xdc: {  	s21 =	rddreg [dreg:$0x12];
	[sflag:s8] =	ssyncadd.s32 $0xFFFFC000  }
0xdd: {  	[hbm4b:s21+s16] =	stream.linear.scatter [tilespmem:s0], [sflag:$0x5], $0x4000, $0x38;
	[tilespmem:$0x11880] =	vst v63  }
0xde: {  	_ =	swait.ge [sflag:s11], $0x4000  }
0xdf: {  	[sflag:s11] =	ssyncset.done $0x0  }
0xe0: {  	s26 =	rddreg [dreg:$0x13];
	[sflag:s11] =	ssyncadd.s32 $0xFFFFC000  }
0xe1: {  	[hbm4b:s26+s16] =	stream.linear.scatter [tilespmem:s3], [sflag:$0x6], $0x4000, $0x38;
	[tilespmem:$0x11880] =	vst v63  }
0xe2: {  	_ =	swait.ge [sflag:s14], $0x4000  }
0xe3: {  	[sflag:s14] =	ssyncset.done $0x0  }
0xe4: {  	s21 =	rddreg [dreg:$0x14];
	[sflag:s14] =	ssyncadd.s32 $0xFFFFC000  }
0xe5: {  	[hbm4b:s21+s16] =	stream.linear.scatter [tilespmem:s5], [sflag:$0x7], $0x4000, $0x38;
	[tilespmem:$0x11880] =	vst v63  }
0xe6: {  	_ =	swait.ge [sflag:s17], $0x4000  }
0xe7: {  	[sflag:s17] =	ssyncset.done $0x0  }
0xe8: {  	s26 =	rddreg [dreg:$0x15];
	[sflag:s17] =	ssyncadd.s32 $0xFFFFC000  }
0xe9: {  	[hbm4b:s26+s16] =	stream.linear.scatter [tilespmem:s7], [sflag:$0x8], $0x4000, $0x38;
	[tilespmem:$0x11880] =	vst v63  }
0xea: {  	_ =	swait.ge [sflag:s9], $0x4000  }
0xeb: {  	[sflag:s9] =	ssyncset.done $0x0  }
0xec: {  	[sflag:s9] =	ssyncadd.s32 $0xFFFFC000  }
0xed: {  	_ =	swait.ge [sflag:s12], $0x4000  }
0xee: {  	[sflag:s12] =	ssyncset.done $0x0  }
0xef: {  	[sflag:s12] =	ssyncadd.s32 $0xFFFFC000  }
0xf0: {  	_ =	swait.ge [sflag:s15], $0x4000  }
0xf1: {  	[sflag:s15] =	ssyncset.done $0x0  }
0xf2: {  	[sflag:s15] =	ssyncadd.s32 $0xFFFFC000  }
0xf3: {  	_ =	swait.ge [sflag:s18], $0x4000  }
0xf4: {  	[sflag:s18] =	ssyncset.done $0x0  }
0xf5: {  	s21 =	rddreg [dreg:$0xb];
	[sflag:s18] =	ssyncadd.s32 $0xFFFFC000  }
0xf6: {  	[tilespmem:s16], [sflag:$0x9] =	stream.linear.gather [hbm4b:s21+s16], $0x1000, $0x38;
	[tilespmem:$0x11880] =	vst v63  }
0xf7: {  	_ =	swait.ge [sflag:s29], $0x1000  }
0xf8: {  	[sflag:s29] =	ssyncset.done $0x0  }
0xf9: {  	s26 =	simm.s32 $0x0;
	[sflag:s29] =	ssyncadd.s32 $0xFFFFF000  }
0xfa: {  	v2 =	vld [tilespmem:s26+$0x0];
	_ =	sdelay $0x4  }
0xfb: {  	(xrf0) =	vadd.scan.msk.s32 $0xffff, v2;
	_ =	sdelay $0x5  }
0xfc: {  	v61, _, _ =	vpop (xrf0)  }
0xfd: {  	v62 =	vxor.u32 $0x80000000, v61  }
0xfe: {  	v3 =	vmov s16;
	(xrf0) =	vmax.scan.msk.u32 $0xffff, v62  }
0xff: {  	v3 =	vadd.s32 $0xFFFFFFFF, v3  }
0x100: {  	v3 =	vbroadcast v3, $0x0;
	_ =	sdelay $0x2  }
0x101: {  	vm15 =	vgt.s32 v2, $0x0;
	v2 =	vadd.s32 v61, v3  }
0x102: {  	v2 =	vsel vm15, v2, v1;
	v3, _, _ =	vpop (xrf0)  }
0x103: {  	(v2sf) =	vpush v3, $0xF;
	_ =	sdelay $0x2  }
0x104: {  	v63 =	vor.u32 s19, v0  }
0x105: {  	s20 =	simm.s32 $0x80;
	s21 =	simm.s32 $0x10;
	s26 =	smov.u32 s19;
	[tilespmem:v2+s30+$0x0] =	vst.idx.msk $0xffff, v63  }
.LBB2_4:
0x106: {  	p0 =	sne.s32 s20, $0x3FC0;
	v2 =	vld [tilespmem:s21+$0x0];
	_ =	sdelay $0x4  }
0x107: {  	vm0 =	vgt.s32 v2, $0x0;
	(xrf0) =	vadd.scan.msk.s32 $0xffff, v2;
	_ =	sdelay $0x4  }
0x108: {  	s21 =	spop (v2sf)  }
0x109: {  	v2, _, _ =	vpop (xrf0);
	s16 =	sadd.s32 s21, s16  }
0x10a: {  	v3 =	vxor.u32 $0x80000000, v2;
	s16 =	sadd.s32 $0x80000000, s16  }
0x10b: {  	v4 =	vmov s16;
	(xrf0) =	vmax.scan.msk.u32 $0xffff, v3  }
0x10c: {  	v3 =	vadd.s32 $0xFFFFFFFF, v4  }
0x10d: {  	v3 =	vbroadcast v3, $0x0;
	_ =	sdelay $0x1  }
0x10e: {  	v2 =	vadd.s32 v2, v3  }
0x10f: {  	v2 =	vsel vm0, v2, v1  }
0x110: {  	v3, _, _ =	vpop (xrf0)  }
.Ltmp1:
0x111: {  	(v2sf) =	vpush v3, $0xF;
	(pc) =	sbr.rel @p0 .LBB2_4-.Ltmp1, $4  }
0x112: {  	s26 =	sadd.s32 $0x10, s26  }
0x113: {  	v3 =	vor.u32 s26, v0  }
0x114: {  	[tilespmem:v2+s30+$0x0] =	vst.idx.msk $0xffff, v3  }
0x115: {  	s21 =	sshra.s32 s20, $0x2;
	s20 =	sadd.s32 $0x40, s20  }
0x116: {  	v2 =	vld [tilespmem:s21+$0x0];
	_ =	sdelay $0x4  }
0x117: {  	(xrf0) =	vadd.scan.msk.s32 $0xffff, v2;
	_ =	sdelay $0x5  }
0x118: {  	v3, _, _ =	vpop (xrf0)  }
0x119: {  	v4 =	vxor.u32 $0x80000000, v3  }
0x11a: {  	(xrf0) =	vmax.scan.msk.u32 $0xffff, v4  }
0x11b: {  	s20 =	spop (v2sf)  }
0x11c: {  	s16 =	sadd.s32 s20, s16  }
0x11d: {  	s16 =	sadd.s32 $0x80000000, s16  }
0x11e: {  	v60 =	vmov s16  }
0x11f: {  	v4 =	vadd.s32 $0xFFFFFFFF, v60  }
0x120: {  	v4 =	vbroadcast v4, $0x0;
	v5, _, _ =	vpop (xrf0)  }
0x121: {  	(v2sf) =	vpush v5, $0xF  }
0x122: {  	vm0 =	vgt.s32 v2, $0x0;
	v2 =	vadd.s32 v3, v4  }
0x123: {  	v2 =	vsel vm0, v2, v1;
	_ =	sdelay $0x2  }
0x124: {  	s20 =	sadd.s32 $0x10, s26  }
0x125: {  	v3 =	vor.u32 s20, v0  }
0x126: {  	[tilespmem:v2+s30+$0x0] =	vst.idx.msk $0xffff, v3  }
0x127: {  	[tilespmem:s0], [sflag:$0x1] =	stream.indirect.gather [hbm4b:s24+s31], $0x80, s30, s31, $0xb8;
	[tilespmem:$0x11880] =	vst v63  }
0x128: {  	s21 =	simm.s32 $0x1080  }
0x129: {  	[tilespmem:s3], [sflag:$0x2] =	stream.indirect.gather [hbm4b:s24+s31], $0x80, s21, s31, $0xb8;
	[tilespmem:$0x11880] =	vst v63  }
0x12a: {  	s26 =	simm.s32 $0x1100  }
0x12b: {  	[tilespmem:s5], [sflag:$0x3] =	stream.indirect.gather [hbm4b:s24+s31], $0x80, s26, s31, $0xb8;
	[tilespmem:$0x11880] =	vst v63  }
0x12c: {  	s16 =	simm.s32 $0x1180  }
0x12d: {  	[tilespmem:s7], [sflag:$0x4] =	stream.indirect.gather [hbm4b:s24+s31], $0x80, s16, s31, $0xb8;
	[tilespmem:$0x11880] =	vst v63  }
0x12e: {  	s20 =	spop (v2sf)  }
0x12f: {  	_ =	swait.ge [sflag:s8], $0x4000  }
0x130: {  	[sflag:s8] =	ssyncset.done $0x0  }
0x131: {  	s16 =	simm.s32 $0x0;
	s21 =	rddreg [dreg:$0x16];
	[sflag:s8] =	ssyncadd.s32 $0xFFFFC000  }
0x132: {  	[hbm4b:s21+s16] =	stream.linear.scatter [tilespmem:s0], [sflag:$0x5], $0x4000, $0x38;
	[tilespmem:$0x11880] =	vst v63  }
0x133: {  	_ =	swait.ge [sflag:s9], $0x4000  }
0x134: {  	[sflag:s9] =	ssyncset.done $0x0  }
0x135: {  	s26 =	simm.s32 $0x1200;
	[sflag:s9] =	ssyncadd.s32 $0xFFFFC000  }
0x136: {  	[tilespmem:s0], [sflag:$0x1] =	stream.indirect.gather [hbm4b:s24+s31], $0x80, s26, s31, $0xb8;
	[tilespmem:$0x11880] =	vst v63  }
0x137: {  	_ =	swait.ge [sflag:s11], $0x4000  }
0x138: {  	[sflag:s11] =	ssyncset.done $0x0  }
0x139: {  	s21 =	rddreg [dreg:$0x17];
	[sflag:s11] =	ssyncadd.s32 $0xFFFFC000  }
0x13a: {  	[hbm4b:s21+s16] =	stream.linear.scatter [tilespmem:s3], [sflag:$0x6], $0x4000, $0x38;
	[tilespmem:$0x11880] =	vst v63  }
0x13b: {  	_ =	swait.ge [sflag:s12], $0x4000  }
0x13c: {  	[sflag:s12] =	ssyncset.done $0x0  }
0x13d: {  	s26 =	simm.s32 $0x1280;
	[sflag:s12] =	ssyncadd.s32 $0xFFFFC000  }
0x13e: {  	[tilespmem:s3], [sflag:$0x2] =	stream.indirect.gather [hbm4b:s24+s31], $0x80, s26, s31, $0xb8;
	[tilespmem:$0x11880] =	vst v63  }
0x13f: {  	_ =	swait.ge [sflag:s14], $0x4000  }
0x140: {  	[sflag:s14] =	ssyncset.done $0x0  }
0x141: {  	s21 =	rddreg [dreg:$0x18];
	[sflag:s14] =	ssyncadd.s32 $0xFFFFC000  }
0x142: {  	[hbm4b:s21+s16] =	stream.linear.scatter [tilespmem:s5], [sflag:$0x7], $0x4000, $0x38;
	[tilespmem:$0x11880] =	vst v63  }
0x143: {  	_ =	swait.ge [sflag:s15], $0x4000  }
0x144: {  	[sflag:s15] =	ssyncset.done $0x0  }
0x145: {  	s26 =	simm.s32 $0x1300;
	[sflag:s15] =	ssyncadd.s32 $0xFFFFC000  }
0x146: {  	[tilespmem:s5], [sflag:$0x3] =	stream.indirect.gather [hbm4b:s24+s31], $0x80, s26, s31, $0xb8;
	[tilespmem:$0x11880] =	vst v63  }
0x147: {  	_ =	swait.ge [sflag:s17], $0x4000  }
0x148: {  	[sflag:s17] =	ssyncset.done $0x0  }
0x149: {  	s21 =	rddreg [dreg:$0x19];
	[sflag:s17] =	ssyncadd.s32 $0xFFFFC000  }
0x14a: {  	[hbm4b:s21+s16] =	stream.linear.scatter [tilespmem:s7], [sflag:$0x8], $0x4000, $0x38;
	[tilespmem:$0x11880] =	vst v63  }
0x14b: {  	_ =	swait.ge [sflag:s18], $0x4000  }
0x14c: {  	[sflag:s18] =	ssyncset.done $0x0  }
0x14d: {  	s26 =	simm.s32 $0x1380;
	[sflag:s18] =	ssyncadd.s32 $0xFFFFC000  }
0x14e: {  	[tilespmem:s7], [sflag:$0x4] =	stream.indirect.gather [hbm4b:s24+s31], $0x80, s26, s31, $0xb8;
	[tilespmem:$0x11880] =	vst v63  }
0x14f: {  	_ =	swait.ge [sflag:s8], $0x4000  }
0x150: {  	[sflag:s8] =	ssyncset.done $0x0  }
0x151: {  	s21 =	rddreg [dreg:$0x1a];
	[sflag:s8] =	ssyncadd.s32 $0xFFFFC000  }
0x152: {  	[hbm4b:s21+s16] =	stream.linear.scatter [tilespmem:s0], [sflag:$0x5], $0x4000, $0x38;
	[tilespmem:$0x11880] =	vst v63  }
0x153: {  	_ =	swait.ge [sflag:s9], $0x4000  }
0x154: {  	[sflag:s9] =	ssyncset.done $0x0  }
0x155: {  	s26 =	simm.s32 $0x1400;
	[sflag:s9] =	ssyncadd.s32 $0xFFFFC000  }
0x156: {  	[tilespmem:s0], [sflag:$0x1] =	stream.indirect.gather [hbm4b:s24+s31], $0x80, s26, s31, $0xb8;
	[tilespmem:$0x11880] =	vst v63  }
0x157: {  	_ =	swait.ge [sflag:s11], $0x4000  }
0x158: {  	[sflag:s11] =	ssyncset.done $0x0  }
0x159: {  	s21 =	rddreg [dreg:$0x1b];
	[sflag:s11] =	ssyncadd.s32 $0xFFFFC000  }
0x15a: {  	[hbm4b:s21+s16] =	stream.linear.scatter [tilespmem:s3], [sflag:$0x6], $0x4000, $0x38;
	[tilespmem:$0x11880] =	vst v63  }
0x15b: {  	_ =	swait.ge [sflag:s12], $0x4000  }
0x15c: {  	[sflag:s12] =	ssyncset.done $0x0  }
0x15d: {  	s26 =	simm.s32 $0x1480;
	[sflag:s12] =	ssyncadd.s32 $0xFFFFC000  }
0x15e: {  	[tilespmem:s3], [sflag:$0x2] =	stream.indirect.gather [hbm4b:s24+s31], $0x80, s26, s31, $0xb8;
	[tilespmem:$0x11880] =	vst v63  }
0x15f: {  	_ =	swait.ge [sflag:s14], $0x4000  }
0x160: {  	[sflag:s14] =	ssyncset.done $0x0  }
0x161: {  	s21 =	rddreg [dreg:$0x1c];
	[sflag:s14] =	ssyncadd.s32 $0xFFFFC000  }
0x162: {  	[hbm4b:s21+s16] =	stream.linear.scatter [tilespmem:s5], [sflag:$0x7], $0x4000, $0x38;
	[tilespmem:$0x11880] =	vst v63  }
0x163: {  	_ =	swait.ge [sflag:s15], $0x4000  }
0x164: {  	[sflag:s15] =	ssyncset.done $0x0  }
0x165: {  	[sflag:s15] =	ssyncadd.s32 $0xFFFFC000  }
0x166: {  	[tilespmem:s5], [sflag:$0x3] =	stream.indirect.gather [hbm4b:s24+s31], $0x80, s22, s31, $0xb8;
	[tilespmem:$0x11880] =	vst v63  }
0x167: {  	_ =	swait.ge [sflag:s17], $0x4000  }
0x168: {  	[sflag:s17] =	ssyncset.done $0x0  }
0x169: {  	s26 =	rddreg [dreg:$0x1d];
	[sflag:s17] =	ssyncadd.s32 $0xFFFFC000  }
0x16a: {  	[hbm4b:s26+s16] =	stream.linear.scatter [tilespmem:s7], [sflag:$0x8], $0x4000, $0x38;
	[tilespmem:$0x11880] =	vst v63  }
0x16b: {  	_ =	swait.ge [sflag:s18], $0x4000  }
0x16c: {  	[sflag:s18] =	ssyncset.done $0x0  }
0x16d: {  	[sflag:s18] =	ssyncadd.s32 $0xFFFFC000  }
0x16e: {  	[tilespmem:s7], [sflag:$0x4] =	stream.indirect.gather [hbm4b:s24+s31], $0x80, s25, s31, $0xb8;
	[tilespmem:$0x11880] =	vst v63  }
0x16f: {  	_ =	swait.ge [sflag:s8], $0x4000  }
0x170: {  	[sflag:s8] =	ssyncset.done $0x0  }
0x171: {  	s21 =	rddreg [dreg:$0x1e];
	[sflag:s8] =	ssyncadd.s32 $0xFFFFC000  }
0x172: {  	[hbm4b:s21+s16] =	stream.linear.scatter [tilespmem:s0], [sflag:$0x5], $0x4000, $0x38;
	[tilespmem:$0x11880] =	vst v63  }
0x173: {  	_ =	swait.ge [sflag:s9], $0x4000  }
0x174: {  	[sflag:s9] =	ssyncset.done $0x0  }
0x175: {  	[sflag:s9] =	ssyncadd.s32 $0xFFFFC000  }
0x176: {  	[tilespmem:s0], [sflag:$0x1] =	stream.indirect.gather [hbm4b:s24+s31], $0x80, s2, s31, $0xb8;
	[tilespmem:$0x11880] =	vst v63  }
0x177: {  	_ =	swait.ge [sflag:s11], $0x4000  }
0x178: {  	[sflag:s11] =	ssyncset.done $0x0  }
0x179: {  	s26 =	rddreg [dreg:$0x1f];
	[sflag:s11] =	ssyncadd.s32 $0xFFFFC000  }
0x17a: {  	[hbm4b:s26+s16] =	stream.linear.scatter [tilespmem:s3], [sflag:$0x6], $0x4000, $0x38;
	[tilespmem:$0x11880] =	vst v63  }
0x17b: {  	_ =	swait.ge [sflag:s12], $0x4000  }
0x17c: {  	[sflag:s12] =	ssyncset.done $0x0  }
0x17d: {  	[sflag:s12] =	ssyncadd.s32 $0xFFFFC000  }
0x17e: {  	[tilespmem:s3], [sflag:$0x2] =	stream.indirect.gather [hbm4b:s24+s31], $0x80, s4, s31, $0xb8;
	[tilespmem:$0x11880] =	vst v63  }
0x17f: {  	_ =	swait.ge [sflag:s14], $0x4000  }
0x180: {  	s21 =	sld [smem:$0x7E7]  }
0x181: {  	[sflag:s14] =	ssyncset.done $0x0  }
0x182: {  	[sflag:s14] =	ssyncadd.s32 $0xFFFFC000  }
0x183: {  	[hbm4b:s21+s16] =	stream.linear.scatter [tilespmem:s5], [sflag:$0x7], $0x4000, $0x38;
	[tilespmem:$0x11880] =	vst v63  }
0x184: {  	_ =	swait.ge [sflag:s15], $0x4000  }
0x185: {  	[sflag:s15] =	ssyncset.done $0x0  }
0x186: {  	[sflag:s15] =	ssyncadd.s32 $0xFFFFC000  }
0x187: {  	[tilespmem:s5], [sflag:$0x3] =	stream.indirect.gather [hbm4b:s24+s31], $0x80, s6, s31, $0xb8;
	[tilespmem:$0x11880] =	vst v63  }
0x188: {  	_ =	swait.ge [sflag:s17], $0x4000  }
0x189: {  	s26 =	sld [smem:$0x7E8]  }
0x18a: {  	[sflag:s17] =	ssyncset.done $0x0  }
0x18b: {  	[sflag:s17] =	ssyncadd.s32 $0xFFFFC000  }
0x18c: {  	[hbm4b:s26+s16] =	stream.linear.scatter [tilespmem:s7], [sflag:$0x8], $0x4000, $0x38;
	[tilespmem:$0x11880] =	vst v63  }
0x18d: {  	_ =	swait.ge [sflag:s18], $0x4000  }
0x18e: {  	[sflag:s18] =	ssyncset.done $0x0  }
0x18f: {  	[sflag:s18] =	ssyncadd.s32 $0xFFFFC000  }
0x190: {  	[tilespmem:s7], [sflag:$0x4] =	stream.indirect.gather [hbm4b:s24+s31], $0x80, s10, s31, $0xb8;
	[tilespmem:$0x11880] =	vst v63  }
0x191: {  	_ =	swait.ge [sflag:s8], $0x4000  }
0x192: {  	s21 =	sld [smem:$0x7E9]  }
0x193: {  	[sflag:s8] =	ssyncset.done $0x0  }
0x194: {  	[sflag:s8] =	ssyncadd.s32 $0xFFFFC000  }
0x195: {  	[hbm4b:s21+s16] =	stream.linear.scatter [tilespmem:s0], [sflag:$0x5], $0x4000, $0x38;
	[tilespmem:$0x11880] =	vst v63  }
0x196: {  	_ =	swait.ge [sflag:s11], $0x4000  }
0x197: {  	s26 =	sld [smem:$0x7EA]  }
0x198: {  	[sflag:s11] =	ssyncset.done $0x0  }
0x199: {  	[sflag:s11] =	ssyncadd.s32 $0xFFFFC000  }
0x19a: {  	[hbm4b:s26+s16] =	stream.linear.scatter [tilespmem:s3], [sflag:$0x6], $0x4000, $0x38;
	[tilespmem:$0x11880] =	vst v63  }
0x19b: {  	_ =	swait.ge [sflag:s14], $0x4000  }
0x19c: {  	s21 =	sld [smem:$0x7EB]  }
0x19d: {  	[sflag:s14] =	ssyncset.done $0x0  }
0x19e: {  	[sflag:s14] =	ssyncadd.s32 $0xFFFFC000  }
0x19f: {  	[hbm4b:s21+s16] =	stream.linear.scatter [tilespmem:s5], [sflag:$0x7], $0x4000, $0x38;
	[tilespmem:$0x11880] =	vst v63  }
0x1a0: {  	_ =	swait.ge [sflag:s17], $0x4000  }
0x1a1: {  	s26 =	sld [smem:$0x7EC]  }
0x1a2: {  	[sflag:s17] =	ssyncset.done $0x0  }
0x1a3: {  	[sflag:s17] =	ssyncadd.s32 $0xFFFFC000  }
0x1a4: {  	[hbm4b:s26+s16] =	stream.linear.scatter [tilespmem:s7], [sflag:$0x8], $0x4000, $0x38;
	[tilespmem:$0x11880] =	vst v63  }
0x1a5: {  	_ =	swait.ge [sflag:s9], $0x4000  }
0x1a6: {  	[sflag:s9] =	ssyncset.done $0x0  }
0x1a7: {  	[sflag:s9] =	ssyncadd.s32 $0xFFFFC000  }
0x1a8: {  	_ =	swait.ge [sflag:s12], $0x4000  }
0x1a9: {  	[sflag:s12] =	ssyncset.done $0x0  }
0x1aa: {  	[sflag:s12] =	ssyncadd.s32 $0xFFFFC000  }
0x1ab: {  	_ =	swait.ge [sflag:s15], $0x4000  }
0x1ac: {  	[sflag:s15] =	ssyncset.done $0x0  }
0x1ad: {  	[sflag:s15] =	ssyncadd.s32 $0xFFFFC000  }
0x1ae: {  	_ =	swait.ge [sflag:s18], $0x4000  }
0x1af: {  	[sflag:s18] =	ssyncset.done $0x0  }
0x1b0: {  	s21 =	rddreg [dreg:$0xc];
	[sflag:s18] =	ssyncadd.s32 $0xFFFFC000  }
0x1b1: {  	[tilespmem:s16], [sflag:$0x9] =	stream.linear.gather [hbm4b:s21+s16], $0x1000, $0x38;
	[tilespmem:$0x11880] =	vst v63  }
0x1b2: {  	_ =	swait.ge [sflag:s29], $0x1000  }
0x1b3: {  	[sflag:s29] =	ssyncset.done $0x0  }
0x1b4: {  	s26 =	simm.s32 $0x0;
	[sflag:s29] =	ssyncadd.s32 $0xFFFFF000  }
0x1b5: {  	v2 =	vld [tilespmem:s26+$0x0];
	_ =	sdelay $0x4  }
0x1b6: {  	(xrf0) =	vadd.scan.msk.s32 $0xffff, v2;
	_ =	sdelay $0x5  }
0x1b7: {  	v61, _, _ =	vpop (xrf0)  }
0x1b8: {  	v62 =	vxor.u32 $0x80000000, v61  }
0x1b9: {  	v3 =	vmov s16;
	(xrf0) =	vmax.scan.msk.u32 $0xffff, v62  }
0x1ba: {  	v3 =	vadd.s32 $0xFFFFFFFF, v3  }
0x1bb: {  	v3 =	vbroadcast v3, $0x0;
	_ =	sdelay $0x2  }
0x1bc: {  	vm15 =	vgt.s32 v2, $0x0;
	v2 =	vadd.s32 v61, v3  }
0x1bd: {  	v2 =	vsel vm15, v2, v1;
	v3, _, _ =	vpop (xrf0)  }
0x1be: {  	(v2sf) =	vpush v3, $0xF;
	_ =	sdelay $0x2  }
0x1bf: {  	v63 =	vor.u32 s28, v0  }
0x1c0: {  	s20 =	simm.s32 $0x80;
	s21 =	simm.s32 $0x10;
	s26 =	smov.u32 s28;
	[tilespmem:v2+s30+$0x0] =	vst.idx.msk $0xffff, v63  }
.LBB2_6:
0x1c1: {  	p0 =	sne.s32 s20, $0x3FC0;
	v2 =	vld [tilespmem:s21+$0x0];
	_ =	sdelay $0x4  }
0x1c2: {  	vm0 =	vgt.s32 v2, $0x0;
	(xrf0) =	vadd.scan.msk.s32 $0xffff, v2;
	_ =	sdelay $0x4  }
0x1c3: {  	s21 =	spop (v2sf)  }
0x1c4: {  	v2, _, _ =	vpop (xrf0);
	s16 =	sadd.s32 s21, s16  }
0x1c5: {  	v3 =	vxor.u32 $0x80000000, v2;
	s16 =	sadd.s32 $0x80000000, s16  }
0x1c6: {  	v4 =	vmov s16;
	(xrf0) =	vmax.scan.msk.u32 $0xffff, v3  }
0x1c7: {  	v3 =	vadd.s32 $0xFFFFFFFF, v4  }
0x1c8: {  	v3 =	vbroadcast v3, $0x0;
	_ =	sdelay $0x1  }
0x1c9: {  	v2 =	vadd.s32 v2, v3  }
0x1ca: {  	v2 =	vsel vm0, v2, v1  }
0x1cb: {  	v3, _, _ =	vpop (xrf0)  }
.Ltmp2:
0x1cc: {  	(v2sf) =	vpush v3, $0xF;
	(pc) =	sbr.rel @p0 .LBB2_6-.Ltmp2, $4  }
0x1cd: {  	s26 =	sadd.s32 $0x10, s26  }
0x1ce: {  	v3 =	vor.u32 s26, v0  }
0x1cf: {  	[tilespmem:v2+s30+$0x0] =	vst.idx.msk $0xffff, v3  }
0x1d0: {  	s21 =	sshra.s32 s20, $0x2;
	s20 =	sadd.s32 $0x40, s20  }
0x1d1: {  	v2 =	vld [tilespmem:s21+$0x0];
	_ =	sdelay $0x4  }
0x1d2: {  	(xrf0) =	vadd.scan.msk.s32 $0xffff, v2;
	_ =	sdelay $0x5  }
0x1d3: {  	v3, _, _ =	vpop (xrf0)  }
0x1d4: {  	v4 =	vxor.u32 $0x80000000, v3  }
0x1d5: {  	(xrf0) =	vmax.scan.msk.u32 $0xffff, v4  }
0x1d6: {  	s20 =	spop (v2sf)  }
0x1d7: {  	s16 =	sadd.s32 s20, s16  }
0x1d8: {  	s16 =	sadd.s32 $0x80000000, s16  }
0x1d9: {  	v63 =	vmov s16  }
0x1da: {  	v4 =	vadd.s32 $0xFFFFFFFF, v63  }
0x1db: {  	v4 =	vbroadcast v4, $0x0;
	v5, _, _ =	vpop (xrf0)  }
0x1dc: {  	(v2sf) =	vpush v5, $0xF  }
0x1dd: {  	vm0 =	vgt.s32 v2, $0x0;
	v2 =	vadd.s32 v3, v4  }
0x1de: {  	v2 =	vsel vm0, v2, v1;
	_ =	sdelay $0x2  }
0x1df: {  	s20 =	sadd.s32 $0x10, s26  }
0x1e0: {  	v3 =	vor.u32 s20, v0  }
0x1e1: {  	[tilespmem:v2+s30+$0x0] =	vst.idx.msk $0xffff, v3  }
0x1e2: {  	[tilespmem:s0], [sflag:$0x1] =	stream.indirect.gather [hbm4b:s24+s31], $0x80, s30, s31, $0xb8;
	[tilespmem:$0x11880] =	vst v63  }
0x1e3: {  	s21 =	simm.s32 $0x1080  }
0x1e4: {  	[tilespmem:s3], [sflag:$0x2] =	stream.indirect.gather [hbm4b:s24+s31], $0x80, s21, s31, $0xb8;
	[tilespmem:$0x11880] =	vst v63  }
0x1e5: {  	s26 =	simm.s32 $0x1100  }
0x1e6: {  	[tilespmem:s5], [sflag:$0x3] =	stream.indirect.gather [hbm4b:s24+s31], $0x80, s26, s31, $0xb8;
	[tilespmem:$0x11880] =	vst v63  }
0x1e7: {  	s16 =	simm.s32 $0x1180  }
0x1e8: {  	[tilespmem:s7], [sflag:$0x4] =	stream.indirect.gather [hbm4b:s24+s31], $0x80, s16, s31, $0xb8;
	[tilespmem:$0x11880] =	vst v63  }
0x1e9: {  	s20 =	spop (v2sf)  }
0x1ea: {  	_ =	swait.ge [sflag:s8], $0x4000  }
0x1eb: {  	s21 =	sld [smem:$0x7ED]  }
0x1ec: {  	[sflag:s8] =	ssyncset.done $0x0  }
0x1ed: {  	[sflag:s8] =	ssyncadd.s32 $0xFFFFC000  }
0x1ee: {  	[hbm4b:s21+s1] =	stream.linear.scatter [tilespmem:s0], [sflag:$0x5], $0x4000, $0x38;
	[tilespmem:$0x11880] =	vst v63  }
0x1ef: {  	_ =	swait.ge [sflag:s9], $0x4000  }
0x1f0: {  	[sflag:s9] =	ssyncset.done $0x0  }
0x1f1: {  	s26 =	simm.s32 $0x1200;
	[sflag:s9] =	ssyncadd.s32 $0xFFFFC000  }
0x1f2: {  	[tilespmem:s0], [sflag:$0x1] =	stream.indirect.gather [hbm4b:s24+s31], $0x80, s26, s31, $0xb8;
	[tilespmem:$0x11880] =	vst v63  }
0x1f3: {  	_ =	swait.ge [sflag:s11], $0x4000  }
0x1f4: {  	s20 =	sld [smem:$0x7EE]  }
0x1f5: {  	[sflag:s11] =	ssyncset.done $0x0  }
0x1f6: {  	[sflag:s11] =	ssyncadd.s32 $0xFFFFC000  }
0x1f7: {  	[hbm4b:s20+s1] =	stream.linear.scatter [tilespmem:s3], [sflag:$0x6], $0x4000, $0x38;
	[tilespmem:$0x11880] =	vst v63  }
0x1f8: {  	_ =	swait.ge [sflag:s12], $0x4000  }
0x1f9: {  	[sflag:s12] =	ssyncset.done $0x0  }
0x1fa: {  	s21 =	simm.s32 $0x1280;
	[sflag:s12] =	ssyncadd.s32 $0xFFFFC000  }
0x1fb: {  	[tilespmem:s3], [sflag:$0x2] =	stream.indirect.gather [hbm4b:s24+s31], $0x80, s21, s31, $0xb8;
	[tilespmem:$0x11880] =	vst v63  }
0x1fc: {  	_ =	swait.ge [sflag:s14], $0x4000  }
0x1fd: {  	s26 =	sld [smem:$0x7EF]  }
0x1fe: {  	[sflag:s14] =	ssyncset.done $0x0  }
0x1ff: {  	[sflag:s14] =	ssyncadd.s32 $0xFFFFC000  }
0x200: {  	[hbm4b:s26+s1] =	stream.linear.scatter [tilespmem:s5], [sflag:$0x7], $0x4000, $0x38;
	[tilespmem:$0x11880] =	vst v63  }
0x201: {  	_ =	swait.ge [sflag:s15], $0x4000  }
0x202: {  	[sflag:s15] =	ssyncset.done $0x0  }
0x203: {  	s20 =	simm.s32 $0x1300;
	[sflag:s15] =	ssyncadd.s32 $0xFFFFC000  }
0x204: {  	[tilespmem:s5], [sflag:$0x3] =	stream.indirect.gather [hbm4b:s24+s31], $0x80, s20, s31, $0xb8;
	[tilespmem:$0x11880] =	vst v63  }
0x205: {  	_ =	swait.ge [sflag:s17], $0x4000  }
0x206: {  	s21 =	sld [smem:$0x7F0]  }
0x207: {  	[sflag:s17] =	ssyncset.done $0x0  }
0x208: {  	[sflag:s17] =	ssyncadd.s32 $0xFFFFC000  }
0x209: {  	[hbm4b:s21+s1] =	stream.linear.scatter [tilespmem:s7], [sflag:$0x8], $0x4000, $0x38;
	[tilespmem:$0x11880] =	vst v63  }
0x20a: {  	_ =	swait.ge [sflag:s18], $0x4000  }
0x20b: {  	[sflag:s18] =	ssyncset.done $0x0  }
0x20c: {  	s26 =	simm.s32 $0x1380;
	[sflag:s18] =	ssyncadd.s32 $0xFFFFC000  }
0x20d: {  	[tilespmem:s7], [sflag:$0x4] =	stream.indirect.gather [hbm4b:s24+s31], $0x80, s26, s31, $0xb8;
	[tilespmem:$0x11880] =	vst v63  }
0x20e: {  	_ =	swait.ge [sflag:s8], $0x4000  }
0x20f: {  	s20 =	sld [smem:$0x7F1]  }
0x210: {  	[sflag:s8] =	ssyncset.done $0x0  }
0x211: {  	[sflag:s8] =	ssyncadd.s32 $0xFFFFC000  }
0x212: {  	[hbm4b:s20+s1] =	stream.linear.scatter [tilespmem:s0], [sflag:$0x5], $0x4000, $0x38;
	[tilespmem:$0x11880] =	vst v63  }
0x213: {  	_ =	swait.ge [sflag:s9], $0x4000  }
0x214: {  	[sflag:s9] =	ssyncset.done $0x0  }
0x215: {  	s21 =	simm.s32 $0x1400;
	[sflag:s9] =	ssyncadd.s32 $0xFFFFC000  }
0x216: {  	[tilespmem:s0], [sflag:$0x1] =	stream.indirect.gather [hbm4b:s24+s31], $0x80, s21, s31, $0xb8;
	[tilespmem:$0x11880] =	vst v63  }
0x217: {  	_ =	swait.ge [sflag:s11], $0x4000  }
0x218: {  	s26 =	sld [smem:$0x7F2]  }
0x219: {  	[sflag:s11] =	ssyncset.done $0x0  }
0x21a: {  	[sflag:s11] =	ssyncadd.s32 $0xFFFFC000  }
0x21b: {  	[hbm4b:s26+s1] =	stream.linear.scatter [tilespmem:s3], [sflag:$0x6], $0x4000, $0x38;
	[tilespmem:$0x11880] =	vst v63  }
0x21c: {  	_ =	swait.ge [sflag:s12], $0x4000  }
0x21d: {  	[sflag:s12] =	ssyncset.done $0x0  }
0x21e: {  	s20 =	simm.s32 $0x1480;
	[sflag:s12] =	ssyncadd.s32 $0xFFFFC000  }
0x21f: {  	[tilespmem:s3], [sflag:$0x2] =	stream.indirect.gather [hbm4b:s24+s31], $0x80, s20, s31, $0xb8;
	[tilespmem:$0x11880] =	vst v63  }
0x220: {  	_ =	swait.ge [sflag:s14], $0x4000  }
0x221: {  	s21 =	sld [smem:$0x7F3]  }
0x222: {  	[sflag:s14] =	ssyncset.done $0x0  }
0x223: {  	[sflag:s14] =	ssyncadd.s32 $0xFFFFC000  }
0x224: {  	[hbm4b:s21+s1] =	stream.linear.scatter [tilespmem:s5], [sflag:$0x7], $0x4000, $0x38;
	[tilespmem:$0x11880] =	vst v63  }
0x225: {  	_ =	swait.ge [sflag:s15], $0x4000  }
0x226: {  	[sflag:s15] =	ssyncset.done $0x0  }
0x227: {  	[sflag:s15] =	ssyncadd.s32 $0xFFFFC000  }
0x228: {  	[tilespmem:s5], [sflag:$0x3] =	stream.indirect.gather [hbm4b:s24+s31], $0x80, s22, s31, $0xb8;
	[tilespmem:$0x11880] =	vst v63  }
0x229: {  	_ =	swait.ge [sflag:s17], $0x4000  }
0x22a: {  	s26 =	sld [smem:$0x7F4]  }
0x22b: {  	[sflag:s17] =	ssyncset.done $0x0  }
0x22c: {  	[sflag:s17] =	ssyncadd.s32 $0xFFFFC000  }
0x22d: {  	[hbm4b:s26+s1] =	stream.linear.scatter [tilespmem:s7], [sflag:$0x8], $0x4000, $0x38;
	[tilespmem:$0x11880] =	vst v63  }
0x22e: {  	_ =	swait.ge [sflag:s18], $0x4000  }
0x22f: {  	[sflag:s18] =	ssyncset.done $0x0  }
0x230: {  	[sflag:s18] =	ssyncadd.s32 $0xFFFFC000  }
0x231: {  	[tilespmem:s7], [sflag:$0x4] =	stream.indirect.gather [hbm4b:s24+s31], $0x80, s25, s31, $0xb8;
	[tilespmem:$0x11880] =	vst v63  }
0x232: {  	_ =	swait.ge [sflag:s8], $0x4000  }
0x233: {  	s20 =	sld [smem:$0x7F5]  }
0x234: {  	[sflag:s8] =	ssyncset.done $0x0  }
0x235: {  	[sflag:s8] =	ssyncadd.s32 $0xFFFFC000  }
0x236: {  	[hbm4b:s20+s1] =	stream.linear.scatter [tilespmem:s0], [sflag:$0x5], $0x4000, $0x38;
	[tilespmem:$0x11880] =	vst v63  }
0x237: {  	_ =	swait.ge [sflag:s9], $0x4000  }
0x238: {  	[sflag:s9] =	ssyncset.done $0x0  }
0x239: {  	[sflag:s9] =	ssyncadd.s32 $0xFFFFC000  }
0x23a: {  	[tilespmem:s0], [sflag:$0x1] =	stream.indirect.gather [hbm4b:s24+s31], $0x80, s2, s31, $0xb8;
	[tilespmem:$0x11880] =	vst v63  }
0x23b: {  	_ =	swait.ge [sflag:s11], $0x4000  }
0x23c: {  	s21 =	sld [smem:$0x7F6]  }
0x23d: {  	[sflag:s11] =	ssyncset.done $0x0  }
0x23e: {  	[sflag:s11] =	ssyncadd.s32 $0xFFFFC000  }
0x23f: {  	[hbm4b:s21+s1] =	stream.linear.scatter [tilespmem:s3], [sflag:$0x6], $0x4000, $0x38;
	[tilespmem:$0x11880] =	vst v63  }
0x240: {  	_ =	swait.ge [sflag:s12], $0x4000  }
0x241: {  	[sflag:s12] =	ssyncset.done $0x0  }
0x242: {  	[sflag:s12] =	ssyncadd.s32 $0xFFFFC000  }
0x243: {  	[tilespmem:s3], [sflag:$0x2] =	stream.indirect.gather [hbm4b:s24+s31], $0x80, s4, s31, $0xb8;
	[tilespmem:$0x11880] =	vst v63  }
0x244: {  	_ =	swait.ge [sflag:s14], $0x4000  }
0x245: {  	s26 =	sld [smem:$0x7F7]  }
0x246: {  	[sflag:s14] =	ssyncset.done $0x0  }
0x247: {  	[sflag:s14] =	ssyncadd.s32 $0xFFFFC000  }
0x248: {  	[hbm4b:s26+s1] =	stream.linear.scatter [tilespmem:s5], [sflag:$0x7], $0x4000, $0x38;
	[tilespmem:$0x11880] =	vst v63  }
0x249: {  	_ =	swait.ge [sflag:s15], $0x4000  }
0x24a: {  	[sflag:s15] =	ssyncset.done $0x0  }
0x24b: {  	[sflag:s15] =	ssyncadd.s32 $0xFFFFC000  }
0x24c: {  	[tilespmem:s5], [sflag:$0x3] =	stream.indirect.gather [hbm4b:s24+s31], $0x80, s6, s31, $0xb8;
	[tilespmem:$0x11880] =	vst v63  }
0x24d: {  	_ =	swait.ge [sflag:s17], $0x4000  }
0x24e: {  	s20 =	sld [smem:$0x7F8]  }
0x24f: {  	[sflag:s17] =	ssyncset.done $0x0  }
0x250: {  	[sflag:s17] =	ssyncadd.s32 $0xFFFFC000  }
0x251: {  	[hbm4b:s20+s1] =	stream.linear.scatter [tilespmem:s7], [sflag:$0x8], $0x4000, $0x38;
	[tilespmem:$0x11880] =	vst v63  }
0x252: {  	_ =	swait.ge [sflag:s18], $0x4000  }
0x253: {  	[sflag:s18] =	ssyncset.done $0x0  }
0x254: {  	[sflag:s18] =	ssyncadd.s32 $0xFFFFC000  }
0x255: {  	[tilespmem:s7], [sflag:$0x4] =	stream.indirect.gather [hbm4b:s24+s31], $0x80, s10, s31, $0xb8;
	[tilespmem:$0x11880] =	vst v63  }
0x256: {  	_ =	swait.ge [sflag:s8], $0x4000  }
0x257: {  	s21 =	sld [smem:$0x7F9]  }
0x258: {  	[sflag:s8] =	ssyncset.done $0x0  }
0x259: {  	[sflag:s8] =	ssyncadd.s32 $0xFFFFC000  }
0x25a: {  	[hbm4b:s21+s1] =	stream.linear.scatter [tilespmem:s0], [sflag:$0x5], $0x4000, $0x38;
	[tilespmem:$0x11880] =	vst v63  }
0x25b: {  	_ =	swait.ge [sflag:s11], $0x4000  }
0x25c: {  	s26 =	sld [smem:$0x7FA]  }
0x25d: {  	[sflag:s11] =	ssyncset.done $0x0  }
0x25e: {  	[sflag:s11] =	ssyncadd.s32 $0xFFFFC000  }
0x25f: {  	[hbm4b:s26+s1] =	stream.linear.scatter [tilespmem:s3], [sflag:$0x6], $0x4000, $0x38;
	[tilespmem:$0x11880] =	vst v63  }
0x260: {  	_ =	swait.ge [sflag:s14], $0x4000  }
0x261: {  	s20 =	sld [smem:$0x7FB]  }
0x262: {  	[sflag:s14] =	ssyncset.done $0x0  }
0x263: {  	[sflag:s14] =	ssyncadd.s32 $0xFFFFC000  }
0x264: {  	[hbm4b:s20+s1] =	stream.linear.scatter [tilespmem:s5], [sflag:$0x7], $0x4000, $0x38;
	[tilespmem:$0x11880] =	vst v63  }
0x265: {  	_ =	swait.ge [sflag:s17], $0x4000  }
0x266: {  	s21 =	sld [smem:$0x7FC]  }
0x267: {  	[sflag:s17] =	ssyncset.done $0x0  }
0x268: {  	[sflag:s17] =	ssyncadd.s32 $0xFFFFC000  }
0x269: {  	[hbm4b:s21+s1] =	stream.linear.scatter [tilespmem:s7], [sflag:$0x8], $0x4000, $0x38;
	[tilespmem:$0x11880] =	vst v63  }
0x26a: {  	_ =	swait.ge [sflag:s9], $0x4000  }
0x26b: {  	[sflag:s9] =	ssyncset.done $0x0  }
0x26c: {  	[sflag:s9] =	ssyncadd.s32 $0xFFFFC000  }
0x26d: {  	_ =	swait.ge [sflag:s12], $0x4000  }
0x26e: {  	[sflag:s12] =	ssyncset.done $0x0  }
0x26f: {  	[sflag:s12] =	ssyncadd.s32 $0xFFFFC000  }
0x270: {  	_ =	swait.ge [sflag:s15], $0x4000  }
0x271: {  	[sflag:s15] =	ssyncset.done $0x0  }
0x272: {  	[sflag:s15] =	ssyncadd.s32 $0xFFFFC000  }
0x273: {  	_ =	swait.ge [sflag:s18], $0x4000  }
0x274: {  	s26 =	sld [smem:$0x7FD];
	_ =	sdelay $0x1  }
0x275: {  	s13 =	sadd.s32 $0x1, s13  }
0x276: {  	p0 =	sne.s32 s13, s26  }
.Ltmp3:
0x277: {  	_ = 	snop;
	(pc) =	sbr.rel @p0 .LBB2_1-.Ltmp3, $3  }
0x278: {  	_ =	sdelay $0x1  }
0x279: {  	[sflag:s18] =	ssyncset.done $0x0  }
0x27a: {  	[sflag:s18] =	ssyncadd.s32 $0xFFFFC000  }
0x27b: {  	_ =	sfence.sel $0x180000  }
0x27c: {  	[bflag:$0x0] =	sbarrier.arrive $0xFFFF  }
0x27d: {  	_ =	strace $0x90000047  }
0x27e: {  	s0 =	stileid.u32;
	[bflag:$0x2] =	sbarrier.arrive $0xFFFF  }
0x27f: {  	p0 =	sne.s32 s0, $0x0;
	s0 =	rddreg [dreg:$0x2]  }
0x280: {  	s0 =	sadd.s32 @!p0 $0x100000, s0  }
0x281: {  	[sflag:s0] =	ssyncadd.tile.s32 @!p0 $0x1;
	_ =	shalt  }
.Lfunc_end2:
_tile_overlayer_lowered:
.L_overlay_start_2:
0x282: {  	(tag) =	ssettag $0x2  }
0x283: {  	s0 =	rddreg [dreg:$0x0];
	s2 =	stileid.u32  }
0x284: {  	s1 =	rddreg [dreg:$0x1];
	p0 =	sne.s32 s2, $0x0  }
0x285: {  	s3 =	rddreg [dreg:$0x2];
	[bflag:$0x3] =	sbarrier.arrive $0xFFFF;
	s2 =	simm.s32 @!p0 $0x1C09  }
0x286: {  	[timem:s3], [sflag:s2] =	dma.local @!p0 [hbm:s0], s1  }
0x287: {  	s0 =	simm.s32 @!p0 $0x9  }
0x288: {  	_ =	swait.ge @!p0 [sflag:s0], s1  }
0x289: {  	s1 =	ssub.s32 @!p0 $0x0, s1;
	[sflag:s0] =	ssyncset.done @!p0 $0x0  }
0x28a: {  	[sflag:s0] =	ssyncadd.s32 @!p0 s1  }
0x28b: {  	[bflag:$0x3] =	sbarrier.arrive $0xFFFF  }
0x28c: {  	_ =	shalt  }

// kernel: sparse-core-data-format-call.1.cloned.1.call-start
scs
called_computation.1_lowered:
.L_overlay_start_0:
0x0: {  	s2 =	sld [smem:$0x3FD9]  }
0x1: {  	s3 =	sld [smem:$0x3FFE];
	_ =	sdelay $0x1  }
0x2: {  	s1 =	srdreg.scid  }
0x3: {  	s0 =	sand.u32 $0x1, s1  }
0x4: {  	s16 =	sshll.u32 s0, $0xA;
	s2 =	sadd.s32 s3, s2  }
0x5: {  	s2 =	sadd.s32 s2, s16  }
0x6: {  	[smem:$0x3FC2] =	sst s2  }
0x7: {  	_ = 	snop  }
0x8: {  	s2 =	sld [smem:$0x3FD0];
	_ =	sdelay $0x2  }
0x9: {  	s17 =	simm.s32 $0xB;
	s4 =	simm.s32 $0x10  }
0xa: {  	[smem:s4], [sflag:s17] =	dma.local [hbm:s2], $0x1  }
0xb: {  	_ =	swait.eq [sflag:s17], $0x1  }
0xc: {  	[sflag:s17] =	ssyncset.done $0x0  }
0xd: {  	[sflag:s17] =	ssyncadd.s32 $0xFFFFFFFF  }
0xe: {  	s18 =	sld [smem:$0x10];
	(tm) =	ssettm $0x1  }
0xf: {  	s19 =	sld [smem:$0x3FFB];
	_ =	sdelay $0x3  }
0x10: {  	_ =	strace s19  }
0x11: {  	s2 =	sld [smem:$0x3FFC];
	_ =	sdelay $0x3  }
0x12: {  	_ =	strace s2  }
0x13: {  	s2 =	sld [smem:$0x3FFD];
	_ =	sdelay $0x3  }
0x14: {  	_ =	strace s2  }
0x15: {  	_ =	strace $0x8FFFFFFF  }
0x16: {  	s20 =	sld [smem:$0x3FDB];
	_ =	sdelay $0x1  }
0x17: {  	s21 =	simm.s32 $_scs_section_size  }
0x18: {  	s5 =	simm.s32 $_size__tile_overlayer_lowered;
	s6 =	simm.s32 $_tile_overlayer_lowered  }
0x19: {  	s7 =	simm.s32 $0x1BFF;
	s22 =	sshll.u32 s6, $0x1;
	s4 =	sadd.s32 s21, s20  }
0x1a: {  	s23 =	simm.s32 $0x0;
	s5 =	sshll.u32 s5, $0x1;
	s6 =	sadd.s32 s22, s4  }
0x1b: {  	[timem:s23], [sflag:s7] =	dma.local [hbm:s6], s5  }
0x1c: {  	_ =	swait.ge [sflag:s7], s5  }
0x1d: {  	s5 =	ssub.s32 $0x0, s5;
	[sflag:s7] =	ssyncset.done $0x0  }
0x1e: {  	[sflag:s7] =	ssyncadd.s32 s5;
	_ =	sdelay $0x1  }
0x1f: {  	s24 =	simm.s32 $0x1B8B  }
0x20: {  	_ =	swait.ge [sflag:s24], $0x1  }
0x21: {  	[sflag:s24] =	ssyncset.done $0x0  }
0x22: {  	[sflag:s24] =	ssyncadd.s32 $0xFFFFFFFF  }
0x23: {  	s5 =	sld [smem:$0x0]  }
0x24: {  	s6 =	sand.u32 $0xFFFFFFFE, s1  }
0x25: {  	p0 =	sne.s32 s1, s6  }
0x26: {  	s6 =	sshll.u32 @p0 s6, $0xE  }
0x27: {  	s6 =	sadd.s32 @p0 $0x11B8D, s6;
	s7 =	sshll.u32 @p0 s5, $0x11  }
0x28: {  	s6 =	sor.u32 @p0 s7, s6  }
0x29: {  	[sflag:s6] =	ssyncadd.remote.s32 @p0 $0x1;
	_ =	sdelay $0x1  }
0x2a: {  	s6 =	simm.s32 @p0 $0x1B8D  }
0x2b: {  	_ =	swait.eq @p0 [sflag:s6], $0x1  }
0x2c: {  	[sflag:s6] =	ssyncadd.s32 @p0 $0xFFFFFFFF  }
0x2d: {  	s7 =	sshll.u32 @!p0 s1, $0xE  }
0x2e: {  	s7 =	sor.u32 @!p0 $0x4000, s7;
	s6 =	simm.s32 @!p0 $0x1B8D  }
0x2f: {  	s5 =	sshll.u32 @!p0 s5, $0x11;
	s7 =	sadd.s32 @!p0 $0x11B8D, s7;
	_ =	swait.eq @!p0 [sflag:s6], $0x1  }
0x30: {  	s5 =	sor.u32 @!p0 s5, s7;
	[sflag:s6] =	ssyncadd.s32 @!p0 $0xFFFFFFFF  }
0x31: {  	s26 =	simm.s32 $0x1B8E;
	s25 =	sld [smem:$0x3FFE];
	[sflag:s5] =	ssyncadd.remote.s32 @!p0 $0x1  }
0x32: {  	s27 =	simm.s32 $execute0_lowered;
	[smem:$0x3FD2] =	sst s26  }
0x33: {  	s6 =	sshll.u32 s27, $0x1;
	_ =	strace $0x8000004C;
	[dreg:$0x1] =	wrdreg $0xFFFFFFFF  }
0x34: {  	s28 =	simm.s32 $_size_execute0_lowered;
	s4 =	sadd.s32 s4, s6;
	[dreg:$0x0] =	wrdreg $0x0  }
0x35: {  	s6 =	sshll.u32 s28, $0x1;
	[dreg:$0x2] =	wrdreg s4  }
0x36: {  	[dreg:$0x3] =	wrdreg s6  }
0x37: {  	[dreg:$0x4] =	wrdreg $0xC0  }
0x38: {  	_ =	task [dreg:s23], $0x5FFFF  }
0x39: {  	[dreg:$0x1] =	wrdreg $0xFFFFFFFF  }
0x3a: {  	[dreg:$0x0] =	wrdreg $0x60  }
0x3b: {  	[dreg:$0x2] =	wrdreg s25  }
0x3c: {  	[dreg:$0x3] =	wrdreg s18  }
0x3d: {  	[dreg:$0x4] =	wrdreg $0xA  }
0x3e: {  	_ =	task.clear_ibuf [dreg:s23], $0x5FFFF;
	_ =	strace $0x9000004C  }
0x3f: {  	s29 =	simm.s32 $0xA;
	_ =	strace $0x8000004E  }
0x40: {  	_ =	swait.ge [sflag:s29], $0x1  }
0x41: {  	[sflag:s29] =	ssyncadd.s32 $0xFFFFFFFF  }
0x42: {  	_ =	strace $0x9000004E  }
0x43: {  	_ =	sfence  }
0x44: {  	s30 =	sld [smem:$0x0];
	_ =	sdelay $0x2  }
0x45: {  	s31 =	sshll.u32 s1, $0xD;
	s1 =	sshrl.u32 s1, $0x2  }
0x46: {  	s4 =	sand.u32 $0x4000, s31;
	s1 =	sadd.s32 s1, s30  }
0x47: {  	s0 =	sor.u32 s4, s0;
	s1 =	sshll.u32 s1, $0x11  }
0x48: {  	s0 =	sor.u32 s1, s0  }
0x49: {  	s0 =	sadd.s32 $0x8F2B, s0  }
0x4a: {  	[sflag:s0] =	ssyncadd.remote.s32 $0x1  }
0x4b: {  	_ =	sfence.sel $0xFFFF  }
0x4c: {  	[dreg:$0x0] =	wrdreg $0xFFFFFFFF;
	(pc) =	sbr.abs _section_cstart, $3  }
0x4d: {  	[dreg:$0x1] =	wrdreg $0xFFFFFFFF  }
0x4e: {  	_ =	task.clear_ibuf [dreg:s23], $0x2FFFF;
	_ =	strace $0x9FFFFFFF  }
0x4f: {  	(tm) =	ssettm $0x7FFFFFFF  }
tec
execute0_lowered:
.L_overlay_start_1:
0x0: {  	(tag) =	ssettag $0x1  }
0x1: {  	s0 =	stileid.u32  }
0x2: {  	s1 =	srdreg.scid;
	s8 =	rddreg [dreg:$0x0]  }
0x3: {  	s3 =	rddreg [dreg:$0x1];
	s2 =	sshll.u32 s0, $0x4;
	s1 =	sshll.u32 s1, $0x8  }
0x4: {  	s5 =	simm.s32 $0x1;
	s9 =	simm.s32 $0x2;
	s1 =	sor.u32 s2, s1  }
0x5: {  	s15 =	simm.s32 $0x0;
	s10 =	simm.s32 $0x4000;
	s2 =	sand.u32 $0x180, s1  }
0x6: {  	s16 =	simm.s32 $0x0;
	s17 =	simm.s32 $0x0;
	s4 =	ssub.s32 $0x800, s2  }
0x7: {  	s12 =	simm.s32 $0x0;
	s14 =	simm.s32 $0x0;
	s31 =	sand.u32 $0x180, s4  }
0x8: {  	s7 =	sand.u32 $0x7, s0;
	s1 =	rddreg [dreg:$0x2];
	p0 =	sne.s32 s31, $0x0  }
.Ltmp0:
0x9: {  	s6 =	sshrl.u32 s4, $0x9;
	s5 =	simm.s32 @!p0 $0x0;
	(pc) =	sbr.rel .LBB1_1-.Ltmp0, $4  }
0xa: {  	_ =	strace $0x8000004D;
	s4 =	simm.s32 $0x1;
	s5 =	sadd.s32 s5, s6  }
0xb: {  	s13 =	smov.u32 s7;
	[sflag:s4] =	ssyncpa.u1 $0x0;
	s5 =	smul.u32 $0x6, s5  }
0xc: {  	s11 =	smov.u32 s2;
	[sflag:s9] =	ssyncpa.u1 $0x0;
	p0 =	por $0x0, $0x0  }
0xd: {  	s6 =	sadd.s32 $0x601800, s8;
	s8 =	sadd.s32 $0x609800, s8;
	s9 =	sor.u32 $0x1, s5  }
.LBB1_7:
0xe: {  	s18 =	sadd.s32 $0x200, s11  }
0xf: {  	s15 =	sadd.s32 $0x2, s12;
	s19 =	smov.u32 s12;
	p2 =	sgt.s32 s18, $0x7FF  }
0x10: {  	s19 =	smov.u32 @p2 s15  }
0x11: {  	s21 =	smov.u32 s13;
	s15 =	sadd.s32 $0x8, s13;
	p3 =	sgt.s32 s19, $0xB  }
0x12: {  	s21 =	smov.u32 @p3 s15  }
0x13: {  	s18 =	smov.u32 @p2 s2;
	p2 =	sgt.s32 s21, $0x7  }
0x14: {  	p1 =	slt.u32 s14, $0x2;
	s21 =	smov.u32 @p2 s7;
	p2 =	sne.s32 s14, s9  }
.Ltmp1:
0x15: {  	s20 =	simm.s32 @!p1 $0x2;
	(pc) =	sbr.rel @!p2 .LBB1_8-.Ltmp1, $4  }
0x16: {  	s16 =	smov.u32 s12;
	s17 =	smov.u32 s13;
	_ =	swait.ge @!p1 [sflag:s20], $0x4000  }
0x17: {  	p0 =	por !p0, !p0;
	[sflag:s20] =	ssyncset.done @!p1 $0x0;
	s19 =	simm.s32 @p3 $0x0  }
0x18: {  	s15 =	smov.u32 s11;
	[sflag:s20] =	ssyncadd.s32 @!p1 $0xFFFFC000;
	s11 =	smov.u32 s18  }
0x19: {  	s12 =	smov.u32 s19;
	s14 =	sadd.s32 $0x1, s14;
	s13 =	smov.u32 s21  }
.LBB1_1:
0x1a: {  	p1 =	sge.u32 s14, s5  }
0x1b: {  	s18 =	smul.u32 @!p1 $0x60000, s13;
	s19 =	sxor.u32 @!p1 $0xFFFFFFFF, s14  }
0x1c: {  	s20 =	sshll.u32 @!p1 s12, $0xF;
	s22 =	sshll.u32 @!p1 s11, $0x4;
	s23 =	simm.s32 @!p1 $0x40  }
0x1d: {  	s24 =	simm.s32 @!p1 $0x80;
	s19 =	sshll.u32 @!p1 s19, $0xE;
	s21 =	sadd.s32 @!p1 s18, s20  }
0x1e: {  	s22 =	sand.u32 @!p1 $0x7FF0, s22;
	s18 =	sadd.s32 @!p1 s18, s8;
	s21 =	sadd.s32 @!p1 s6, s21  }
0x1f: {  	s19 =	sand.u32 @!p1 $0x4000, s19;
	s18 =	sadd.s32 @!p1 s20, s18;
	s21 =	sadd.s32 @!p1 s22, s21  }
0x20: {  	[tilespmem:s19], [sflag:$0x1] =	stream.strided.gather @!p1 [hbm4b:s21+s23], $0x2000, s24, s23, $0x38;
	[tilespmem:$0x10100] =	vst v63  }
0x21: {  	s31 =	sadd.s32 $0xFFFFFFFF, s14;
	s18 =	sadd.s32 @!p1 s22, s18;
	s19 =	sor.u32 @!p1 $0x2000, s19  }
0x22: {  	[tilespmem:s19], [sflag:$0x1] =	stream.strided.gather @!p1 [hbm4b:s18+s23], $0x2000, s24, s23, $0x38;
	[tilespmem:$0x10100] =	vst v63  }
0x23: {  	p1 =	sge.u32 s31, s5  }
.Ltmp2:
0x24: {  	_ = 	snop;
	(pc) =	sbr.rel @p1 .LBB1_7-.Ltmp2, $1  }
0x25: {  	_ =	sdelay $0x3  }
0x26: {  	s18 =	simm.s32 $0x1;
	s20 =	sand.u32 $0x1, s14  }
0x27: {  	_ =	swait.ge [sflag:s4], $0x4000;
	s18 =	simm.s32 @!p0 $0x0;
	s20 =	smul.u32 $0x10200, s20  }
0x28: {  	p2 =	por $0x1, $0x1;
	[sflag:s4] =	ssyncset.done $0x0;
	s19 =	smul.u32 $0x10200, s18  }
0x29: {  	s21 =	sshll.u32 s18, $0x10;
	[sflag:s4] =	ssyncadd.s32 $0xFFFFC000;
	s30 =	sshrl.u32 s20, $0x2  }
0x2a: {  	s31 =	sshrl.u32 s21, $0x2;
	s21 =	simm.s32 $0x0;
	s19 =	sshrl.u32 s19, $0x2  }
0x2b: {  	s18 =	sor.u32 $0x8000, s30;
	s20 =	sadd.s32 $0x20, s31;
	s19 =	sor.u32 $0x8000, s19  }
.LBB1_3:
0x2c: {  	s22 =	sshll.u32 s21, $0xD  }
0x2d: {  	s22 =	sand.u32 $0x3FFFE000, s22  }
0x2e: {  	s24 =	sadd.s32 s22, s20  }
0x2f: {  	s31 =	smul.u32 $0x8100, s21;
	v3 =	vld [tilespmem:s24+$0x10]  }
0x30: {  	v1 =	vld [tilespmem:s24+$0xFFFFFFF0]  }
0x31: {  	s21 =	sshra.s32 s31, $0x2;
	v0 =	vld [tilespmem:s24+$0x0]  }
0x32: {  	s21 =	sadd.s32 s21, s19;
	v2 =	vld [tilespmem:s24+$0xFFFFFFE0]  }
0x33: {  	s22 =	sadd.s32 $0x0, s21  }
0x34: {  	p1 =	por p2, p2;
	s23 =	simm.s32 $0x4;
	s24 =	sadd.s32 $0x40, s24;
	[tilespmem:s22+$0x1830 ss:$0x81] =	vst.msk $0xffff, v3  }
.LBB1_4:
0x35: {  	v3 =	vld [tilespmem:s24+$0x10];
	p2 =	sne.s32 s23, $0x1FC;
	[tilespmem:s22+$0x810 ss:$0x81] =	vst.msk $0xffff, v1;
	s25 =	smov.u32 s23;
	s23 =	sadd.s32 $0x4, s23  }
.Ltmp3:
0x36: {  	v1 =	vld [tilespmem:s24+$0xFFFFFFF0];
	[tilespmem:s22+$0x1020 ss:$0x81] =	vst.msk $0xffff, v0;
	(pc) =	sbr.rel @p2 .LBB1_4-.Ltmp3, $4  }
0x37: {  	v0 =	vld [tilespmem:s24+$0x0];
	[tilespmem:s22+$0x0 ss:$0x81] =	vst.msk $0xffff, v2  }
0x38: {  	s22 =	sshra.s32 s25, $0x2;
	v2 =	vld [tilespmem:s24+$0xFFFFFFE0]  }
0x39: {  	s22 =	sadd.s32 s22, s21  }
0x3a: {  	s24 =	sadd.s32 $0x40, s24;
	[tilespmem:s22+$0x1830 ss:$0x81] =	vst.msk $0xffff, v3  }
.Ltmp4:
0x3b: {  	(pc) =	sbr.rel @p1 .LBB1_3-.Ltmp4, $4  }
0x3c: {  	_ = 	snop  }
0x3d: {  	[tilespmem:s22+$0x810 ss:$0x81] =	vst.msk $0xffff, v1  }
0x3e: {  	[tilespmem:s22+$0x1020 ss:$0x81] =	vst.msk $0xffff, v0  }
0x3f: {  	s21 =	simm.s32 $0x1;
	p2 =	por $0x0, $0x0;
	[tilespmem:s22+$0x0 ss:$0x81] =	vst.msk $0xffff, v2  }
0x40: {  	s19 =	sshll.u32 s15, $0x3;
	s17 =	smul.u32 $0x30000, s17  }
0x41: {  	s20 =	sand.u32 $0x78, s15;
	s16 =	sshll.u32 s16, $0xE;
	s29 =	sand.u32 $0x3F00, s15  }
.Ltmp5:
0x42: {  	s19 =	sand.u32 $0x400, s19;
	s17 =	sadd.s32 s3, s17;
	(pc) =	sbr.rel .LBB1_7-.Ltmp5, $4  }
0x43: {  	s30 =	sand.u32 $0x7, s15;
	s19 =	sor.u32 s20, s19;
	s16 =	sadd.s32 s16, s17  }
0x44: {  	s15 =	sshll.u32 s30, $0x12;
	s31 =	sshrl.u32 s19, $0x3;
	s16 =	sadd.s32 s29, s16  }
0x45: {  	s15 =	sor.u32 $0x400, s15;
	s16 =	sadd.s32 s31, s16  }
0x46: {  	[hbm4b:s16+s15] =	stream.strided.scatter [tilespmem:s18], [sflag:$0x2], $0x4000, s10, s15, $0x20;
	[tilespmem:$0x10100] =	vst v63  }
.LBB1_8:
0x47: {  	_ =	sfence.sel $0x180000  }
0x48: {  	s2 =	simm.s32 $0x1;
	[bflag:$0x0] =	sbarrier.arrive $0xFFFF  }
0x49: {  	s31 =	simm.s32 $0x2;
	[sflag:s2] =	ssyncpa.u1 $0x1  }
0x4a: {  	[sflag:s31] =	ssyncpa.u1 $0x1  }
0x4b: {  	p0 =	sne.s32 s0, $0x0;
	_ =	strace $0x9000004D  }
0x4c: {  	s0 =	sadd.s32 @!p0 $0x100000, s1;
	[bflag:$0x2] =	sbarrier.arrive $0xFFFF  }
0x4d: {  	[sflag:s0] =	ssyncadd.tile.s32 @!p0 $0x1;
	_ =	shalt  }
.Lfunc_end1:
_tile_overlayer_lowered:
.L_overlay_start_2:
0x4e: {  	(tag) =	ssettag $0x2  }
0x4f: {  	s0 =	rddreg [dreg:$0x0];
	s2 =	stileid.u32  }
0x50: {  	s1 =	rddreg [dreg:$0x1];
	p0 =	sne.s32 s2, $0x0  }
0x51: {  	s3 =	rddreg [dreg:$0x2];
	[bflag:$0x3] =	sbarrier.arrive $0xFFFF;
	s2 =	simm.s32 @!p0 $0x1C01  }
0x52: {  	[timem:s3], [sflag:s2] =	dma.local @!p0 [hbm:s0], s1  }
0x53: {  	s0 =	simm.s32 @!p0 $0x1  }
0x54: {  	_ =	swait.ge @!p0 [sflag:s0], s1  }
0x55: {  	s1 =	ssub.s32 @!p0 $0x0, s1;
	[sflag:s0] =	ssyncset.done @!p0 $0x0  }
0x56: {  	[sflag:s0] =	ssyncadd.s32 @!p0 s1  }
0x57: {  	[bflag:$0x3] =	sbarrier.arrive $0xFFFF  }
0x58: {  	_ =	shalt  }

// kernel: sparse-core-data-format-call.cloned.1.call-start
scs
called_computation_lowered:
.L_overlay_start_0:
0x0: {  	s2 =	sld [smem:$0x3FD9]  }
0x1: {  	s3 =	sld [smem:$0x3FFE];
	_ =	sdelay $0x1  }
0x2: {  	s1 =	srdreg.scid  }
0x3: {  	s0 =	sand.u32 $0x1, s1  }
0x4: {  	s15 =	sshll.u32 s0, $0xA;
	s2 =	sadd.s32 s3, s2  }
0x5: {  	s2 =	sadd.s32 s2, s15  }
0x6: {  	[smem:$0x3FC2] =	sst s2  }
0x7: {  	_ = 	snop  }
0x8: {  	s2 =	sld [smem:$0x3FD0];
	_ =	sdelay $0x2  }
0x9: {  	s16 =	simm.s32 $0xB;
	s4 =	simm.s32 $0x10  }
0xa: {  	[smem:s4], [sflag:s16] =	dma.local [hbm:s2], $0x1  }
0xb: {  	_ =	swait.eq [sflag:s16], $0x1  }
0xc: {  	[sflag:s16] =	ssyncset.done $0x0  }
0xd: {  	[sflag:s16] =	ssyncadd.s32 $0xFFFFFFFF  }
0xe: {  	s17 =	sld [smem:$0x11];
	(tm) =	ssettm $0x1  }
0xf: {  	s18 =	sld [smem:$0x3FFB];
	_ =	sdelay $0x3  }
0x10: {  	_ =	strace s18  }
0x11: {  	s3 =	sld [smem:$0x3FFC];
	_ =	sdelay $0x3  }
0x12: {  	_ =	strace s3  }
0x13: {  	s3 =	sld [smem:$0x3FFD];
	_ =	sdelay $0x3  }
0x14: {  	_ =	strace s3  }
0x15: {  	_ =	strace $0x8FFFFFFF  }
0x16: {  	s19 =	sld [smem:$0x3FDB];
	_ =	sdelay $0x1  }
0x17: {  	s20 =	simm.s32 $_scs_section_size  }
0x18: {  	s5 =	simm.s32 $_size__tile_overlayer_lowered;
	s6 =	simm.s32 $_tile_overlayer_lowered  }
0x19: {  	s23 =	simm.s32 $0x1BFF;
	s22 =	sshll.u32 s6, $0x1;
	s3 =	sadd.s32 s20, s19  }
0x1a: {  	s7 =	simm.s32 $0x0;
	s21 =	sshll.u32 s5, $0x1;
	s5 =	sadd.s32 s22, s3  }
0x1b: {  	[timem:s7], [sflag:s23] =	dma.local [hbm:s5], s21  }
0x1c: {  	_ =	swait.ge [sflag:s23], s21  }
0x1d: {  	s4 =	ssub.s32 $0x0, s21;
	[sflag:s23] =	ssyncset.done $0x0  }
0x1e: {  	[sflag:s23] =	ssyncadd.s32 s4;
	_ =	sdelay $0x1  }
0x1f: {  	s24 =	simm.s32 $0x1B8B  }
0x20: {  	_ =	swait.ge [sflag:s24], $0x1  }
0x21: {  	[sflag:s24] =	ssyncset.done $0x0  }
0x22: {  	s26 =	simm.s32 $0x1B8E;
	s25 =	sld [smem:$0x3FFE];
	[sflag:s24] =	ssyncadd.s32 $0xFFFFFFFF  }
0x23: {  	s27 =	simm.s32 $execute0_lowered;
	[smem:$0x3FD2] =	sst s26  }
0x24: {  	s5 =	sshll.u32 s27, $0x1;
	_ =	strace $0x80000049;
	[dreg:$0x1] =	wrdreg $0xFFFFFFFF  }
0x25: {  	s28 =	simm.s32 $_size_execute0_lowered;
	s3 =	sadd.s32 s3, s5;
	[dreg:$0x0] =	wrdreg $0x0  }
0x26: {  	s5 =	sshll.u32 s28, $0x1;
	[dreg:$0x2] =	wrdreg s3  }
0x27: {  	[dreg:$0x3] =	wrdreg s5  }
0x28: {  	[dreg:$0x4] =	wrdreg $0xC0  }
0x29: {  	_ =	task [dreg:s7], $0x5FFFF  }
0x2a: {  	[dreg:$0x1] =	wrdreg $0xFFFFFFFF  }
0x2b: {  	[dreg:$0x0] =	wrdreg $0x60  }
0x2c: {  	[dreg:$0x2] =	wrdreg s25  }
0x2d: {  	[dreg:$0x3] =	wrdreg s17  }
0x2e: {  	[dreg:$0x4] =	wrdreg $0x9  }
0x2f: {  	_ =	task.clear_ibuf [dreg:s7], $0x5FFFF;
	_ =	strace $0x90000049  }
0x30: {  	s29 =	simm.s32 $0x9;
	_ =	strace $0x8000004B  }
0x31: {  	_ =	swait.ge [sflag:s29], $0x1  }
0x32: {  	[sflag:s29] =	ssyncadd.s32 $0xFFFFFFFF  }
0x33: {  	_ =	strace $0x9000004B  }
0x34: {  	_ =	sfence  }
0x35: {  	s30 =	sld [smem:$0x0];
	_ =	sdelay $0x2  }
0x36: {  	s31 =	sshll.u32 s1, $0xD;
	s1 =	sshrl.u32 s1, $0x2  }
0x37: {  	s3 =	sand.u32 $0x4000, s31;
	s1 =	sadd.s32 s1, s30  }
0x38: {  	s0 =	sor.u32 s3, s0;
	s1 =	sshll.u32 s1, $0x11  }
0x39: {  	s0 =	sor.u32 s1, s0  }
0x3a: {  	s0 =	sadd.s32 $0x8F2B, s0  }
0x3b: {  	[sflag:s0] =	ssyncadd.remote.s32 $0x1  }
0x3c: {  	_ =	sfence.sel $0xFFFF  }
0x3d: {  	[dreg:$0x0] =	wrdreg $0xFFFFFFFF;
	(pc) =	sbr.abs _section_cstart, $3  }
0x3e: {  	[dreg:$0x1] =	wrdreg $0xFFFFFFFF  }
0x3f: {  	_ =	task.clear_ibuf [dreg:s7], $0x2FFFF;
	_ =	strace $0x9FFFFFFF  }
0x40: {  	(tm) =	ssettm $0x7FFFFFFF  }
0x41: {  	_ =	shalt  }
tec
execute0_lowered:
.L_overlay_start_1:
0x0: {  	(tag) =	ssettag $0x1  }
0x1: {  	s0 =	stileid.u32  }
0x2: {  	s1 =	srdreg.scid;
	s8 =	rddreg [dreg:$0x0]  }
0x3: {  	s3 =	rddreg [dreg:$0x1];
	s2 =	sshll.u32 s0, $0x4;
	s1 =	sshll.u32 s1, $0x8  }
0x4: {  	s5 =	simm.s32 $0x1;
	s9 =	simm.s32 $0x2;
	s1 =	sor.u32 s2, s1  }
0x5: {  	s15 =	simm.s32 $0x0;
	s10 =	simm.s32 $0x4000;
	s2 =	sand.u32 $0x180, s1  }
0x6: {  	s16 =	simm.s32 $0x0;
	s17 =	simm.s32 $0x0;
	s4 =	ssub.s32 $0x800, s2  }
0x7: {  	s12 =	simm.s32 $0x0;
	s14 =	simm.s32 $0x0;
	s31 =	sand.u32 $0x180, s4  }
0x8: {  	s7 =	sand.u32 $0x7, s0;
	s1 =	rddreg [dreg:$0x2];
	p0 =	sne.s32 s31, $0x0  }
.Ltmp0:
0x9: {  	s6 =	sshrl.u32 s4, $0x9;
	s5 =	simm.s32 @!p0 $0x0;
	(pc) =	sbr.rel .LBB1_1-.Ltmp0, $4  }
0xa: {  	_ =	strace $0x8000004A;
	s4 =	simm.s32 $0x1;
	s5 =	sadd.s32 s5, s6  }
0xb: {  	s13 =	smov.u32 s7;
	[sflag:s4] =	ssyncpa.u1 $0x0;
	s5 =	smul.u32 $0x6, s5  }
0xc: {  	s11 =	smov.u32 s2;
	[sflag:s9] =	ssyncpa.u1 $0x0;
	p0 =	por $0x0, $0x0  }
0xd: {  	s6 =	sadd.s32 $0x301800, s8;
	s8 =	sadd.s32 $0x309800, s8;
	s9 =	sor.u32 $0x1, s5  }
.LBB1_7:
0xe: {  	s18 =	sadd.s32 $0x200, s11  }
0xf: {  	s15 =	sadd.s32 $0x2, s12;
	s19 =	smov.u32 s12;
	p2 =	sgt.s32 s18, $0x7FF  }
0x10: {  	s19 =	smov.u32 @p2 s15  }
0x11: {  	s21 =	smov.u32 s13;
	s15 =	sadd.s32 $0x8, s13;
	p3 =	sgt.s32 s19, $0xB  }
0x12: {  	s21 =	smov.u32 @p3 s15  }
0x13: {  	s18 =	smov.u32 @p2 s2;
	p2 =	sgt.s32 s21, $0x7  }
0x14: {  	p1 =	slt.u32 s14, $0x2;
	s21 =	smov.u32 @p2 s7;
	p2 =	sne.s32 s14, s9  }
.Ltmp1:
0x15: {  	s20 =	simm.s32 @!p1 $0x2;
	(pc) =	sbr.rel @!p2 .LBB1_8-.Ltmp1, $4  }
0x16: {  	s16 =	smov.u32 s12;
	s17 =	smov.u32 s13;
	_ =	swait.ge @!p1 [sflag:s20], $0x4000  }
0x17: {  	p0 =	por !p0, !p0;
	[sflag:s20] =	ssyncset.done @!p1 $0x0;
	s19 =	simm.s32 @p3 $0x0  }
0x18: {  	s15 =	smov.u32 s11;
	[sflag:s20] =	ssyncadd.s32 @!p1 $0xFFFFC000;
	s11 =	smov.u32 s18  }
0x19: {  	s12 =	smov.u32 s19;
	s14 =	sadd.s32 $0x1, s14;
	s13 =	smov.u32 s21  }
.LBB1_1:
0x1a: {  	p1 =	sge.u32 s14, s5  }
0x1b: {  	s18 =	smul.u32 @!p1 $0x60000, s13;
	s19 =	sxor.u32 @!p1 $0xFFFFFFFF, s14  }
0x1c: {  	s20 =	sshll.u32 @!p1 s12, $0xF;
	s22 =	sshll.u32 @!p1 s11, $0x4;
	s23 =	simm.s32 @!p1 $0x40  }
0x1d: {  	s24 =	simm.s32 @!p1 $0x80;
	s19 =	sshll.u32 @!p1 s19, $0xE;
	s21 =	sadd.s32 @!p1 s18, s20  }
0x1e: {  	s22 =	sand.u32 @!p1 $0x7FF0, s22;
	s18 =	sadd.s32 @!p1 s18, s8;
	s21 =	sadd.s32 @!p1 s6, s21  }
0x1f: {  	s19 =	sand.u32 @!p1 $0x4000, s19;
	s18 =	sadd.s32 @!p1 s20, s18;
	s21 =	sadd.s32 @!p1 s22, s21  }
0x20: {  	[tilespmem:s19], [sflag:$0x1] =	stream.strided.gather @!p1 [hbm4b:s21+s23], $0x2000, s24, s23, $0x38;
	[tilespmem:$0x10100] =	vst v63  }
0x21: {  	s31 =	sadd.s32 $0xFFFFFFFF, s14;
	s18 =	sadd.s32 @!p1 s22, s18;
	s19 =	sor.u32 @!p1 $0x2000, s19  }
0x22: {  	[tilespmem:s19], [sflag:$0x1] =	stream.strided.gather @!p1 [hbm4b:s18+s23], $0x2000, s24, s23, $0x38;
	[tilespmem:$0x10100] =	vst v63  }
0x23: {  	p1 =	sge.u32 s31, s5  }
.Ltmp2:
0x24: {  	_ = 	snop;
	(pc) =	sbr.rel @p1 .LBB1_7-.Ltmp2, $1  }
0x25: {  	_ =	sdelay $0x3  }
0x26: {  	s18 =	simm.s32 $0x1;
	s20 =	sand.u32 $0x1, s14  }
0x27: {  	_ =	swait.ge [sflag:s4], $0x4000;
	s18 =	simm.s32 @!p0 $0x0;
	s20 =	smul.u32 $0x10200, s20  }
0x28: {  	p2 =	por $0x1, $0x1;
	[sflag:s4] =	ssyncset.done $0x0;
	s19 =	smul.u32 $0x10200, s18  }
0x29: {  	s21 =	sshll.u32 s18, $0x10;
	[sflag:s4] =	ssyncadd.s32 $0xFFFFC000;
	s30 =	sshrl.u32 s20, $0x2  }
0x2a: {  	s31 =	sshrl.u32 s21, $0x2;
	s21 =	simm.s32 $0x0;
	s19 =	sshrl.u32 s19, $0x2  }
0x2b: {  	s18 =	sor.u32 $0x8000, s30;
	s20 =	sadd.s32 $0x20, s31;
	s19 =	sor.u32 $0x8000, s19  }
.LBB1_3:
0x2c: {  	s22 =	sshll.u32 s21, $0xD  }
0x2d: {  	s22 =	sand.u32 $0x3FFFE000, s22  }
0x2e: {  	s24 =	sadd.s32 s22, s20  }
0x2f: {  	s31 =	smul.u32 $0x8100, s21;
	v3 =	vld [tilespmem:s24+$0x10]  }
0x30: {  	v1 =	vld [tilespmem:s24+$0xFFFFFFF0]  }
0x31: {  	s21 =	sshra.s32 s31, $0x2;
	v0 =	vld [tilespmem:s24+$0x0]  }
0x32: {  	s21 =	sadd.s32 s21, s19;
	v2 =	vld [tilespmem:s24+$0xFFFFFFE0]  }
0x33: {  	s22 =	sadd.s32 $0x0, s21  }
0x34: {  	p1 =	por p2, p2;
	s23 =	simm.s32 $0x4;
	s24 =	sadd.s32 $0x40, s24;
	[tilespmem:s22+$0x1830 ss:$0x81] =	vst.msk $0xffff, v3  }
.LBB1_4:
0x35: {  	v3 =	vld [tilespmem:s24+$0x10];
	p2 =	sne.s32 s23, $0x1FC;
	[tilespmem:s22+$0x810 ss:$0x81] =	vst.msk $0xffff, v1;
	s25 =	smov.u32 s23;
	s23 =	sadd.s32 $0x4, s23  }
.Ltmp3:
0x36: {  	v1 =	vld [tilespmem:s24+$0xFFFFFFF0];
	[tilespmem:s22+$0x1020 ss:$0x81] =	vst.msk $0xffff, v0;
	(pc) =	sbr.rel @p2 .LBB1_4-.Ltmp3, $4  }
0x37: {  	v0 =	vld [tilespmem:s24+$0x0];
	[tilespmem:s22+$0x0 ss:$0x81] =	vst.msk $0xffff, v2  }
0x38: {  	s22 =	sshra.s32 s25, $0x2;
	v2 =	vld [tilespmem:s24+$0xFFFFFFE0]  }
0x39: {  	s22 =	sadd.s32 s22, s21  }
0x3a: {  	s24 =	sadd.s32 $0x40, s24;
	[tilespmem:s22+$0x1830 ss:$0x81] =	vst.msk $0xffff, v3  }
.Ltmp4:
0x3b: {  	(pc) =	sbr.rel @p1 .LBB1_3-.Ltmp4, $4  }
0x3c: {  	_ = 	snop  }
0x3d: {  	[tilespmem:s22+$0x810 ss:$0x81] =	vst.msk $0xffff, v1  }
0x3e: {  	[tilespmem:s22+$0x1020 ss:$0x81] =	vst.msk $0xffff, v0  }
0x3f: {  	s21 =	simm.s32 $0x1;
	p2 =	por $0x0, $0x0;
	[tilespmem:s22+$0x0 ss:$0x81] =	vst.msk $0xffff, v2  }
0x40: {  	s19 =	sshll.u32 s15, $0x3;
	s17 =	smul.u32 $0x30000, s17  }
0x41: {  	s20 =	sand.u32 $0x78, s15;
	s16 =	sshll.u32 s16, $0xE;
	s29 =	sand.u32 $0x3F00, s15  }
.Ltmp5:
0x42: {  	s19 =	sand.u32 $0x400, s19;
	s17 =	sadd.s32 s3, s17;
	(pc) =	sbr.rel .LBB1_7-.Ltmp5, $4  }
0x43: {  	s30 =	sand.u32 $0x7, s15;
	s19 =	sor.u32 s20, s19;
	s16 =	sadd.s32 s16, s17  }
0x44: {  	s15 =	sshll.u32 s30, $0x12;
	s31 =	sshrl.u32 s19, $0x3;
	s16 =	sadd.s32 s29, s16  }
0x45: {  	s15 =	sor.u32 $0x400, s15;
	s16 =	sadd.s32 s31, s16  }
0x46: {  	[hbm4b:s16+s15] =	stream.strided.scatter [tilespmem:s18], [sflag:$0x2], $0x4000, s10, s15, $0x20;
	[tilespmem:$0x10100] =	vst v63  }
.LBB1_8:
0x47: {  	_ =	sfence.sel $0x180000  }
0x48: {  	s2 =	simm.s32 $0x1;
	[bflag:$0x0] =	sbarrier.arrive $0xFFFF  }
0x49: {  	s31 =	simm.s32 $0x2;
	[sflag:s2] =	ssyncpa.u1 $0x1  }
0x4a: {  	[sflag:s31] =	ssyncpa.u1 $0x1  }
0x4b: {  	p0 =	sne.s32 s0, $0x0;
	_ =	strace $0x9000004A  }
0x4c: {  	s0 =	sadd.s32 @!p0 $0x100000, s1;
	[bflag:$0x2] =	sbarrier.arrive $0xFFFF  }
0x4d: {  	[sflag:s0] =	ssyncadd.tile.s32 @!p0 $0x1;
	_ =	shalt  }
.Lfunc_end1:
_tile_overlayer_lowered:
.L_overlay_start_2:
0x4e: {  	(tag) =	ssettag $0x2  }
0x4f: {  	s0 =	rddreg [dreg:$0x0];
	s2 =	stileid.u32  }
0x50: {  	s1 =	rddreg [dreg:$0x1];
	p0 =	sne.s32 s2, $0x0  }
0x51: {  	s3 =	rddreg [dreg:$0x2];
	[bflag:$0x3] =	sbarrier.arrive $0xFFFF;
	s2 =	simm.s32 @!p0 $0x1C01  }
0x52: {  	[timem:s3], [sflag:s2] =	dma.local @!p0 [hbm:s0], s1  }
0x53: {  	s0 =	simm.s32 @!p0 $0x1  }
0x54: {  	_ =	swait.ge @!p0 [sflag:s0], s1  }
0x55: {  	s1 =	ssub.s32 @!p0 $0x0, s1;
	[sflag:s0] =	ssyncset.done @!p0 $0x0  }
0x56: {  	[sflag:s0] =	ssyncadd.s32 @!p0 s1  }
0x57: {  	[bflag:$0x3] =	sbarrier.arrive $0xFFFF  }
0x58: {  	_ =	shalt  }

</sc_bundles>
